<compile_context>
chip_gen: v7x
topology: tpu7x:2x2x1
jax: 0.10.2.dev20260603
libtpu: 0.0.44.dev20260713+nightly
codegen_flags: <defaults>
</compile_context>

<pallas_src>
import functools

import jax
import jax.numpy as jnp
from jax import lax
from jax.experimental import pallas as pl
from jax.experimental.pallas import tpu as pltpu
from jax.experimental.pallas import tpu_sc as plsc

_N_BLK = 1000
_E_BLK = 4000
_CHUNK_SS = 40
_CHUNK_PG = 80
_UNROLL = 5
_DEG_W = 16



def _mm_body(x_ref, w_ref, o_ref):
    o_ref[...] = jnp.dot(x_ref[...], w_ref[...].T,
                         preferred_element_type=jnp.float32)


def _combine1_body(sp_ref, cnt_ref, xr_ref, b_ref, w_ref, h_ref, t2_ref,
                   ci_ref):
    s = sp_ref[0] + sp_ref[1]
    cnt = cnt_ref[0, :, 0:1] + cnt_ref[1, :, 0:1]
    ci = 1.0 / jnp.maximum(cnt, 1.0)
    h = jnp.maximum(s * ci + b_ref[...] + xr_ref[...], 0.0)
    h_ref[...] = h
    t2_ref[...] = jnp.dot(h, w_ref[...].T, preferred_element_type=jnp.float32)
    ci_ref[...] = ci


def _combine2_body(sp_ref, hr_ref, ci_ref, b_ref, wa_ref, wb_ref,
                   p_ref, q_ref):
    s = sp_ref[0] + sp_ref[1]
    emb = s * ci_ref[...] + b_ref[...] + hr_ref[...]
    p_ref[...] = jnp.dot(emb, wa_ref[...].T, preferred_element_type=jnp.float32)
    q_ref[...] = jnp.dot(emb, wb_ref[...].T, preferred_element_type=jnp.float32)


def _cls_body(pq_ref, ea_ref, wce_ref, c0_ref, w2_ref, b2_ref,
              w3_ref, b3_ref, o_ref):
    z = (pq_ref[...]
         + jnp.dot(ea_ref[...], wce_ref[...].T,
                   preferred_element_type=jnp.float32)
         + c0_ref[...])
    z = jnp.maximum(z, 0.0)
    z2 = jnp.maximum(
        jnp.dot(z, w2_ref[...].T, preferred_element_type=jnp.float32)
        + b2_ref[...], 0.0)
    o_ref[...] = (jnp.sum(z2 * w3_ref[...], axis=1, keepdims=True)
                  + b3_ref[0, 0])


def _mm(x, w, n_blk):
    n, d = x.shape
    h = w.shape[0]
    return pl.pallas_call(
        _mm_body,
        grid=(n // n_blk,),
        in_specs=[pl.BlockSpec((n_blk, d), lambda i: (i, 0)),
                  pl.BlockSpec((h, d), lambda i: (0, 0))],
        out_specs=pl.BlockSpec((n_blk, h), lambda i: (i, 0)),
        out_shape=jax.ShapeDtypeStruct((n, h), jnp.float32),
    )(x, w)



def _sc_segsum(table, src1d, dst1d, zeros, nc, ns, chunk, rpt, unroll):
    nodes_pad, d = zeros.shape
    rows_per_sub = nodes_pad // ns
    per_tile = rpt * chunk
    n_it = rpt // unroll
    mesh = plsc.VectorSubcoreMesh(core_axis_name="c", subcore_axis_name="s")

    blk = unroll * chunk
    scratch = [pltpu.VMEM((blk,), jnp.int32),
               pltpu.VMEM((blk,), jnp.int32)]
    scratch += [pltpu.VMEM((chunk, d), jnp.float32)] * unroll
    scratch += [pltpu.VMEM_SHARED((nodes_pad, d), jnp.float32)]
    scratch += [pltpu.SemaphoreType.DMA] * (2 * unroll)

    @functools.partial(
        pl.kernel, mesh=mesh,
        out_type=jax.ShapeDtypeStruct((nc, nodes_pad, d), jnp.float32),
        scratch_types=scratch)
    def k(table_hbm, src_hbm, dst_hbm, zeros_hbm, out_hbm, *scr):
        src_blk, dst_blk = scr[0], scr[1]
        rows = scr[2:2 + unroll]
        acc_sh = scr[2 + unroll]
        sems = scr[3 + unroll:3 + 2 * unroll]
        sems2 = scr[3 + 2 * unroll:]

        c = lax.axis_index("c")
        s = lax.axis_index("s")
        w = s * nc + c
        tbase = w * per_tile
        pltpu.sync_copy(zeros_hbm.at[pl.ds(s * rows_per_sub, rows_per_sub)],
                        acc_sh.at[pl.ds(s * rows_per_sub, rows_per_sub)])
        plsc.subcore_barrier()

        def body(j, carry):
            base = tbase + j * blk
            pltpu.sync_copy(src_hbm.at[pl.ds(base, blk)], src_blk)
            pltpu.sync_copy(dst_hbm.at[pl.ds(base, blk)], dst_blk)
            cps = []
            for u in range(unroll):
                cps.append(pltpu.async_copy(
                    table_hbm.at[src_blk.at[pl.ds(u * chunk, chunk)]],
                    rows[u], sems[u]))
            adds = []
            for u in range(unroll):
                cps[u].wait()
                adds.append(pltpu.async_copy(
                    rows[u],
                    acc_sh.at[dst_blk.at[pl.ds(u * chunk, chunk)]],
                    sems2[u], add=True))
            for a in adds:
                a.wait()
            return carry

        lax.fori_loop(0, n_it, body, 0)
        plsc.subcore_barrier()
        pltpu.sync_copy(acc_sh.at[pl.ds(s * rows_per_sub, rows_per_sub)],
                        out_hbm.at[c, pl.ds(s * rows_per_sub, rows_per_sub)])

    return k(table, src1d, dst1d, zeros)


def _sc_degree(dst1d, ones, zeros, nc, ns, chunk, rpt):
    nodes_pad, d = zeros.shape
    rows_per_sub = nodes_pad // ns
    per_tile = rpt * chunk
    mesh = plsc.VectorSubcoreMesh(core_axis_name="c", subcore_axis_name="s")

    @functools.partial(
        pl.kernel,
        mesh=mesh,
        out_type=jax.ShapeDtypeStruct((nc, nodes_pad, d), jnp.float32),
        scratch_types=[
            pltpu.VMEM((per_tile,), jnp.int32),
            pltpu.VMEM((chunk, d), jnp.float32),
            pltpu.VMEM_SHARED((nodes_pad, d), jnp.float32),
        ],
    )
    def k(dst_hbm, ones_hbm, zeros_hbm, out_hbm, dst_all, ones_v, acc_sh):
        c = lax.axis_index("c")
        s = lax.axis_index("s")
        w = s * nc + c
        tbase = w * per_tile
        pltpu.sync_copy(dst_hbm.at[pl.ds(tbase, per_tile)], dst_all)
        pltpu.sync_copy(ones_hbm, ones_v)
        pltpu.sync_copy(zeros_hbm.at[pl.ds(s * rows_per_sub, rows_per_sub)],
                        acc_sh.at[pl.ds(s * rows_per_sub, rows_per_sub)])
        plsc.subcore_barrier()

        def body(j, carry):
            pltpu.sync_copy(ones_v, acc_sh.at[dst_all.at[pl.ds(j * chunk, chunk)]],
                            add=True)
            return carry

        lax.fori_loop(0, rpt, body, 0)
        plsc.subcore_barrier()
        pltpu.sync_copy(acc_sh.at[pl.ds(s * rows_per_sub, rows_per_sub)],
                        out_hbm.at[c, pl.ds(s * rows_per_sub, rows_per_sub)])

    return k(dst1d, ones, zeros)


def _sc_pair_gather(p, q, src1d, dst1d, nc, ns, chunk, rpt, unroll):
    nodes, d = p.shape
    e = src1d.shape[0]
    per_tile = rpt * chunk
    n_it = rpt // unroll
    mesh = plsc.VectorSubcoreMesh(core_axis_name="c", subcore_axis_name="s")

    scratch = [pltpu.VMEM((per_tile,), jnp.int32),
               pltpu.VMEM((per_tile,), jnp.int32)]
    scratch += [pltpu.VMEM((chunk, d), jnp.float32)] * unroll
    scratch += [pltpu.SemaphoreType.DMA] * (2 * unroll)

    @functools.partial(
        pl.kernel, mesh=mesh,
        out_type=jax.ShapeDtypeStruct((e, d), jnp.float32),
        scratch_types=scratch)
    def k(p_hbm, q_hbm, src_hbm, dst_hbm, pq_hbm, *scr):
        src_all, dst_all = scr[0], scr[1]
        pq_v = scr[2:2 + unroll]
        sp = scr[2 + unroll:2 + 2 * unroll]
        sq = scr[2 + 2 * unroll:]

        c = lax.axis_index("c")
        s = lax.axis_index("s")
        w = s * nc + c
        tbase = w * per_tile
        pltpu.sync_copy(src_hbm.at[pl.ds(tbase, per_tile)], src_all)
        pltpu.sync_copy(dst_hbm.at[pl.ds(tbase, per_tile)], dst_all)

        def body(j, carry):
            cps = []
            for u in range(unroll):
                off = (j * unroll + u) * chunk
                cps.append(pltpu.async_copy(
                    p_hbm.at[src_all.at[pl.ds(off, chunk)]], pq_v[u], sp[u]))
            adds = []
            for u in range(unroll):
                off = (j * unroll + u) * chunk
                cps[u].wait()
                adds.append(pltpu.async_copy(
                    q_hbm.at[dst_all.at[pl.ds(off, chunk)]], pq_v[u], sq[u],
                    add=True))
            wrs = []
            for u in range(unroll):
                off = (j * unroll + u) * chunk
                adds[u].wait()
                wrs.append(pltpu.async_copy(
                    pq_v[u], pq_hbm.at[pl.ds(tbase + off, chunk)], sp[u]))
            for h in wrs:
                h.wait()
            return carry

        lax.fori_loop(0, n_it, body, 0)

    return k(p, q, src1d, dst1d)



def kernel(x, edge_index, edge_attr, W1l, b1l, W1r, W2l, b2l, W2r,
           Wc1, bc1, gamma, beta, Wc2, bc2, Wc3, bc3):
    n, d = x.shape
    e = edge_index.shape[1]
    h_dim = W1l.shape[0]
    de = edge_attr.shape[1]

    info = plsc.get_sparse_core_info()
    nc, ns = info.num_cores, info.num_subcores
    nw = nc * ns
    chunk_ss = _CHUNK_SS
    chunk_pg = _CHUNK_PG
    rpt_ss = e // (chunk_ss * nw)
    rpt_pg = e // (chunk_pg * nw)
    n_pad = ((n + ns * 8 - 1) // (ns * 8)) * (ns * 8)

    src1d = edge_index[0]
    dst1d = edge_index[1]

    s_bn = 1.0 / jnp.sqrt(jnp.float32(1.0 + 1e-5))
    g = gamma * s_bn
    wa = Wc1[:, :h_dim] * g[:, None]
    wb = Wc1[:, h_dim:2 * h_dim] * g[:, None]
    wce = Wc1[:, 2 * h_dim:] * g[:, None]
    c0 = (bc1 * g + beta).reshape(1, h_dim)
    b1l_r = b1l.reshape(1, h_dim)
    b2l_r = b2l.reshape(1, h_dim)
    bc2_r = bc2.reshape(1, h_dim // 2)
    bc3_r = bc3.reshape(1, 1)

    zeros_h = jnp.zeros((n_pad, h_dim), jnp.float32)
    zeros_d = jnp.zeros((n_pad, _DEG_W), jnp.float32)
    ones_chunk = jnp.ones((chunk_ss, h_dim), jnp.float32)

    t1 = _mm(x, W1l, _N_BLK)
    cntp = _sc_degree(dst1d, ones_chunk, zeros_h, nc, ns, chunk_ss, rpt_ss)
    s1p = _sc_segsum(t1, src1d, dst1d, zeros_h, nc, ns, chunk_ss, rpt_ss,
                     _UNROLL)
    xr = _mm(x, W1r, _N_BLK)

    h, t2, ci = pl.pallas_call(
        _combine1_body,
        grid=(n // _N_BLK,),
        in_specs=[pl.BlockSpec((nc, _N_BLK, h_dim), lambda i: (0, i, 0)),
                  pl.BlockSpec((nc, _N_BLK, h_dim), lambda i: (0, i, 0)),
                  pl.BlockSpec((_N_BLK, h_dim), lambda i: (i, 0)),
                  pl.BlockSpec((1, h_dim), lambda i: (0, 0)),
                  pl.BlockSpec((h_dim, h_dim), lambda i: (0, 0))],
        out_specs=[pl.BlockSpec((_N_BLK, h_dim), lambda i: (i, 0)),
                   pl.BlockSpec((_N_BLK, h_dim), lambda i: (i, 0)),
                   pl.BlockSpec((_N_BLK, 1), lambda i: (i, 0))],
        out_shape=[jax.ShapeDtypeStruct((n, h_dim), jnp.float32),
                   jax.ShapeDtypeStruct((n, h_dim), jnp.float32),
                   jax.ShapeDtypeStruct((n, 1), jnp.float32)],
    )(s1p, cntp, xr, b1l_r, W2l)

    s2p = _sc_segsum(t2, src1d, dst1d, zeros_h, nc, ns, chunk_ss, rpt_ss,
                     _UNROLL)
    hr = _mm(h, W2r, _N_BLK)

    p_tab, q_tab = pl.pallas_call(
        _combine2_body,
        grid=(n // _N_BLK,),
        in_specs=[pl.BlockSpec((nc, _N_BLK, h_dim), lambda i: (0, i, 0)),
                  pl.BlockSpec((_N_BLK, h_dim), lambda i: (i, 0)),
                  pl.BlockSpec((_N_BLK, 1), lambda i: (i, 0)),
                  pl.BlockSpec((1, h_dim), lambda i: (0, 0)),
                  pl.BlockSpec((h_dim, h_dim), lambda i: (0, 0)),
                  pl.BlockSpec((h_dim, h_dim), lambda i: (0, 0))],
        out_specs=[pl.BlockSpec((_N_BLK, h_dim), lambda i: (i, 0)),
                   pl.BlockSpec((_N_BLK, h_dim), lambda i: (i, 0))],
        out_shape=[jax.ShapeDtypeStruct((n, h_dim), jnp.float32),
                   jax.ShapeDtypeStruct((n, h_dim), jnp.float32)],
    )(s2p, hr, ci, b2l_r, wa, wb)

    pq = _sc_pair_gather(p_tab, q_tab, src1d, dst1d,
                         nc, ns, chunk_pg, rpt_pg, _UNROLL)

    logits2d = pl.pallas_call(
        _cls_body,
        grid=(e // _E_BLK,),
        in_specs=[pl.BlockSpec((_E_BLK, h_dim), lambda i: (i, 0)),
                  pl.BlockSpec((_E_BLK, de), lambda i: (i, 0)),
                  pl.BlockSpec((h_dim, de), lambda i: (0, 0)),
                  pl.BlockSpec((1, h_dim), lambda i: (0, 0)),
                  pl.BlockSpec((h_dim // 2, h_dim), lambda i: (0, 0)),
                  pl.BlockSpec((1, h_dim // 2), lambda i: (0, 0)),
                  pl.BlockSpec((1, h_dim // 2), lambda i: (0, 0)),
                  pl.BlockSpec((1, 1), lambda i: (0, 0))],
        out_specs=pl.BlockSpec((_E_BLK, 1), lambda i: (i, 0)),
        out_shape=jax.ShapeDtypeStruct((e, 1), jnp.float32),
    )(pq, edge_attr, wce, c0, Wc2, bc2_r, Wc3, bc3_r)

    return logits2d[:, 0]

# --- scband reference (transcript-rebuilt; emitter-appended) ---
"""Pipeline reference for scband-fraud-gnn-82085414961868 (READ-ONLY COPY).

The authoritative reference and input builder live on the scoring server;
editing this copy changes nothing except your own understanding.
"""

import jax, jax.numpy as jnp
import numpy as np

N = 10000
E = 320000
D = 128
H = 128
DE = 16


def setup_inputs(seed: int = 0) -> dict:
    key = jax.random.key(seed)
    ks = jax.random.split(key, 20)
    inp = {}
    inp["x"] = jax.random.normal(ks[0], (N, D), dtype=jnp.float32)
    inp["edge_index"] = jax.random.randint(ks[1], (2, E), 0, N, dtype=jnp.int32)
    inp["edge_attr"] = jax.random.normal(ks[2], (E, DE), dtype=jnp.float32)
    # SAGEConv1: in_ch=D -> H  (lin_l has bias, lin_r no bias, per PyG default)
    s1 = 1.0 / np.sqrt(D)
    inp["W1l"] = jax.random.normal(ks[3], (H, D), dtype=jnp.float32) * s1
    inp["b1l"] = jnp.zeros((H,), dtype=jnp.float32)
    inp["W1r"] = jax.random.normal(ks[4], (H, D), dtype=jnp.float32) * s1
    # SAGEConv2: H -> H
    s2 = 1.0 / np.sqrt(H)
    inp["W2l"] = jax.random.normal(ks[5], (H, H), dtype=jnp.float32) * s2
    inp["b2l"] = jnp.zeros((H,), dtype=jnp.float32)
    inp["W2r"] = jax.random.normal(ks[6], (H, H), dtype=jnp.float32) * s2
    # Edge classifier MLP: (2H+DE) -> H -> BN -> ReLU -> H//2 -> ReLU -> 1
    cin = 2 * H + DE
    sc1 = 1.0 / np.sqrt(cin)
    inp["Wc1"] = jax.random.normal(ks[7], (H, cin), dtype=jnp.float32) * sc1
    inp["bc1"] = jnp.zeros((H,), dtype=jnp.float32)
    inp["gamma"] = jnp.ones((H,), dtype=jnp.float32)
    inp["beta"] = jnp.zeros((H,), dtype=jnp.float32)
    sc2 = 1.0 / np.sqrt(H)
    inp["Wc2"] = jax.random.normal(ks[8], (H // 2, H), dtype=jnp.float32) * sc2
    inp["bc2"] = jnp.zeros((H // 2,), dtype=jnp.float32)
    sc3 = 1.0 / np.sqrt(H // 2)
    inp["Wc3"] = jax.random.normal(ks[9], (1, H // 2), dtype=jnp.float32) * sc3
    inp["bc3"] = jnp.zeros((1,), dtype=jnp.float32)
    return inp


def reference(x, edge_index, edge_attr, W1l, b1l, W1r, W2l, b2l, W2r,
              Wc1, bc1, gamma, beta, Wc2, bc2, Wc3, bc3):
    src = edge_index[0]
    dst = edge_index[1]

    def sage(h, Wl, bl, Wr):
        # mean aggregation of source messages at destination nodes
        msg = jnp.take(h, src, axis=0)
        agg = jax.ops.segment_sum(msg, dst, num_segments=N)
        cnt = jax.ops.segment_sum(jnp.ones((E,), dtype=h.dtype), dst, num_segments=N)
        agg = agg / jnp.clip(cnt, 1.0, None)[:, None]
        return agg @ Wl.T + bl + h @ Wr.T

    # GraphSAGEEncoder (eval-mode: dropout is identity)
    h = jax.nn.relu(sage(x, W1l, b1l, W1r))
    emb = sage(h, W2l, b2l, W2r)

    # EdgeClassifier
    src_emb = jnp.take(emb, src, axis=0)
    dst_emb = jnp.take(emb, dst, axis=0)
    er = jnp.concatenate([src_emb, dst_emb, edge_attr], axis=1)
    z = er @ Wc1.T + bc1
    # BatchNorm1d eval mode with running_mean=0, running_var=1
    z = (z / jnp.sqrt(1.0 + 1e-5)) * gamma + beta
    z = jax.nn.relu(z)
    z = jax.nn.relu(z @ Wc2.T + bc2)
    logits = (z @ Wc3.T + bc3)[:, 0]
    return logits

if __name__ == "__main__":
    import jax
    _d = setup_inputs()
    print(jax.jit(kernel)(*tuple(_d.values())))

</pallas_src>

<mosaic_0001>
#map = affine_map<(d0, d1) -> (0)>
#map1 = affine_map<(d0, d1) -> (0, 0)>
#map2 = affine_map<(d0, d1) -> (0, 0, 0)>
module attributes {stable_mosaic.version = 14 : i64} {
  func.func @k(%arg0: i32, %arg1: i32, %arg2: memref<320000xi32, #tpu.memory_space<hbm>>, %arg3: memref<40x128xf32, #tpu.memory_space<hbm>>, %arg4: memref<10112x128xf32, #tpu.memory_space<hbm>>, %arg5: memref<2x10112x128xf32, #tpu.memory_space<hbm>>, %arg6: memref<10000xi32, #tpu.memory_space<vmem>>, %arg7: memref<40x128xf32, #tpu.memory_space<vmem>>, %arg8: memref<10112x128xf32, #tpu.memory_space<vmem_shared>>) attributes {dimension_semantics = [#tpu.dimension_semantics<core_parallel>, #tpu.dimension_semantics<subcore_parallel>], iteration_bounds = array<i64: 2, 16>, scalar_prefetch = 0 : i64, scratch_operands = 3 : i64, tpu.core_type = #tpu.core_type<sc_vector_subcore>, window_params = [{transform_indices = #map}, {transform_indices = #map1}, {transform_indices = #map1}, {transform_indices = #map2}]} {
    %mul3A = arith.constant 2 : i32
    %mul3A_0 = arith.muli %arg1, %mul3A : i32
    %add3A = arith.addi %mul3A_0, %arg0 : i32
    %mul3A_1 = arith.constant 10000 : i32
    %mul3A_2 = arith.muli %add3A, %mul3A_1 : i32
    "tpu.region"() ({
      %run_scoped3A = tpu.sem_alloc : memref<!tpu.dma_semaphore, #tpu.memory_space<semaphore_mem>>
      %dma_start3A = tpu.memref_slice %arg2[%mul3A_2] : memref<320000xi32, #tpu.memory_space<hbm>> -> memref<10000xi32, #tpu.memory_space<hbm>>
      %dma_start3A_17 = tpu.memref_slice %arg2[%mul3A_2] : memref<320000xi32, #tpu.memory_space<hbm>> -> memref<10000xi32, #tpu.memory_space<hbm>>
      tpu.enqueue_dma source(%dma_start3A_17 : memref<10000xi32, #tpu.memory_space<hbm>>) target(%arg6 : memref<10000xi32, #tpu.memory_space<vmem>>) target_semaphore(%run_scoped3A : memref<!tpu.dma_semaphore, #tpu.memory_space<semaphore_mem>>)
      %dma_wait3A = tpu.memref_slice %arg2[%mul3A_2] : memref<320000xi32, #tpu.memory_space<hbm>> -> memref<10000xi32, #tpu.memory_space<hbm>>
      %dma_wait3A_18 = tpu.memref_slice %arg2[%mul3A_2] : memref<320000xi32, #tpu.memory_space<hbm>> -> memref<10000xi32, #tpu.memory_space<hbm>>
      tpu.wait_dma2 semaphore(%run_scoped3A : memref<!tpu.dma_semaphore, #tpu.memory_space<semaphore_mem>>) src(%dma_wait3A_18 : memref<10000xi32, #tpu.memory_space<hbm>>) dst(%arg6 : memref<10000xi32, #tpu.memory_space<vmem>>)
      tpu.yield
    }) : () -> ()
    "tpu.region"() ({
      %run_scoped3A = tpu.sem_alloc : memref<!tpu.dma_semaphore, #tpu.memory_space<semaphore_mem>>
      tpu.enqueue_dma source(%arg3 : memref<40x128xf32, #tpu.memory_space<hbm>>) target(%arg7 : memref<40x128xf32, #tpu.memory_space<vmem>>) target_semaphore(%run_scoped3A : memref<!tpu.dma_semaphore, #tpu.memory_space<semaphore_mem>>)
      tpu.wait_dma2 semaphore(%run_scoped3A : memref<!tpu.dma_semaphore, #tpu.memory_space<semaphore_mem>>) src(%arg3 : memref<40x128xf32, #tpu.memory_space<hbm>>) dst(%arg7 : memref<40x128xf32, #tpu.memory_space<vmem>>)
      tpu.yield
    }) : () -> ()
    %mul3A_3 = arith.constant 632 : i32
    %mul3A_4 = arith.muli %arg1, %mul3A_3 : i32
    %mul3A_5 = arith.constant 632 : i32
    %mul3A_6 = arith.muli %arg1, %mul3A_5 : i32
    "tpu.region"() ({
      %run_scoped3A = tpu.sem_alloc : memref<!tpu.dma_semaphore, #tpu.memory_space<semaphore_mem>>
      %dma_start3A = arith.constant 0 : i32
      %dma_start3A_17 = tpu.memref_slice %arg8[%mul3A_6, %dma_start3A] : memref<10112x128xf32, #tpu.memory_space<vmem_shared>> -> memref<632x128xf32, #tpu.memory_space<vmem_shared>>
      %dma_start3A_18 = arith.constant 0 : i32
      %dma_start3A_19 = tpu.memref_slice %arg4[%mul3A_4, %dma_start3A_18] : memref<10112x128xf32, #tpu.memory_space<hbm>> -> memref<632x128xf32, #tpu.memory_space<hbm>>
      tpu.enqueue_dma source(%dma_start3A_19 : memref<632x128xf32, #tpu.memory_space<hbm>>) target(%dma_start3A_17 : memref<632x128xf32, #tpu.memory_space<vmem_shared>>) target_semaphore(%run_scoped3A : memref<!tpu.dma_semaphore, #tpu.memory_space<semaphore_mem>>)
      %dma_wait3A = arith.constant 0 : i32
      %dma_wait3A_20 = tpu.memref_slice %arg8[%mul3A_6, %dma_wait3A] : memref<10112x128xf32, #tpu.memory_space<vmem_shared>> -> memref<632x128xf32, #tpu.memory_space<vmem_shared>>
      %dma_wait3A_21 = arith.constant 0 : i32
      %dma_wait3A_22 = tpu.memref_slice %arg4[%mul3A_4, %dma_wait3A_21] : memref<10112x128xf32, #tpu.memory_space<hbm>> -> memref<632x128xf32, #tpu.memory_space<hbm>>
      tpu.wait_dma2 semaphore(%run_scoped3A : memref<!tpu.dma_semaphore, #tpu.memory_space<semaphore_mem>>) src(%dma_wait3A_22 : memref<632x128xf32, #tpu.memory_space<hbm>>) dst(%dma_wait3A_20 : memref<632x128xf32, #tpu.memory_space<vmem_shared>>)
      tpu.yield
    }) : () -> ()
    %barrier3A = arith.constant 0 : index
    tpu.barrier barrier_id(%barrier3A)
    %scan3A = arith.constant 0 : i32
    %scan3A_7 = arith.constant 0 : i32
    %scan3A_8 = arith.constant 250 : i32
    %scan3A_9 = arith.addi %scan3A_7, %scan3A_8 : i32
    %scan3A_10 = arith.constant 1 : i32
    scf.for %scan3A_17 = %scan3A_7 to %scan3A_9 step %scan3A_10  : i32 {
      %mul3A_18 = arith.constant 40 : i32
      %mul3A_19 = arith.muli %scan3A_17, %mul3A_18 : i32
      "tpu.region"() ({
        %run_scoped3A = tpu.sem_alloc : memref<!tpu.dma_semaphore, #tpu.memory_space<semaphore_mem>>
        %dma_start3A = tpu.memref_slice %arg6[%mul3A_19] : memref<10000xi32, #tpu.memory_space<vmem>> -> memref<40xi32, #tpu.memory_space<vmem>>
        %dma_start3A_20 = arith.constant 0 : i32
        %dma_start3A_21 = arith.constant 0 : i32
        %dma_start3A_22 = tpu.memref_slice %arg8[%dma_start3A_20, %dma_start3A_21] : memref<10112x128xf32, #tpu.memory_space<vmem_shared>> -> memref<10112x128xf32, #tpu.memory_space<vmem_shared>>
        tpu.enqueue_indirect_dma source(%arg7 : memref<40x128xf32, #tpu.memory_space<vmem>>) target(%dma_start3A_22 : memref<10112x128xf32, #tpu.memory_space<vmem_shared>>) offsets(%dma_start3A : memref<40xi32, #tpu.memory_space<vmem>>) semaphore(%run_scoped3A : memref<!tpu.dma_semaphore, #tpu.memory_space<semaphore_mem>>) {add = true}
        %dma_wait3A = tpu.memref_slice %arg6[%mul3A_19] : memref<10000xi32, #tpu.memory_space<vmem>> -> memref<40xi32, #tpu.memory_space<vmem>>
        %dma_wait3A_23 = arith.constant 0 : i32
        %dma_wait3A_24 = arith.constant 0 : i32
        %dma_wait3A_25 = tpu.memref_slice %arg8[%dma_wait3A_23, %dma_wait3A_24] : memref<10112x128xf32, #tpu.memory_space<vmem_shared>> -> memref<10112x128xf32, #tpu.memory_space<vmem_shared>>
        tpu.wait_indirect_dma semaphore(%run_scoped3A : memref<!tpu.dma_semaphore, #tpu.memory_space<semaphore_mem>>) src(%arg7 : memref<40x128xf32, #tpu.memory_space<vmem>>) dst(%dma_wait3A_25 : memref<10112x128xf32, #tpu.memory_space<vmem_shared>>)
        tpu.yield
      }) : () -> ()
    }
    %scan3A_11 = arith.constant 250 : i32
    %barrier3A_12 = arith.constant 0 : index
    tpu.barrier barrier_id(%barrier3A_12)
    %mul3A_13 = arith.constant 632 : i32
    %mul3A_14 = arith.muli %arg1, %mul3A_13 : i32
    %mul3A_15 = arith.constant 632 : i32
    %mul3A_16 = arith.muli %arg1, %mul3A_15 : i32
    "tpu.region"() ({
      %run_scoped3A = tpu.sem_alloc : memref<!tpu.dma_semaphore, #tpu.memory_space<semaphore_mem>>
      %dma_start3A = arith.constant 0 : i32
      %dma_start3A_17 = tpu.memref_slice %arg5[%arg0, %mul3A_16, %dma_start3A] : memref<2x10112x128xf32, #tpu.memory_space<hbm>> -> memref<1x632x128xf32, #tpu.memory_space<hbm>>
      %dma_start3A_18 = tpu.memref_squeeze %dma_start3A_17 : memref<1x632x128xf32, #tpu.memory_space<hbm>> -> memref<632x128xf32, #tpu.memory_space<hbm>>
      %dma_start3A_19 = arith.constant 0 : i32
      %dma_start3A_20 = tpu.memref_slice %arg8[%mul3A_14, %dma_start3A_19] : memref<10112x128xf32, #tpu.memory_space<vmem_shared>> -> memref<632x128xf32, #tpu.memory_space<vmem_shared>>
      tpu.enqueue_dma source(%dma_start3A_20 : memref<632x128xf32, #tpu.memory_space<vmem_shared>>) target(%dma_start3A_18 : memref<632x128xf32, #tpu.memory_space<hbm>>) target_semaphore(%run_scoped3A : memref<!tpu.dma_semaphore, #tpu.memory_space<semaphore_mem>>)
      %dma_wait3A = arith.constant 0 : i32
      %dma_wait3A_21 = tpu.memref_slice %arg5[%arg0, %mul3A_16, %dma_wait3A] : memref<2x10112x128xf32, #tpu.memory_space<hbm>> -> memref<1x632x128xf32, #tpu.memory_space<hbm>>
      %dma_wait3A_22 = tpu.memref_squeeze %dma_wait3A_21 : memref<1x632x128xf32, #tpu.memory_space<hbm>> -> memref<632x128xf32, #tpu.memory_space<hbm>>
      %dma_wait3A_23 = arith.constant 0 : i32
      %dma_wait3A_24 = tpu.memref_slice %arg8[%mul3A_14, %dma_wait3A_23] : memref<10112x128xf32, #tpu.memory_space<vmem_shared>> -> memref<632x128xf32, #tpu.memory_space<vmem_shared>>
      tpu.wait_dma2 semaphore(%run_scoped3A : memref<!tpu.dma_semaphore, #tpu.memory_space<semaphore_mem>>) src(%dma_wait3A_24 : memref<632x128xf32, #tpu.memory_space<vmem_shared>>) dst(%dma_wait3A_22 : memref<632x128xf32, #tpu.memory_space<hbm>>)
      tpu.yield
    }) : () -> ()
    return
  }
}

#map = affine_map<(d0, d1) -> (0, 0)>
#map1 = affine_map<(d0, d1) -> (0)>
#map2 = affine_map<(d0, d1) -> (0, 0, 0)>
module attributes {stable_mosaic.version = 14 : i64} {
  func.func @k(%arg0: i32, %arg1: i32, %arg2: memref<10000x128xf32, #tpu.memory_space<hbm>>, %arg3: memref<320000xi32, #tpu.memory_space<hbm>>, %arg4: memref<320000xi32, #tpu.memory_space<hbm>>, %arg5: memref<10112x128xf32, #tpu.memory_space<hbm>>, %arg6: memref<2x10112x128xf32, #tpu.memory_space<hbm>>, %arg7: memref<200xi32, #tpu.memory_space<vmem>>, %arg8: memref<200xi32, #tpu.memory_space<vmem>>, %arg9: memref<40x128xf32, #tpu.memory_space<vmem>>, %arg10: memref<40x128xf32, #tpu.memory_space<vmem>>, %arg11: memref<40x128xf32, #tpu.memory_space<vmem>>, %arg12: memref<40x128xf32, #tpu.memory_space<vmem>>, %arg13: memref<40x128xf32, #tpu.memory_space<vmem>>, %arg14: memref<10112x128xf32, #tpu.memory_space<vmem_shared>>, %arg15: memref<!tpu.dma_semaphore, #tpu.memory_space<semaphore_mem>>, %arg16: memref<!tpu.dma_semaphore, #tpu.memory_space<semaphore_mem>>, %arg17: memref<!tpu.dma_semaphore, #tpu.memory_space<semaphore_mem>>, %arg18: memref<!tpu.dma_semaphore, #tpu.memory_space<semaphore_mem>>, %arg19: memref<!tpu.dma_semaphore, #tpu.memory_space<semaphore_mem>>, %arg20: memref<!tpu.dma_semaphore, #tpu.memory_space<semaphore_mem>>, %arg21: memref<!tpu.dma_semaphore, #tpu.memory_space<semaphore_mem>>, %arg22: memref<!tpu.dma_semaphore, #tpu.memory_space<semaphore_mem>>, %arg23: memref<!tpu.dma_semaphore, #tpu.memory_space<semaphore_mem>>, %arg24: memref<!tpu.dma_semaphore, #tpu.memory_space<semaphore_mem>>) attributes {dimension_semantics = [#tpu.dimension_semantics<core_parallel>, #tpu.dimension_semantics<subcore_parallel>], iteration_bounds = array<i64: 2, 16>, scalar_prefetch = 0 : i64, scratch_operands = 18 : i64, tpu.core_type = #tpu.core_type<sc_vector_subcore>, window_params = [{transform_indices = #map}, {transform_indices = #map1}, {transform_indices = #map1}, {transform_indices = #map}, {transform_indices = #map2}]} {
    %mul3A = arith.constant 2 : i32
    %mul3A_0 = arith.muli %arg1, %mul3A : i32
    %add3A = arith.addi %mul3A_0, %arg0 : i32
    %mul3A_1 = arith.constant 10000 : i32
    %mul3A_2 = arith.muli %add3A, %mul3A_1 : i32
    %mul3A_3 = arith.constant 632 : i32
    %mul3A_4 = arith.muli %arg1, %mul3A_3 : i32
    %mul3A_5 = arith.constant 632 : i32
    %mul3A_6 = arith.muli %arg1, %mul3A_5 : i32
    "tpu.region"() ({
      %run_scoped3A = tpu.sem_alloc : memref<!tpu.dma_semaphore, #tpu.memory_space<semaphore_mem>>
      %dma_start3A = arith.constant 0 : i32
      %dma_start3A_17 = tpu.memref_slice %arg14[%mul3A_6, %dma_start3A] : memref<10112x128xf32, #tpu.memory_space<vmem_shared>> -> memref<632x128xf32, #tpu.memory_space<vmem_shared>>
      %dma_start3A_18 = arith.constant 0 : i32
      %dma_start3A_19 = tpu.memref_slice %arg5[%mul3A_4, %dma_start3A_18] : memref<10112x128xf32, #tpu.memory_space<hbm>> -> memref<632x128xf32, #tpu.memory_space<hbm>>
      tpu.enqueue_dma source(%dma_start3A_19 : memref<632x128xf32, #tpu.memory_space<hbm>>) target(%dma_start3A_17 : memref<632x128xf32, #tpu.memory_space<vmem_shared>>) target_semaphore(%run_scoped3A : memref<!tpu.dma_semaphore, #tpu.memory_space<semaphore_mem>>)
      %dma_wait3A = arith.constant 0 : i32
      %dma_wait3A_20 = tpu.memref_slice %arg14[%mul3A_6, %dma_wait3A] : memref<10112x128xf32, #tpu.memory_space<vmem_shared>> -> memref<632x128xf32, #tpu.memory_space<vmem_shared>>
      %dma_wait3A_21 = arith.constant 0 : i32
      %dma_wait3A_22 = tpu.memref_slice %arg5[%mul3A_4, %dma_wait3A_21] : memref<10112x128xf32, #tpu.memory_space<hbm>> -> memref<632x128xf32, #tpu.memory_space<hbm>>
      tpu.wait_dma2 semaphore(%run_scoped3A : memref<!tpu.dma_semaphore, #tpu.memory_space<semaphore_mem>>) src(%dma_wait3A_22 : memref<632x128xf32, #tpu.memory_space<hbm>>) dst(%dma_wait3A_20 : memref<632x128xf32, #tpu.memory_space<vmem_shared>>)
      tpu.yield
    }) : () -> ()
    %barrier3A = arith.constant 0 : index
    tpu.barrier barrier_id(%barrier3A)
    %scan3A = arith.constant 0 : i32
    %scan3A_7 = arith.constant 0 : i32
    %scan3A_8 = arith.constant 50 : i32
    %scan3A_9 = arith.addi %scan3A_7, %scan3A_8 : i32
    %scan3A_10 = arith.constant 1 : i32
    scf.for %scan3A_17 = %scan3A_7 to %scan3A_9 step %scan3A_10  : i32 {
      %mul3A_18 = arith.constant 200 : i32
      %mul3A_19 = arith.muli %scan3A_17, %mul3A_18 : i32
      %add3A_20 = arith.addi %mul3A_2, %mul3A_19 : i32
      "tpu.region"() ({
        %run_scoped3A = tpu.sem_alloc : memref<!tpu.dma_semaphore, #tpu.memory_space<semaphore_mem>>
        %dma_start3A_119 = tpu.memref_slice %arg3[%add3A_20] : memref<320000xi32, #tpu.memory_space<hbm>> -> memref<200xi32, #tpu.memory_space<hbm>>
        %dma_start3A_120 = tpu.memref_slice %arg3[%add3A_20] : memref<320000xi32, #tpu.memory_space<hbm>> -> memref<200xi32, #tpu.memory_space<hbm>>
        tpu.enqueue_dma source(%dma_start3A_120 : memref<200xi32, #tpu.memory_space<hbm>>) target(%arg7 : memref<200xi32, #tpu.memory_space<vmem>>) target_semaphore(%run_scoped3A : memref<!tpu.dma_semaphore, #tpu.memory_space<semaphore_mem>>)
        %dma_wait3A_121 = tpu.memref_slice %arg3[%add3A_20] : memref<320000xi32, #tpu.memory_space<hbm>> -> memref<200xi32, #tpu.memory_space<hbm>>
        %dma_wait3A_122 = tpu.memref_slice %arg3[%add3A_20] : memref<320000xi32, #tpu.memory_space<hbm>> -> memref<200xi32, #tpu.memory_space<hbm>>
        tpu.wait_dma2 semaphore(%run_scoped3A : memref<!tpu.dma_semaphore, #tpu.memory_space<semaphore_mem>>) src(%dma_wait3A_122 : memref<200xi32, #tpu.memory_space<hbm>>) dst(%arg7 : memref<200xi32, #tpu.memory_space<vmem>>)
        tpu.yield
      }) : () -> ()
      "tpu.region"() ({
        %run_scoped3A = tpu.sem_alloc : memref<!tpu.dma_semaphore, #tpu.memory_space<semaphore_mem>>
        %dma_start3A_119 = tpu.memref_slice %arg4[%add3A_20] : memref<320000xi32, #tpu.memory_space<hbm>> -> memref<200xi32, #tpu.memory_space<hbm>>
        %dma_start3A_120 = tpu.memref_slice %arg4[%add3A_20] : memref<320000xi32, #tpu.memory_space<hbm>> -> memref<200xi32, #tpu.memory_space<hbm>>
        tpu.enqueue_dma source(%dma_start3A_120 : memref<200xi32, #tpu.memory_space<hbm>>) target(%arg8 : memref<200xi32, #tpu.memory_space<vmem>>) target_semaphore(%run_scoped3A : memref<!tpu.dma_semaphore, #tpu.memory_space<semaphore_mem>>)
        %dma_wait3A_121 = tpu.memref_slice %arg4[%add3A_20] : memref<320000xi32, #tpu.memory_space<hbm>> -> memref<200xi32, #tpu.memory_space<hbm>>
        %dma_wait3A_122 = tpu.memref_slice %arg4[%add3A_20] : memref<320000xi32, #tpu.memory_space<hbm>> -> memref<200xi32, #tpu.memory_space<hbm>>
        tpu.wait_dma2 semaphore(%run_scoped3A : memref<!tpu.dma_semaphore, #tpu.memory_space<semaphore_mem>>) src(%dma_wait3A_122 : memref<200xi32, #tpu.memory_space<hbm>>) dst(%arg8 : memref<200xi32, #tpu.memory_space<vmem>>)
        tpu.yield
      }) : () -> ()
      %dma_start3A = arith.constant 0 : i32
      %dma_start3A_21 = tpu.memref_slice %arg7[%dma_start3A] : memref<200xi32, #tpu.memory_space<vmem>> -> memref<40xi32, #tpu.memory_space<vmem>>
      %dma_start3A_22 = arith.constant 0 : i32
      %dma_start3A_23 = arith.constant 0 : i32
      %dma_start3A_24 = tpu.memref_slice %arg2[%dma_start3A_22, %dma_start3A_23] : memref<10000x128xf32, #tpu.memory_space<hbm>> -> memref<10000x128xf32, #tpu.memory_space<hbm>>
      tpu.enqueue_indirect_dma source(%dma_start3A_24 : memref<10000x128xf32, #tpu.memory_space<hbm>>) target(%arg9 : memref<40x128xf32, #tpu.memory_space<vmem>>) offsets(%dma_start3A_21 : memref<40xi32, #tpu.memory_space<vmem>>) semaphore(%arg15 : memref<!tpu.dma_semaphore, #tpu.memory_space<semaphore_mem>>)
      %dma_start3A_25 = arith.constant 40 : i32
      %dma_start3A_26 = tpu.memref_slice %arg7[%dma_start3A_25] : memref<200xi32, #tpu.memory_space<vmem>> -> memref<40xi32, #tpu.memory_space<vmem>>
      %dma_start3A_27 = arith.constant 0 : i32
      %dma_start3A_28 = arith.constant 0 : i32
      %dma_start3A_29 = tpu.memref_slice %arg2[%dma_start3A_27, %dma_start3A_28] : memref<10000x128xf32, #tpu.memory_space<hbm>> -> memref<10000x128xf32, #tpu.memory_space<hbm>>
      tpu.enqueue_indirect_dma source(%dma_start3A_29 : memref<10000x128xf32, #tpu.memory_space<hbm>>) target(%arg10 : memref<40x128xf32, #tpu.memory_space<vmem>>) offsets(%dma_start3A_26 : memref<40xi32, #tpu.memory_space<vmem>>) semaphore(%arg16 : memref<!tpu.dma_semaphore, #tpu.memory_space<semaphore_mem>>)
      %dma_start3A_30 = arith.constant 80 : i32
      %dma_start3A_31 = tpu.memref_slice %arg7[%dma_start3A_30] : memref<200xi32, #tpu.memory_space<vmem>> -> memref<40xi32, #tpu.memory_space<vmem>>
      %dma_start3A_32 = arith.constant 0 : i32
      %dma_start3A_33 = arith.constant 0 : i32
      %dma_start3A_34 = tpu.memref_slice %arg2[%dma_start3A_32, %dma_start3A_33] : memref<10000x128xf32, #tpu.memory_space<hbm>> -> memref<10000x128xf32, #tpu.memory_space<hbm>>
      tpu.enqueue_indirect_dma source(%dma_start3A_34 : memref<10000x128xf32, #tpu.memory_space<hbm>>) target(%arg11 : memref<40x128xf32, #tpu.memory_space<vmem>>) offsets(%dma_start3A_31 : memref<40xi32, #tpu.memory_space<vmem>>) semaphore(%arg17 : memref<!tpu.dma_semaphore, #tpu.memory_space<semaphore_mem>>)
      %dma_start3A_35 = arith.constant 120 : i32
      %dma_start3A_36 = tpu.memref_slice %arg7[%dma_start3A_35] : memref<200xi32, #tpu.memory_space<vmem>> -> memref<40xi32, #tpu.memory_space<vmem>>
      %dma_start3A_37 = arith.constant 0 : i32
      %dma_start3A_38 = arith.constant 0 : i32
      %dma_start3A_39 = tpu.memref_slice %arg2[%dma_start3A_37, %dma_start3A_38] : memref<10000x128xf32, #tpu.memory_space<hbm>> -> memref<10000x128xf32, #tpu.memory_space<hbm>>
      tpu.enqueue_indirect_dma source(%dma_start3A_39 : memref<10000x128xf32, #tpu.memory_space<hbm>>) target(%arg12 : memref<40x128xf32, #tpu.memory_space<vmem>>) offsets(%dma_start3A_36 : memref<40xi32, #tpu.memory_space<vmem>>) semaphore(%arg18 : memref<!tpu.dma_semaphore, #tpu.memory_space<semaphore_mem>>)
      %dma_start3A_40 = arith.constant 160 : i32
      %dma_start3A_41 = tpu.memref_slice %arg7[%dma_start3A_40] : memref<200xi32, #tpu.memory_space<vmem>> -> memref<40xi32, #tpu.memory_space<vmem>>
      %dma_start3A_42 = arith.constant 0 : i32
      %dma_start3A_43 = arith.constant 0 : i32
      %dma_start3A_44 = tpu.memref_slice %arg2[%dma_start3A_42, %dma_start3A_43] : memref<10000x128xf32, #tpu.memory_space<hbm>> -> memref<10000x128xf32, #tpu.memory_space<hbm>>
      tpu.enqueue_indirect_dma source(%dma_start3A_44 : memref<10000x128xf32, #tpu.memory_space<hbm>>) target(%arg13 : memref<40x128xf32, #tpu.memory_space<vmem>>) offsets(%dma_start3A_41 : memref<40xi32, #tpu.memory_space<vmem>>) semaphore(%arg19 : memref<!tpu.dma_semaphore, #tpu.memory_space<semaphore_mem>>)
      %dma_wait3A = arith.constant 0 : i32
      %dma_wait3A_45 = tpu.memref_slice %arg7[%dma_wait3A] : memref<200xi32, #tpu.memory_space<vmem>> -> memref<40xi32, #tpu.memory_space<vmem>>
      %dma_wait3A_46 = arith.constant 0 : i32
      %dma_wait3A_47 = arith.constant 0 : i32
      %dma_wait3A_48 = tpu.memref_slice %arg2[%dma_wait3A_46, %dma_wait3A_47] : memref<10000x128xf32, #tpu.memory_space<hbm>> -> memref<10000x128xf32, #tpu.memory_space<hbm>>
      tpu.wait_indirect_dma semaphore(%arg15 : memref<!tpu.dma_semaphore, #tpu.memory_space<semaphore_mem>>) src(%dma_wait3A_48 : memref<10000x128xf32, #tpu.memory_space<hbm>>) dst(%arg9 : memref<40x128xf32, #tpu.memory_space<vmem>>)
      %dma_start3A_49 = arith.constant 0 : i32
      %dma_start3A_50 = tpu.memref_slice %arg8[%dma_start3A_49] : memref<200xi32, #tpu.memory_space<vmem>> -> memref<40xi32, #tpu.memory_space<vmem>>
      %dma_start3A_51 = arith.constant 0 : i32
      %dma_start3A_52 = arith.constant 0 : i32
      %dma_start3A_53 = tpu.memref_slice %arg14[%dma_start3A_51, %dma_start3A_52] : memref<10112x128xf32, #tpu.memory_space<vmem_shared>> -> memref<10112x128xf32, #tpu.memory_space<vmem_shared>>
      tpu.enqueue_indirect_dma source(%arg9 : memref<40x128xf32, #tpu.memory_space<vmem>>) target(%dma_start3A_53 : memref<10112x128xf32, #tpu.memory_space<vmem_shared>>) offsets(%dma_start3A_50 : memref<40xi32, #tpu.memory_space<vmem>>) semaphore(%arg20 : memref<!tpu.dma_semaphore, #tpu.memory_space<semaphore_mem>>) {add = true}
      %dma_wait3A_54 = arith.constant 40 : i32
      %dma_wait3A_55 = tpu.memref_slice %arg7[%dma_wait3A_54] : memref<200xi32, #tpu.memory_space<vmem>> -> memref<40xi32, #tpu.memory_space<vmem>>
      %dma_wait3A_56 = arith.constant 0 : i32
      %dma_wait3A_57 = arith.constant 0 : i32
      %dma_wait3A_58 = tpu.memref_slice %arg2[%dma_wait3A_56, %dma_wait3A_57] : memref<10000x128xf32, #tpu.memory_space<hbm>> -> memref<10000x128xf32, #tpu.memory_space<hbm>>
      tpu.wait_indirect_dma semaphore(%arg16 : memref<!tpu.dma_semaphore, #tpu.memory_space<semaphore_mem>>) src(%dma_wait3A_58 : memref<10000x128xf32, #tpu.memory_space<hbm>>) dst(%arg10 : memref<40x128xf32, #tpu.memory_space<vmem>>)
      %dma_start3A_59 = arith.constant 40 : i32
      %dma_start3A_60 = tpu.memref_slice %arg8[%dma_start3A_59] : memref<200xi32, #tpu.memory_space<vmem>> -> memref<40xi32, #tpu.memory_space<vmem>>
      %dma_start3A_61 = arith.constant 0 : i32
      %dma_start3A_62 = arith.constant 0 : i32
      %dma_start3A_63 = tpu.memref_slice %arg14[%dma_start3A_61, %dma_start3A_62] : memref<10112x128xf32, #tpu.memory_space<vmem_shared>> -> memref<10112x128xf32, #tpu.memory_space<vmem_shared>>
      tpu.enqueue_indirect_dma source(%arg10 : memref<40x128xf32, #tpu.memory_space<vmem>>) target(%dma_start3A_63 : memref<10112x128xf32, #tpu.memory_space<vmem_shared>>) offsets(%dma_start3A_60 : memref<40xi32, #tpu.memory_space<vmem>>) semaphore(%arg21 : memref<!tpu.dma_semaphore, #tpu.memory_space<semaphore_mem>>) {add = true}
      %dma_wait3A_64 = arith.constant 80 : i32
      %dma_wait3A_65 = tpu.memref_slice %arg7[%dma_wait3A_64] : memref<200xi32, #tpu.memory_space<vmem>> -> memref<40xi32, #tpu.memory_space<vmem>>
      %dma_wait3A_66 = arith.constant 0 : i32
      %dma_wait3A_67 = arith.constant 0 : i32
      %dma_wait3A_68 = tpu.memref_slice %arg2[%dma_wait3A_66, %dma_wait3A_67] : memref<10000x128xf32, #tpu.memory_space<hbm>> -> memref<10000x128xf32, #tpu.memory_space<hbm>>
      tpu.wait_indirect_dma semaphore(%arg17 : memref<!tpu.dma_semaphore, #tpu.memory_space<semaphore_mem>>) src(%dma_wait3A_68 : memref<10000x128xf32, #tpu.memory_space<hbm>>) dst(%arg11 : memref<40x128xf32, #tpu.memory_space<vmem>>)
      %dma_start3A_69 = arith.constant 80 : i32
      %dma_start3A_70 = tpu.memref_slice %arg8[%dma_start3A_69] : memref<200xi32, #tpu.memory_space<vmem>> -> memref<40xi32, #tpu.memory_space<vmem>>
      %dma_start3A_71 = arith.constant 0 : i32
      %dma_start3A_72 = arith.constant 0 : i32
      %dma_start3A_73 = tpu.memref_slice %arg14[%dma_start3A_71, %dma_start3A_72] : memref<10112x128xf32, #tpu.memory_space<vmem_shared>> -> memref<10112x128xf32, #tpu.memory_space<vmem_shared>>
      tpu.enqueue_indirect_dma source(%arg11 : memref<40x128xf32, #tpu.memory_space<vmem>>) target(%dma_start3A_73 : memref<10112x128xf32, #tpu.memory_space<vmem_shared>>) offsets(%dma_start3A_70 : memref<40xi32, #tpu.memory_space<vmem>>) semaphore(%arg22 : memref<!tpu.dma_semaphore, #tpu.memory_space<semaphore_mem>>) {add = true}
      %dma_wait3A_74 = arith.constant 120 : i32
      %dma_wait3A_75 = tpu.memref_slice %arg7[%dma_wait3A_74] : memref<200xi32, #tpu.memory_space<vmem>> -> memref<40xi32, #tpu.memory_space<vmem>>
      %dma_wait3A_76 = arith.constant 0 : i32
      %dma_wait3A_77 = arith.constant 0 : i32
      %dma_wait3A_78 = tpu.memref_slice %arg2[%dma_wait3A_76, %dma_wait3A_77] : memref<10000x128xf32, #tpu.memory_space<hbm>> -> memref<10000x128xf32, #tpu.memory_space<hbm>>
      tpu.wait_indirect_dma semaphore(%arg18 : memref<!tpu.dma_semaphore, #tpu.memory_space<semaphore_mem>>) src(%dma_wait3A_78 : memref<10000x128xf32, #tpu.memory_space<hbm>>) dst(%arg12 : memref<40x128xf32, #tpu.memory_space<vmem>>)
      %dma_start3A_79 = arith.constant 120 : i32
      %dma_start3A_80 = tpu.memref_slice %arg8[%dma_start3A_79] : memref<200xi32, #tpu.memory_space<vmem>> -> memref<40xi32, #tpu.memory_space<vmem>>
      %dma_start3A_81 = arith.constant 0 : i32
      %dma_start3A_82 = arith.constant 0 : i32
      %dma_start3A_83 = tpu.memref_slice %arg14[%dma_start3A_81, %dma_start3A_82] : memref<10112x128xf32, #tpu.memory_space<vmem_shared>> -> memref<10112x128xf32, #tpu.memory_space<vmem_shared>>
      tpu.enqueue_indirect_dma source(%arg12 : memref<40x128xf32, #tpu.memory_space<vmem>>) target(%dma_start3A_83 : memref<10112x128xf32, #tpu.memory_space<vmem_shared>>) offsets(%dma_start3A_80 : memref<40xi32, #tpu.memory_space<vmem>>) semaphore(%arg23 : memref<!tpu.dma_semaphore, #tpu.memory_space<semaphore_mem>>) {add = true}
      %dma_wait3A_84 = arith.constant 160 : i32
      %dma_wait3A_85 = tpu.memref_slice %arg7[%dma_wait3A_84] : memref<200xi32, #tpu.memory_space<vmem>> -> memref<40xi32, #tpu.memory_space<vmem>>
      %dma_wait3A_86 = arith.constant 0 : i32
      %dma_wait3A_87 = arith.constant 0 : i32
      %dma_wait3A_88 = tpu.memref_slice %arg2[%dma_wait3A_86, %dma_wait3A_87] : memref<10000x128xf32, #tpu.memory_space<hbm>> -> memref<10000x128xf32, #tpu.memory_space<hbm>>
      tpu.wait_indirect_dma semaphore(%arg19 : memref<!tpu.dma_semaphore, #tpu.memory_space<semaphore_mem>>) src(%dma_wait3A_88 : memref<10000x128xf32, #tpu.memory_space<hbm>>) dst(%arg13 : memref<40x128xf32, #tpu.memory_space<vmem>>)
      %dma_start3A_89 = arith.constant 160 : i32
      %dma_start3A_90 = tpu.memref_slice %arg8[%dma_start3A_89] : memref<200xi32, #tpu.memory_space<vmem>> -> memref<40xi32, #tpu.memory_space<vmem>>
      %dma_start3A_91 = arith.constant 0 : i32
      %dma_start3A_92 = arith.constant 0 : i32
      %dma_start3A_93 = tpu.memref_slice %arg14[%dma_start3A_91, %dma_start3A_92] : memref<10112x128xf32, #tpu.memory_space<vmem_shared>> -> memref<10112x128xf32, #tpu.memory_space<vmem_shared>>
      tpu.enqueue_indirect_dma source(%arg13 : memref<40x128xf32, #tpu.memory_space<vmem>>) target(%dma_start3A_93 : memref<10112x128xf32, #tpu.memory_space<vmem_shared>>) offsets(%dma_start3A_90 : memref<40xi32, #tpu.memory_space<vmem>>) semaphore(%arg24 : memref<!tpu.dma_semaphore, #tpu.memory_space<semaphore_mem>>) {add = true}
      %dma_wait3A_94 = arith.constant 0 : i32
      %dma_wait3A_95 = tpu.memref_slice %arg8[%dma_wait3A_94] : memref<200xi32, #tpu.memory_space<vmem>> -> memref<40xi32, #tpu.memory_space<vmem>>
      %dma_wait3A_96 = arith.constant 0 : i32
      %dma_wait3A_97 = arith.constant 0 : i32
      %dma_wait3A_98 = tpu.memref_slice %arg14[%dma_wait3A_96, %dma_wait3A_97] : memref<10112x128xf32, #tpu.memory_space<vmem_shared>> -> memref<10112x128xf32, #tpu.memory_space<vmem_shared>>
      tpu.wait_indirect_dma semaphore(%arg20 : memref<!tpu.dma_semaphore, #tpu.memory_space<semaphore_mem>>) src(%arg9 : memref<40x128xf32, #tpu.memory_space<vmem>>) dst(%dma_wait3A_98 : memref<10112x128xf32, #tpu.memory_space<vmem_shared>>)
      %dma_wait3A_99 = arith.constant 40 : i32
      %dma_wait3A_100 = tpu.memref_slice %arg8[%dma_wait3A_99] : memref<200xi32, #tpu.memory_space<vmem>> -> memref<40xi32, #tpu.memory_space<vmem>>
      %dma_wait3A_101 = arith.constant 0 : i32
      %dma_wait3A_102 = arith.constant 0 : i32
      %dma_wait3A_103 = tpu.memref_slice %arg14[%dma_wait3A_101, %dma_wait3A_102] : memref<10112x128xf32, #tpu.memory_space<vmem_shared>> -> memref<10112x128xf32, #tpu.memory_space<vmem_shared>>
      tpu.wait_indirect_dma semaphore(%arg21 : memref<!tpu.dma_semaphore, #tpu.memory_space<semaphore_mem>>) src(%arg10 : memref<40x128xf32, #tpu.memory_space<vmem>>) dst(%dma_wait3A_103 : memref<10112x128xf32, #tpu.memory_space<vmem_shared>>)
      %dma_wait3A_104 = arith.constant 80 : i32
      %dma_wait3A_105 = tpu.memref_slice %arg8[%dma_wait3A_104] : memref<200xi32, #tpu.memory_space<vmem>> -> memref<40xi32, #tpu.memory_space<vmem>>
      %dma_wait3A_106 = arith.constant 0 : i32
      %dma_wait3A_107 = arith.constant 0 : i32
      %dma_wait3A_108 = tpu.memref_slice %arg14[%dma_wait3A_106, %dma_wait3A_107] : memref<10112x128xf32, #tpu.memory_space<vmem_shared>> -> memref<10112x128xf32, #tpu.memory_space<vmem_shared>>
      tpu.wait_indirect_dma semaphore(%arg22 : memref<!tpu.dma_semaphore, #tpu.memory_space<semaphore_mem>>) src(%arg11 : memref<40x128xf32, #tpu.memory_space<vmem>>) dst(%dma_wait3A_108 : memref<10112x128xf32, #tpu.memory_space<vmem_shared>>)
      %dma_wait3A_109 = arith.constant 120 : i32
      %dma_wait3A_110 = tpu.memref_slice %arg8[%dma_wait3A_109] : memref<200xi32, #tpu.memory_space<vmem>> -> memref<40xi32, #tpu.memory_space<vmem>>
      %dma_wait3A_111 = arith.constant 0 : i32
      %dma_wait3A_112 = arith.constant 0 : i32
      %dma_wait3A_113 = tpu.memref_slice %arg14[%dma_wait3A_111, %dma_wait3A_112] : memref<10112x128xf32, #tpu.memory_space<vmem_shared>> -> memref<10112x128xf32, #tpu.memory_space<vmem_shared>>
      tpu.wait_indirect_dma semaphore(%arg23 : memref<!tpu.dma_semaphore, #tpu.memory_space<semaphore_mem>>) src(%arg12 : memref<40x128xf32, #tpu.memory_space<vmem>>) dst(%dma_wait3A_113 : memref<10112x128xf32, #tpu.memory_space<vmem_shared>>)
      %dma_wait3A_114 = arith.constant 160 : i32
      %dma_wait3A_115 = tpu.memref_slice %arg8[%dma_wait3A_114] : memref<200xi32, #tpu.memory_space<vmem>> -> memref<40xi32, #tpu.memory_space<vmem>>
      %dma_wait3A_116 = arith.constant 0 : i32
      %dma_wait3A_117 = arith.constant 0 : i32
      %dma_wait3A_118 = tpu.memref_slice %arg14[%dma_wait3A_116, %dma_wait3A_117] : memref<10112x128xf32, #tpu.memory_space<vmem_shared>> -> memref<10112x128xf32, #tpu.memory_space<vmem_shared>>
      tpu.wait_indirect_dma semaphore(%arg24 : memref<!tpu.dma_semaphore, #tpu.memory_space<semaphore_mem>>) src(%arg13 : memref<40x128xf32, #tpu.memory_space<vmem>>) dst(%dma_wait3A_118 : memref<10112x128xf32, #tpu.memory_space<vmem_shared>>)
    }
    %scan3A_11 = arith.constant 50 : i32
    %barrier3A_12 = arith.constant 0 : index
    tpu.barrier barrier_id(%barrier3A_12)
    %mul3A_13 = arith.constant 632 : i32
    %mul3A_14 = arith.muli %arg1, %mul3A_13 : i32
    %mul3A_15 = arith.constant 632 : i32
    %mul3A_16 = arith.muli %arg1, %mul3A_15 : i32
    "tpu.region"() ({
      %run_scoped3A = tpu.sem_alloc : memref<!tpu.dma_semaphore, #tpu.memory_space<semaphore_mem>>
      %dma_start3A = arith.constant 0 : i32
      %dma_start3A_17 = tpu.memref_slice %arg6[%arg0, %mul3A_16, %dma_start3A] : memref<2x10112x128xf32, #tpu.memory_space<hbm>> -> memref<1x632x128xf32, #tpu.memory_space<hbm>>
      %dma_start3A_18 = tpu.memref_squeeze %dma_start3A_17 : memref<1x632x128xf32, #tpu.memory_space<hbm>> -> memref<632x128xf32, #tpu.memory_space<hbm>>
      %dma_start3A_19 = arith.constant 0 : i32
      %dma_start3A_20 = tpu.memref_slice %arg14[%mul3A_14, %dma_start3A_19] : memref<10112x128xf32, #tpu.memory_space<vmem_shared>> -> memref<632x128xf32, #tpu.memory_space<vmem_shared>>
      tpu.enqueue_dma source(%dma_start3A_20 : memref<632x128xf32, #tpu.memory_space<vmem_shared>>) target(%dma_start3A_18 : memref<632x128xf32, #tpu.memory_space<hbm>>) target_semaphore(%run_scoped3A : memref<!tpu.dma_semaphore, #tpu.memory_space<semaphore_mem>>)
      %dma_wait3A = arith.constant 0 : i32
      %dma_wait3A_21 = tpu.memref_slice %arg6[%arg0, %mul3A_16, %dma_wait3A] : memref<2x10112x128xf32, #tpu.memory_space<hbm>> -> memref<1x632x128xf32, #tpu.memory_space<hbm>>
      %dma_wait3A_22 = tpu.memref_squeeze %dma_wait3A_21 : memref<1x632x128xf32, #tpu.memory_space<hbm>> -> memref<632x128xf32, #tpu.memory_space<hbm>>
      %dma_wait3A_23 = arith.constant 0 : i32
      %dma_wait3A_24 = tpu.memref_slice %arg14[%mul3A_14, %dma_wait3A_23] : memref<10112x128xf32, #tpu.memory_space<vmem_shared>> -> memref<632x128xf32, #tpu.memory_space<vmem_shared>>
      tpu.wait_dma2 semaphore(%run_scoped3A : memref<!tpu.dma_semaphore, #tpu.memory_space<semaphore_mem>>) src(%dma_wait3A_24 : memref<632x128xf32, #tpu.memory_space<vmem_shared>>) dst(%dma_wait3A_22 : memref<632x128xf32, #tpu.memory_space<hbm>>)
      tpu.yield
    }) : () -> ()
    return
  }
}

#map = affine_map<(d0, d1) -> (0, 0)>
#map1 = affine_map<(d0, d1) -> (0)>
#map2 = affine_map<(d0, d1) -> (0, 0, 0)>
module attributes {stable_mosaic.version = 14 : i64} {
  func.func @k(%arg0: i32, %arg1: i32, %arg2: memref<10000x128xf32, #tpu.memory_space<hbm>>, %arg3: memref<320000xi32, #tpu.memory_space<hbm>>, %arg4: memref<320000xi32, #tpu.memory_space<hbm>>, %arg5: memref<10112x128xf32, #tpu.memory_space<hbm>>, %arg6: memref<2x10112x128xf32, #tpu.memory_space<hbm>>, %arg7: memref<200xi32, #tpu.memory_space<vmem>>, %arg8: memref<200xi32, #tpu.memory_space<vmem>>, %arg9: memref<40x128xf32, #tpu.memory_space<vmem>>, %arg10: memref<40x128xf32, #tpu.memory_space<vmem>>, %arg11: memref<40x128xf32, #tpu.memory_space<vmem>>, %arg12: memref<40x128xf32, #tpu.memory_space<vmem>>, %arg13: memref<40x128xf32, #tpu.memory_space<vmem>>, %arg14: memref<10112x128xf32, #tpu.memory_space<vmem_shared>>, %arg15: memref<!tpu.dma_semaphore, #tpu.memory_space<semaphore_mem>>, %arg16: memref<!tpu.dma_semaphore, #tpu.memory_space<semaphore_mem>>, %arg17: memref<!tpu.dma_semaphore, #tpu.memory_space<semaphore_mem>>, %arg18: memref<!tpu.dma_semaphore, #tpu.memory_space<semaphore_mem>>, %arg19: memref<!tpu.dma_semaphore, #tpu.memory_space<semaphore_mem>>, %arg20: memref<!tpu.dma_semaphore, #tpu.memory_space<semaphore_mem>>, %arg21: memref<!tpu.dma_semaphore, #tpu.memory_space<semaphore_mem>>, %arg22: memref<!tpu.dma_semaphore, #tpu.memory_space<semaphore_mem>>, %arg23: memref<!tpu.dma_semaphore, #tpu.memory_space<semaphore_mem>>, %arg24: memref<!tpu.dma_semaphore, #tpu.memory_space<semaphore_mem>>) attributes {dimension_semantics = [#tpu.dimension_semantics<core_parallel>, #tpu.dimension_semantics<subcore_parallel>], iteration_bounds = array<i64: 2, 16>, scalar_prefetch = 0 : i64, scratch_operands = 18 : i64, tpu.core_type = #tpu.core_type<sc_vector_subcore>, window_params = [{transform_indices = #map}, {transform_indices = #map1}, {transform_indices = #map1}, {transform_indices = #map}, {transform_indices = #map2}]} {
    %mul3A = arith.constant 2 : i32
    %mul3A_0 = arith.muli %arg1, %mul3A : i32
    %add3A = arith.addi %mul3A_0, %arg0 : i32
    %mul3A_1 = arith.constant 10000 : i32
    %mul3A_2 = arith.muli %add3A, %mul3A_1 : i32
    %mul3A_3 = arith.constant 632 : i32
    %mul3A_4 = arith.muli %arg1, %mul3A_3 : i32
    %mul3A_5 = arith.constant 632 : i32
    %mul3A_6 = arith.muli %arg1, %mul3A_5 : i32
    "tpu.region"() ({
      %run_scoped3A = tpu.sem_alloc : memref<!tpu.dma_semaphore, #tpu.memory_space<semaphore_mem>>
      %dma_start3A = arith.constant 0 : i32
      %dma_start3A_17 = tpu.memref_slice %arg14[%mul3A_6, %dma_start3A] : memref<10112x128xf32, #tpu.memory_space<vmem_shared>> -> memref<632x128xf32, #tpu.memory_space<vmem_shared>>
      %dma_start3A_18 = arith.constant 0 : i32
      %dma_start3A_19 = tpu.memref_slice %arg5[%mul3A_4, %dma_start3A_18] : memref<10112x128xf32, #tpu.memory_space<hbm>> -> memref<632x128xf32, #tpu.memory_space<hbm>>
      tpu.enqueue_dma source(%dma_start3A_19 : memref<632x128xf32, #tpu.memory_space<hbm>>) target(%dma_start3A_17 : memref<632x128xf32, #tpu.memory_space<vmem_shared>>) target_semaphore(%run_scoped3A : memref<!tpu.dma_semaphore, #tpu.memory_space<semaphore_mem>>)
      %dma_wait3A = arith.constant 0 : i32
      %dma_wait3A_20 = tpu.memref_slice %arg14[%mul3A_6, %dma_wait3A] : memref<10112x128xf32, #tpu.memory_space<vmem_shared>> -> memref<632x128xf32, #tpu.memory_space<vmem_shared>>
      %dma_wait3A_21 = arith.constant 0 : i32
      %dma_wait3A_22 = tpu.memref_slice %arg5[%mul3A_4, %dma_wait3A_21] : memref<10112x128xf32, #tpu.memory_space<hbm>> -> memref<632x128xf32, #tpu.memory_space<hbm>>
      tpu.wait_dma2 semaphore(%run_scoped3A : memref<!tpu.dma_semaphore, #tpu.memory_space<semaphore_mem>>) src(%dma_wait3A_22 : memref<632x128xf32, #tpu.memory_space<hbm>>) dst(%dma_wait3A_20 : memref<632x128xf32, #tpu.memory_space<vmem_shared>>)
      tpu.yield
    }) : () -> ()
    %barrier3A = arith.constant 0 : index
    tpu.barrier barrier_id(%barrier3A)
    %scan3A = arith.constant 0 : i32
    %scan3A_7 = arith.constant 0 : i32
    %scan3A_8 = arith.constant 50 : i32
    %scan3A_9 = arith.addi %scan3A_7, %scan3A_8 : i32
    %scan3A_10 = arith.constant 1 : i32
    scf.for %scan3A_17 = %scan3A_7 to %scan3A_9 step %scan3A_10  : i32 {
      %mul3A_18 = arith.constant 200 : i32
      %mul3A_19 = arith.muli %scan3A_17, %mul3A_18 : i32
      %add3A_20 = arith.addi %mul3A_2, %mul3A_19 : i32
      "tpu.region"() ({
        %run_scoped3A = tpu.sem_alloc : memref<!tpu.dma_semaphore, #tpu.memory_space<semaphore_mem>>
        %dma_start3A_119 = tpu.memref_slice %arg3[%add3A_20] : memref<320000xi32, #tpu.memory_space<hbm>> -> memref<200xi32, #tpu.memory_space<hbm>>
        %dma_start3A_120 = tpu.memref_slice %arg3[%add3A_20] : memref<320000xi32, #tpu.memory_space<hbm>> -> memref<200xi32, #tpu.memory_space<hbm>>
        tpu.enqueue_dma source(%dma_start3A_120 : memref<200xi32, #tpu.memory_space<hbm>>) target(%arg7 : memref<200xi32, #tpu.memory_space<vmem>>) target_semaphore(%run_scoped3A : memref<!tpu.dma_semaphore, #tpu.memory_space<semaphore_mem>>)
        %dma_wait3A_121 = tpu.memref_slice %arg3[%add3A_20] : memref<320000xi32, #tpu.memory_space<hbm>> -> memref<200xi32, #tpu.memory_space<hbm>>
        %dma_wait3A_122 = tpu.memref_slice %arg3[%add3A_20] : memref<320000xi32, #tpu.memory_space<hbm>> -> memref<200xi32, #tpu.memory_space<hbm>>
        tpu.wait_dma2 semaphore(%run_scoped3A : memref<!tpu.dma_semaphore, #tpu.memory_space<semaphore_mem>>) src(%dma_wait3A_122 : memref<200xi32, #tpu.memory_space<hbm>>) dst(%arg7 : memref<200xi32, #tpu.memory_space<vmem>>)
        tpu.yield
      }) : () -> ()
      "tpu.region"() ({
        %run_scoped3A = tpu.sem_alloc : memref<!tpu.dma_semaphore, #tpu.memory_space<semaphore_mem>>
        %dma_start3A_119 = tpu.memref_slice %arg4[%add3A_20] : memref<320000xi32, #tpu.memory_space<hbm>> -> memref<200xi32, #tpu.memory_space<hbm>>
        %dma_start3A_120 = tpu.memref_slice %arg4[%add3A_20] : memref<320000xi32, #tpu.memory_space<hbm>> -> memref<200xi32, #tpu.memory_space<hbm>>
        tpu.enqueue_dma source(%dma_start3A_120 : memref<200xi32, #tpu.memory_space<hbm>>) target(%arg8 : memref<200xi32, #tpu.memory_space<vmem>>) target_semaphore(%run_scoped3A : memref<!tpu.dma_semaphore, #tpu.memory_space<semaphore_mem>>)
        %dma_wait3A_121 = tpu.memref_slice %arg4[%add3A_20] : memref<320000xi32, #tpu.memory_space<hbm>> -> memref<200xi32, #tpu.memory_space<hbm>>
        %dma_wait3A_122 = tpu.memref_slice %arg4[%add3A_20] : memref<320000xi32, #tpu.memory_space<hbm>> -> memref<200xi32, #tpu.memory_space<hbm>>
        tpu.wait_dma2 semaphore(%run_scoped3A : memref<!tpu.dma_semaphore, #tpu.memory_space<semaphore_mem>>) src(%dma_wait3A_122 : memref<200xi32, #tpu.memory_space<hbm>>) dst(%arg8 : memref<200xi32, #tpu.memory_space<vmem>>)
        tpu.yield
      }) : () -> ()
      %dma_start3A = arith.constant 0 : i32
      %dma_start3A_21 = tpu.memref_slice %arg7[%dma_start3A] : memref<200xi32, #tpu.memory_space<vmem>> -> memref<40xi32, #tpu.memory_space<vmem>>
      %dma_start3A_22 = arith.constant 0 : i32
      %dma_start3A_23 = arith.constant 0 : i32
      %dma_start3A_24 = tpu.memref_slice %arg2[%dma_start3A_22, %dma_start3A_23] : memref<10000x128xf32, #tpu.memory_space<hbm>> -> memref<10000x128xf32, #tpu.memory_space<hbm>>
      tpu.enqueue_indirect_dma source(%dma_start3A_24 : memref<10000x128xf32, #tpu.memory_space<hbm>>) target(%arg9 : memref<40x128xf32, #tpu.memory_space<vmem>>) offsets(%dma_start3A_21 : memref<40xi32, #tpu.memory_space<vmem>>) semaphore(%arg15 : memref<!tpu.dma_semaphore, #tpu.memory_space<semaphore_mem>>)
      %dma_start3A_25 = arith.constant 40 : i32
      %dma_start3A_26 = tpu.memref_slice %arg7[%dma_start3A_25] : memref<200xi32, #tpu.memory_space<vmem>> -> memref<40xi32, #tpu.memory_space<vmem>>
      %dma_start3A_27 = arith.constant 0 : i32
      %dma_start3A_28 = arith.constant 0 : i32
      %dma_start3A_29 = tpu.memref_slice %arg2[%dma_start3A_27, %dma_start3A_28] : memref<10000x128xf32, #tpu.memory_space<hbm>> -> memref<10000x128xf32, #tpu.memory_space<hbm>>
      tpu.enqueue_indirect_dma source(%dma_start3A_29 : memref<10000x128xf32, #tpu.memory_space<hbm>>) target(%arg10 : memref<40x128xf32, #tpu.memory_space<vmem>>) offsets(%dma_start3A_26 : memref<40xi32, #tpu.memory_space<vmem>>) semaphore(%arg16 : memref<!tpu.dma_semaphore, #tpu.memory_space<semaphore_mem>>)
      %dma_start3A_30 = arith.constant 80 : i32
      %dma_start3A_31 = tpu.memref_slice %arg7[%dma_start3A_30] : memref<200xi32, #tpu.memory_space<vmem>> -> memref<40xi32, #tpu.memory_space<vmem>>
      %dma_start3A_32 = arith.constant 0 : i32
      %dma_start3A_33 = arith.constant 0 : i32
      %dma_start3A_34 = tpu.memref_slice %arg2[%dma_start3A_32, %dma_start3A_33] : memref<10000x128xf32, #tpu.memory_space<hbm>> -> memref<10000x128xf32, #tpu.memory_space<hbm>>
      tpu.enqueue_indirect_dma source(%dma_start3A_34 : memref<10000x128xf32, #tpu.memory_space<hbm>>) target(%arg11 : memref<40x128xf32, #tpu.memory_space<vmem>>) offsets(%dma_start3A_31 : memref<40xi32, #tpu.memory_space<vmem>>) semaphore(%arg17 : memref<!tpu.dma_semaphore, #tpu.memory_space<semaphore_mem>>)
      %dma_start3A_35 = arith.constant 120 : i32
      %dma_start3A_36 = tpu.memref_slice %arg7[%dma_start3A_35] : memref<200xi32, #tpu.memory_space<vmem>> -> memref<40xi32, #tpu.memory_space<vmem>>
      %dma_start3A_37 = arith.constant 0 : i32
      %dma_start3A_38 = arith.constant 0 : i32
      %dma_start3A_39 = tpu.memref_slice %arg2[%dma_start3A_37, %dma_start3A_38] : memref<10000x128xf32, #tpu.memory_space<hbm>> -> memref<10000x128xf32, #tpu.memory_space<hbm>>
      tpu.enqueue_indirect_dma source(%dma_start3A_39 : memref<10000x128xf32, #tpu.memory_space<hbm>>) target(%arg12 : memref<40x128xf32, #tpu.memory_space<vmem>>) offsets(%dma_start3A_36 : memref<40xi32, #tpu.memory_space<vmem>>) semaphore(%arg18 : memref<!tpu.dma_semaphore, #tpu.memory_space<semaphore_mem>>)
      %dma_start3A_40 = arith.constant 160 : i32
      %dma_start3A_41 = tpu.memref_slice %arg7[%dma_start3A_40] : memref<200xi32, #tpu.memory_space<vmem>> -> memref<40xi32, #tpu.memory_space<vmem>>
      %dma_start3A_42 = arith.constant 0 : i32
      %dma_start3A_43 = arith.constant 0 : i32
      %dma_start3A_44 = tpu.memref_slice %arg2[%dma_start3A_42, %dma_start3A_43] : memref<10000x128xf32, #tpu.memory_space<hbm>> -> memref<10000x128xf32, #tpu.memory_space<hbm>>
      tpu.enqueue_indirect_dma source(%dma_start3A_44 : memref<10000x128xf32, #tpu.memory_space<hbm>>) target(%arg13 : memref<40x128xf32, #tpu.memory_space<vmem>>) offsets(%dma_start3A_41 : memref<40xi32, #tpu.memory_space<vmem>>) semaphore(%arg19 : memref<!tpu.dma_semaphore, #tpu.memory_space<semaphore_mem>>)
      %dma_wait3A = arith.constant 0 : i32
      %dma_wait3A_45 = tpu.memref_slice %arg7[%dma_wait3A] : memref<200xi32, #tpu.memory_space<vmem>> -> memref<40xi32, #tpu.memory_space<vmem>>
      %dma_wait3A_46 = arith.constant 0 : i32
      %dma_wait3A_47 = arith.constant 0 : i32
      %dma_wait3A_48 = tpu.memref_slice %arg2[%dma_wait3A_46, %dma_wait3A_47] : memref<10000x128xf32, #tpu.memory_space<hbm>> -> memref<10000x128xf32, #tpu.memory_space<hbm>>
      tpu.wait_indirect_dma semaphore(%arg15 : memref<!tpu.dma_semaphore, #tpu.memory_space<semaphore_mem>>) src(%dma_wait3A_48 : memref<10000x128xf32, #tpu.memory_space<hbm>>) dst(%arg9 : memref<40x128xf32, #tpu.memory_space<vmem>>)
      %dma_start3A_49 = arith.constant 0 : i32
      %dma_start3A_50 = tpu.memref_slice %arg8[%dma_start3A_49] : memref<200xi32, #tpu.memory_space<vmem>> -> memref<40xi32, #tpu.memory_space<vmem>>
      %dma_start3A_51 = arith.constant 0 : i32
      %dma_start3A_52 = arith.constant 0 : i32
      %dma_start3A_53 = tpu.memref_slice %arg14[%dma_start3A_51, %dma_start3A_52] : memref<10112x128xf32, #tpu.memory_space<vmem_shared>> -> memref<10112x128xf32, #tpu.memory_space<vmem_shared>>
      tpu.enqueue_indirect_dma source(%arg9 : memref<40x128xf32, #tpu.memory_space<vmem>>) target(%dma_start3A_53 : memref<10112x128xf32, #tpu.memory_space<vmem_shared>>) offsets(%dma_start3A_50 : memref<40xi32, #tpu.memory_space<vmem>>) semaphore(%arg20 : memref<!tpu.dma_semaphore, #tpu.memory_space<semaphore_mem>>) {add = true}
      %dma_wait3A_54 = arith.constant 40 : i32
      %dma_wait3A_55 = tpu.memref_slice %arg7[%dma_wait3A_54] : memref<200xi32, #tpu.memory_space<vmem>> -> memref<40xi32, #tpu.memory_space<vmem>>
      %dma_wait3A_56 = arith.constant 0 : i32
      %dma_wait3A_57 = arith.constant 0 : i32
      %dma_wait3A_58 = tpu.memref_slice %arg2[%dma_wait3A_56, %dma_wait3A_57] : memref<10000x128xf32, #tpu.memory_space<hbm>> -> memref<10000x128xf32, #tpu.memory_space<hbm>>
      tpu.wait_indirect_dma semaphore(%arg16 : memref<!tpu.dma_semaphore, #tpu.memory_space<semaphore_mem>>) src(%dma_wait3A_58 : memref<10000x128xf32, #tpu.memory_space<hbm>>) dst(%arg10 : memref<40x128xf32, #tpu.memory_space<vmem>>)
      %dma_start3A_59 = arith.constant 40 : i32
      %dma_start3A_60 = tpu.memref_slice %arg8[%dma_start3A_59] : memref<200xi32, #tpu.memory_space<vmem>> -> memref<40xi32, #tpu.memory_space<vmem>>
      %dma_start3A_61 = arith.constant 0 : i32
      %dma_start3A_62 = arith.constant 0 : i32
      %dma_start3A_63 = tpu.memref_slice %arg14[%dma_start3A_61, %dma_start3A_62] : memref<10112x128xf32, #tpu.memory_space<vmem_shared>> -> memref<10112x128xf32, #tpu.memory_space<vmem_shared>>
      tpu.enqueue_indirect_dma source(%arg10 : memref<40x128xf32, #tpu.memory_space<vmem>>) target(%dma_start3A_63 : memref<10112x128xf32, #tpu.memory_space<vmem_shared>>) offsets(%dma_start3A_60 : memref<40xi32, #tpu.memory_space<vmem>>) semaphore(%arg21 : memref<!tpu.dma_semaphore, #tpu.memory_space<semaphore_mem>>) {add = true}
      %dma_wait3A_64 = arith.constant 80 : i32
      %dma_wait3A_65 = tpu.memref_slice %arg7[%dma_wait3A_64] : memref<200xi32, #tpu.memory_space<vmem>> -> memref<40xi32, #tpu.memory_space<vmem>>
      %dma_wait3A_66 = arith.constant 0 : i32
      %dma_wait3A_67 = arith.constant 0 : i32
      %dma_wait3A_68 = tpu.memref_slice %arg2[%dma_wait3A_66, %dma_wait3A_67] : memref<10000x128xf32, #tpu.memory_space<hbm>> -> memref<10000x128xf32, #tpu.memory_space<hbm>>
      tpu.wait_indirect_dma semaphore(%arg17 : memref<!tpu.dma_semaphore, #tpu.memory_space<semaphore_mem>>) src(%dma_wait3A_68 : memref<10000x128xf32, #tpu.memory_space<hbm>>) dst(%arg11 : memref<40x128xf32, #tpu.memory_space<vmem>>)
      %dma_start3A_69 = arith.constant 80 : i32
      %dma_start3A_70 = tpu.memref_slice %arg8[%dma_start3A_69] : memref<200xi32, #tpu.memory_space<vmem>> -> memref<40xi32, #tpu.memory_space<vmem>>
      %dma_start3A_71 = arith.constant 0 : i32
      %dma_start3A_72 = arith.constant 0 : i32
      %dma_start3A_73 = tpu.memref_slice %arg14[%dma_start3A_71, %dma_start3A_72] : memref<10112x128xf32, #tpu.memory_space<vmem_shared>> -> memref<10112x128xf32, #tpu.memory_space<vmem_shared>>
      tpu.enqueue_indirect_dma source(%arg11 : memref<40x128xf32, #tpu.memory_space<vmem>>) target(%dma_start3A_73 : memref<10112x128xf32, #tpu.memory_space<vmem_shared>>) offsets(%dma_start3A_70 : memref<40xi32, #tpu.memory_space<vmem>>) semaphore(%arg22 : memref<!tpu.dma_semaphore, #tpu.memory_space<semaphore_mem>>) {add = true}
      %dma_wait3A_74 = arith.constant 120 : i32
      %dma_wait3A_75 = tpu.memref_slice %arg7[%dma_wait3A_74] : memref<200xi32, #tpu.memory_space<vmem>> -> memref<40xi32, #tpu.memory_space<vmem>>
      %dma_wait3A_76 = arith.constant 0 : i32
      %dma_wait3A_77 = arith.constant 0 : i32
      %dma_wait3A_78 = tpu.memref_slice %arg2[%dma_wait3A_76, %dma_wait3A_77] : memref<10000x128xf32, #tpu.memory_space<hbm>> -> memref<10000x128xf32, #tpu.memory_space<hbm>>
      tpu.wait_indirect_dma semaphore(%arg18 : memref<!tpu.dma_semaphore, #tpu.memory_space<semaphore_mem>>) src(%dma_wait3A_78 : memref<10000x128xf32, #tpu.memory_space<hbm>>) dst(%arg12 : memref<40x128xf32, #tpu.memory_space<vmem>>)
      %dma_start3A_79 = arith.constant 120 : i32
      %dma_start3A_80 = tpu.memref_slice %arg8[%dma_start3A_79] : memref<200xi32, #tpu.memory_space<vmem>> -> memref<40xi32, #tpu.memory_space<vmem>>
      %dma_start3A_81 = arith.constant 0 : i32
      %dma_start3A_82 = arith.constant 0 : i32
      %dma_start3A_83 = tpu.memref_slice %arg14[%dma_start3A_81, %dma_start3A_82] : memref<10112x128xf32, #tpu.memory_space<vmem_shared>> -> memref<10112x128xf32, #tpu.memory_space<vmem_shared>>
      tpu.enqueue_indirect_dma source(%arg12 : memref<40x128xf32, #tpu.memory_space<vmem>>) target(%dma_start3A_83 : memref<10112x128xf32, #tpu.memory_space<vmem_shared>>) offsets(%dma_start3A_80 : memref<40xi32, #tpu.memory_space<vmem>>) semaphore(%arg23 : memref<!tpu.dma_semaphore, #tpu.memory_space<semaphore_mem>>) {add = true}
      %dma_wait3A_84 = arith.constant 160 : i32
      %dma_wait3A_85 = tpu.memref_slice %arg7[%dma_wait3A_84] : memref<200xi32, #tpu.memory_space<vmem>> -> memref<40xi32, #tpu.memory_space<vmem>>
      %dma_wait3A_86 = arith.constant 0 : i32
      %dma_wait3A_87 = arith.constant 0 : i32
      %dma_wait3A_88 = tpu.memref_slice %arg2[%dma_wait3A_86, %dma_wait3A_87] : memref<10000x128xf32, #tpu.memory_space<hbm>> -> memref<10000x128xf32, #tpu.memory_space<hbm>>
      tpu.wait_indirect_dma semaphore(%arg19 : memref<!tpu.dma_semaphore, #tpu.memory_space<semaphore_mem>>) src(%dma_wait3A_88 : memref<10000x128xf32, #tpu.memory_space<hbm>>) dst(%arg13 : memref<40x128xf32, #tpu.memory_space<vmem>>)
      %dma_start3A_89 = arith.constant 160 : i32
      %dma_start3A_90 = tpu.memref_slice %arg8[%dma_start3A_89] : memref<200xi32, #tpu.memory_space<vmem>> -> memref<40xi32, #tpu.memory_space<vmem>>
      %dma_start3A_91 = arith.constant 0 : i32
      %dma_start3A_92 = arith.constant 0 : i32
      %dma_start3A_93 = tpu.memref_slice %arg14[%dma_start3A_91, %dma_start3A_92] : memref<10112x128xf32, #tpu.memory_space<vmem_shared>> -> memref<10112x128xf32, #tpu.memory_space<vmem_shared>>
      tpu.enqueue_indirect_dma source(%arg13 : memref<40x128xf32, #tpu.memory_space<vmem>>) target(%dma_start3A_93 : memref<10112x128xf32, #tpu.memory_space<vmem_shared>>) offsets(%dma_start3A_90 : memref<40xi32, #tpu.memory_space<vmem>>) semaphore(%arg24 : memref<!tpu.dma_semaphore, #tpu.memory_space<semaphore_mem>>) {add = true}
      %dma_wait3A_94 = arith.constant 0 : i32
      %dma_wait3A_95 = tpu.memref_slice %arg8[%dma_wait3A_94] : memref<200xi32, #tpu.memory_space<vmem>> -> memref<40xi32, #tpu.memory_space<vmem>>
      %dma_wait3A_96 = arith.constant 0 : i32
      %dma_wait3A_97 = arith.constant 0 : i32
      %dma_wait3A_98 = tpu.memref_slice %arg14[%dma_wait3A_96, %dma_wait3A_97] : memref<10112x128xf32, #tpu.memory_space<vmem_shared>> -> memref<10112x128xf32, #tpu.memory_space<vmem_shared>>
      tpu.wait_indirect_dma semaphore(%arg20 : memref<!tpu.dma_semaphore, #tpu.memory_space<semaphore_mem>>) src(%arg9 : memref<40x128xf32, #tpu.memory_space<vmem>>) dst(%dma_wait3A_98 : memref<10112x128xf32, #tpu.memory_space<vmem_shared>>)
      %dma_wait3A_99 = arith.constant 40 : i32
      %dma_wait3A_100 = tpu.memref_slice %arg8[%dma_wait3A_99] : memref<200xi32, #tpu.memory_space<vmem>> -> memref<40xi32, #tpu.memory_space<vmem>>
      %dma_wait3A_101 = arith.constant 0 : i32
      %dma_wait3A_102 = arith.constant 0 : i32
      %dma_wait3A_103 = tpu.memref_slice %arg14[%dma_wait3A_101, %dma_wait3A_102] : memref<10112x128xf32, #tpu.memory_space<vmem_shared>> -> memref<10112x128xf32, #tpu.memory_space<vmem_shared>>
      tpu.wait_indirect_dma semaphore(%arg21 : memref<!tpu.dma_semaphore, #tpu.memory_space<semaphore_mem>>) src(%arg10 : memref<40x128xf32, #tpu.memory_space<vmem>>) dst(%dma_wait3A_103 : memref<10112x128xf32, #tpu.memory_space<vmem_shared>>)
      %dma_wait3A_104 = arith.constant 80 : i32
      %dma_wait3A_105 = tpu.memref_slice %arg8[%dma_wait3A_104] : memref<200xi32, #tpu.memory_space<vmem>> -> memref<40xi32, #tpu.memory_space<vmem>>
      %dma_wait3A_106 = arith.constant 0 : i32
      %dma_wait3A_107 = arith.constant 0 : i32
      %dma_wait3A_108 = tpu.memref_slice %arg14[%dma_wait3A_106, %dma_wait3A_107] : memref<10112x128xf32, #tpu.memory_space<vmem_shared>> -> memref<10112x128xf32, #tpu.memory_space<vmem_shared>>
      tpu.wait_indirect_dma semaphore(%arg22 : memref<!tpu.dma_semaphore, #tpu.memory_space<semaphore_mem>>) src(%arg11 : memref<40x128xf32, #tpu.memory_space<vmem>>) dst(%dma_wait3A_108 : memref<10112x128xf32, #tpu.memory_space<vmem_shared>>)
      %dma_wait3A_109 = arith.constant 120 : i32
      %dma_wait3A_110 = tpu.memref_slice %arg8[%dma_wait3A_109] : memref<200xi32, #tpu.memory_space<vmem>> -> memref<40xi32, #tpu.memory_space<vmem>>
      %dma_wait3A_111 = arith.constant 0 : i32
      %dma_wait3A_112 = arith.constant 0 : i32
      %dma_wait3A_113 = tpu.memref_slice %arg14[%dma_wait3A_111, %dma_wait3A_112] : memref<10112x128xf32, #tpu.memory_space<vmem_shared>> -> memref<10112x128xf32, #tpu.memory_space<vmem_shared>>
      tpu.wait_indirect_dma semaphore(%arg23 : memref<!tpu.dma_semaphore, #tpu.memory_space<semaphore_mem>>) src(%arg12 : memref<40x128xf32, #tpu.memory_space<vmem>>) dst(%dma_wait3A_113 : memref<10112x128xf32, #tpu.memory_space<vmem_shared>>)
      %dma_wait3A_114 = arith.constant 160 : i32
      %dma_wait3A_115 = tpu.memref_slice %arg8[%dma_wait3A_114] : memref<200xi32, #tpu.memory_space<vmem>> -> memref<40xi32, #tpu.memory_space<vmem>>
      %dma_wait3A_116 = arith.constant 0 : i32
      %dma_wait3A_117 = arith.constant 0 : i32
      %dma_wait3A_118 = tpu.memref_slice %arg14[%dma_wait3A_116, %dma_wait3A_117] : memref<10112x128xf32, #tpu.memory_space<vmem_shared>> -> memref<10112x128xf32, #tpu.memory_space<vmem_shared>>
      tpu.wait_indirect_dma semaphore(%arg24 : memref<!tpu.dma_semaphore, #tpu.memory_space<semaphore_mem>>) src(%arg13 : memref<40x128xf32, #tpu.memory_space<vmem>>) dst(%dma_wait3A_118 : memref<10112x128xf32, #tpu.memory_space<vmem_shared>>)
    }
    %scan3A_11 = arith.constant 50 : i32
    %barrier3A_12 = arith.constant 0 : index
    tpu.barrier barrier_id(%barrier3A_12)
    %mul3A_13 = arith.constant 632 : i32
    %mul3A_14 = arith.muli %arg1, %mul3A_13 : i32
    %mul3A_15 = arith.constant 632 : i32
    %mul3A_16 = arith.muli %arg1, %mul3A_15 : i32
    "tpu.region"() ({
      %run_scoped3A = tpu.sem_alloc : memref<!tpu.dma_semaphore, #tpu.memory_space<semaphore_mem>>
      %dma_start3A = arith.constant 0 : i32
      %dma_start3A_17 = tpu.memref_slice %arg6[%arg0, %mul3A_16, %dma_start3A] : memref<2x10112x128xf32, #tpu.memory_space<hbm>> -> memref<1x632x128xf32, #tpu.memory_space<hbm>>
      %dma_start3A_18 = tpu.memref_squeeze %dma_start3A_17 : memref<1x632x128xf32, #tpu.memory_space<hbm>> -> memref<632x128xf32, #tpu.memory_space<hbm>>
      %dma_start3A_19 = arith.constant 0 : i32
      %dma_start3A_20 = tpu.memref_slice %arg14[%mul3A_14, %dma_start3A_19] : memref<10112x128xf32, #tpu.memory_space<vmem_shared>> -> memref<632x128xf32, #tpu.memory_space<vmem_shared>>
      tpu.enqueue_dma source(%dma_start3A_20 : memref<632x128xf32, #tpu.memory_space<vmem_shared>>) target(%dma_start3A_18 : memref<632x128xf32, #tpu.memory_space<hbm>>) target_semaphore(%run_scoped3A : memref<!tpu.dma_semaphore, #tpu.memory_space<semaphore_mem>>)
      %dma_wait3A = arith.constant 0 : i32
      %dma_wait3A_21 = tpu.memref_slice %arg6[%arg0, %mul3A_16, %dma_wait3A] : memref<2x10112x128xf32, #tpu.memory_space<hbm>> -> memref<1x632x128xf32, #tpu.memory_space<hbm>>
      %dma_wait3A_22 = tpu.memref_squeeze %dma_wait3A_21 : memref<1x632x128xf32, #tpu.memory_space<hbm>> -> memref<632x128xf32, #tpu.memory_space<hbm>>
      %dma_wait3A_23 = arith.constant 0 : i32
      %dma_wait3A_24 = tpu.memref_slice %arg14[%mul3A_14, %dma_wait3A_23] : memref<10112x128xf32, #tpu.memory_space<vmem_shared>> -> memref<632x128xf32, #tpu.memory_space<vmem_shared>>
      tpu.wait_dma2 semaphore(%run_scoped3A : memref<!tpu.dma_semaphore, #tpu.memory_space<semaphore_mem>>) src(%dma_wait3A_24 : memref<632x128xf32, #tpu.memory_space<vmem_shared>>) dst(%dma_wait3A_22 : memref<632x128xf32, #tpu.memory_space<hbm>>)
      tpu.yield
    }) : () -> ()
    return
  }
}

#map = affine_map<(d0, d1) -> (0, 0)>
#map1 = affine_map<(d0, d1) -> (0)>
module attributes {stable_mosaic.version = 14 : i64} {
  func.func @k(%arg0: i32, %arg1: i32, %arg2: memref<10000x128xf32, #tpu.memory_space<hbm>>, %arg3: memref<10000x128xf32, #tpu.memory_space<hbm>>, %arg4: memref<320000xi32, #tpu.memory_space<hbm>>, %arg5: memref<320000xi32, #tpu.memory_space<hbm>>, %arg6: memref<320000x128xf32, #tpu.memory_space<hbm>>, %arg7: memref<10000xi32, #tpu.memory_space<vmem>>, %arg8: memref<10000xi32, #tpu.memory_space<vmem>>, %arg9: memref<80x128xf32, #tpu.memory_space<vmem>>, %arg10: memref<80x128xf32, #tpu.memory_space<vmem>>, %arg11: memref<80x128xf32, #tpu.memory_space<vmem>>, %arg12: memref<80x128xf32, #tpu.memory_space<vmem>>, %arg13: memref<80x128xf32, #tpu.memory_space<vmem>>, %arg14: memref<!tpu.dma_semaphore, #tpu.memory_space<semaphore_mem>>, %arg15: memref<!tpu.dma_semaphore, #tpu.memory_space<semaphore_mem>>, %arg16: memref<!tpu.dma_semaphore, #tpu.memory_space<semaphore_mem>>, %arg17: memref<!tpu.dma_semaphore, #tpu.memory_space<semaphore_mem>>, %arg18: memref<!tpu.dma_semaphore, #tpu.memory_space<semaphore_mem>>, %arg19: memref<!tpu.dma_semaphore, #tpu.memory_space<semaphore_mem>>, %arg20: memref<!tpu.dma_semaphore, #tpu.memory_space<semaphore_mem>>, %arg21: memref<!tpu.dma_semaphore, #tpu.memory_space<semaphore_mem>>, %arg22: memref<!tpu.dma_semaphore, #tpu.memory_space<semaphore_mem>>, %arg23: memref<!tpu.dma_semaphore, #tpu.memory_space<semaphore_mem>>) attributes {dimension_semantics = [#tpu.dimension_semantics<core_parallel>, #tpu.dimension_semantics<subcore_parallel>], iteration_bounds = array<i64: 2, 16>, scalar_prefetch = 0 : i64, scratch_operands = 17 : i64, tpu.core_type = #tpu.core_type<sc_vector_subcore>, window_params = [{transform_indices = #map}, {transform_indices = #map}, {transform_indices = #map1}, {transform_indices = #map1}, {transform_indices = #map}]} {
    %mul3A = arith.constant 2 : i32
    %mul3A_0 = arith.muli %arg1, %mul3A : i32
    %add3A = arith.addi %mul3A_0, %arg0 : i32
    %mul3A_1 = arith.constant 10000 : i32
    %mul3A_2 = arith.muli %add3A, %mul3A_1 : i32
    "tpu.region"() ({
      %run_scoped3A = tpu.sem_alloc : memref<!tpu.dma_semaphore, #tpu.memory_space<semaphore_mem>>
      %dma_start3A = tpu.memref_slice %arg4[%mul3A_2] : memref<320000xi32, #tpu.memory_space<hbm>> -> memref<10000xi32, #tpu.memory_space<hbm>>
      %dma_start3A_8 = tpu.memref_slice %arg4[%mul3A_2] : memref<320000xi32, #tpu.memory_space<hbm>> -> memref<10000xi32, #tpu.memory_space<hbm>>
      tpu.enqueue_dma source(%dma_start3A_8 : memref<10000xi32, #tpu.memory_space<hbm>>) target(%arg7 : memref<10000xi32, #tpu.memory_space<vmem>>) target_semaphore(%run_scoped3A : memref<!tpu.dma_semaphore, #tpu.memory_space<semaphore_mem>>)
      %dma_wait3A = tpu.memref_slice %arg4[%mul3A_2] : memref<320000xi32, #tpu.memory_space<hbm>> -> memref<10000xi32, #tpu.memory_space<hbm>>
      %dma_wait3A_9 = tpu.memref_slice %arg4[%mul3A_2] : memref<320000xi32, #tpu.memory_space<hbm>> -> memref<10000xi32, #tpu.memory_space<hbm>>
      tpu.wait_dma2 semaphore(%run_scoped3A : memref<!tpu.dma_semaphore, #tpu.memory_space<semaphore_mem>>) src(%dma_wait3A_9 : memref<10000xi32, #tpu.memory_space<hbm>>) dst(%arg7 : memref<10000xi32, #tpu.memory_space<vmem>>)
      tpu.yield
    }) : () -> ()
    "tpu.region"() ({
      %run_scoped3A = tpu.sem_alloc : memref<!tpu.dma_semaphore, #tpu.memory_space<semaphore_mem>>
      %dma_start3A = tpu.memref_slice %arg5[%mul3A_2] : memref<320000xi32, #tpu.memory_space<hbm>> -> memref<10000xi32, #tpu.memory_space<hbm>>
      %dma_start3A_8 = tpu.memref_slice %arg5[%mul3A_2] : memref<320000xi32, #tpu.memory_space<hbm>> -> memref<10000xi32, #tpu.memory_space<hbm>>
      tpu.enqueue_dma source(%dma_start3A_8 : memref<10000xi32, #tpu.memory_space<hbm>>) target(%arg8 : memref<10000xi32, #tpu.memory_space<vmem>>) target_semaphore(%run_scoped3A : memref<!tpu.dma_semaphore, #tpu.memory_space<semaphore_mem>>)
      %dma_wait3A = tpu.memref_slice %arg5[%mul3A_2] : memref<320000xi32, #tpu.memory_space<hbm>> -> memref<10000xi32, #tpu.memory_space<hbm>>
      %dma_wait3A_9 = tpu.memref_slice %arg5[%mul3A_2] : memref<320000xi32, #tpu.memory_space<hbm>> -> memref<10000xi32, #tpu.memory_space<hbm>>
      tpu.wait_dma2 semaphore(%run_scoped3A : memref<!tpu.dma_semaphore, #tpu.memory_space<semaphore_mem>>) src(%dma_wait3A_9 : memref<10000xi32, #tpu.memory_space<hbm>>) dst(%arg8 : memref<10000xi32, #tpu.memory_space<vmem>>)
      tpu.yield
    }) : () -> ()
    %scan3A = arith.constant 0 : i32
    %scan3A_3 = arith.constant 0 : i32
    %scan3A_4 = arith.constant 25 : i32
    %scan3A_5 = arith.addi %scan3A_3, %scan3A_4 : i32
    %scan3A_6 = arith.constant 1 : i32
    scf.for %scan3A_8 = %scan3A_3 to %scan3A_5 step %scan3A_6  : i32 {
      %mul3A_9 = arith.constant 5 : i32
      %mul3A_10 = arith.muli %scan3A_8, %mul3A_9 : i32
      %add3A_11 = arith.constant 0 : i32
      %add3A_12 = arith.addi %mul3A_10, %add3A_11 : i32
      %mul3A_13 = arith.constant 80 : i32
      %mul3A_14 = arith.muli %add3A_12, %mul3A_13 : i32
      %dma_start3A = tpu.memref_slice %arg7[%mul3A_14] : memref<10000xi32, #tpu.memory_space<vmem>> -> memref<80xi32, #tpu.memory_space<vmem>>
      %dma_start3A_15 = arith.constant 0 : i32
      %dma_start3A_16 = arith.constant 0 : i32
      %dma_start3A_17 = tpu.memref_slice %arg2[%dma_start3A_15, %dma_start3A_16] : memref<10000x128xf32, #tpu.memory_space<hbm>> -> memref<10000x128xf32, #tpu.memory_space<hbm>>
      tpu.enqueue_indirect_dma source(%dma_start3A_17 : memref<10000x128xf32, #tpu.memory_space<hbm>>) target(%arg9 : memref<80x128xf32, #tpu.memory_space<vmem>>) offsets(%dma_start3A : memref<80xi32, #tpu.memory_space<vmem>>) semaphore(%arg14 : memref<!tpu.dma_semaphore, #tpu.memory_space<semaphore_mem>>)
      %mul3A_18 = arith.constant 5 : i32
      %mul3A_19 = arith.muli %scan3A_8, %mul3A_18 : i32
      %add3A_20 = arith.constant 1 : i32
      %add3A_21 = arith.addi %mul3A_19, %add3A_20 : i32
      %mul3A_22 = arith.constant 80 : i32
      %mul3A_23 = arith.muli %add3A_21, %mul3A_22 : i32
      %dma_start3A_24 = tpu.memref_slice %arg7[%mul3A_23] : memref<10000xi32, #tpu.memory_space<vmem>> -> memref<80xi32, #tpu.memory_space<vmem>>
      %dma_start3A_25 = arith.constant 0 : i32
      %dma_start3A_26 = arith.constant 0 : i32
      %dma_start3A_27 = tpu.memref_slice %arg2[%dma_start3A_25, %dma_start3A_26] : memref<10000x128xf32, #tpu.memory_space<hbm>> -> memref<10000x128xf32, #tpu.memory_space<hbm>>
      tpu.enqueue_indirect_dma source(%dma_start3A_27 : memref<10000x128xf32, #tpu.memory_space<hbm>>) target(%arg10 : memref<80x128xf32, #tpu.memory_space<vmem>>) offsets(%dma_start3A_24 : memref<80xi32, #tpu.memory_space<vmem>>) semaphore(%arg15 : memref<!tpu.dma_semaphore, #tpu.memory_space<semaphore_mem>>)
      %mul3A_28 = arith.constant 5 : i32
      %mul3A_29 = arith.muli %scan3A_8, %mul3A_28 : i32
      %add3A_30 = arith.constant 2 : i32
      %add3A_31 = arith.addi %mul3A_29, %add3A_30 : i32
      %mul3A_32 = arith.constant 80 : i32
      %mul3A_33 = arith.muli %add3A_31, %mul3A_32 : i32
      %dma_start3A_34 = tpu.memref_slice %arg7[%mul3A_33] : memref<10000xi32, #tpu.memory_space<vmem>> -> memref<80xi32, #tpu.memory_space<vmem>>
      %dma_start3A_35 = arith.constant 0 : i32
      %dma_start3A_36 = arith.constant 0 : i32
      %dma_start3A_37 = tpu.memref_slice %arg2[%dma_start3A_35, %dma_start3A_36] : memref<10000x128xf32, #tpu.memory_space<hbm>> -> memref<10000x128xf32, #tpu.memory_space<hbm>>
      tpu.enqueue_indirect_dma source(%dma_start3A_37 : memref<10000x128xf32, #tpu.memory_space<hbm>>) target(%arg11 : memref<80x128xf32, #tpu.memory_space<vmem>>) offsets(%dma_start3A_34 : memref<80xi32, #tpu.memory_space<vmem>>) semaphore(%arg16 : memref<!tpu.dma_semaphore, #tpu.memory_space<semaphore_mem>>)
      %mul3A_38 = arith.constant 5 : i32
      %mul3A_39 = arith.muli %scan3A_8, %mul3A_38 : i32
      %add3A_40 = arith.constant 3 : i32
      %add3A_41 = arith.addi %mul3A_39, %add3A_40 : i32
      %mul3A_42 = arith.constant 80 : i32
      %mul3A_43 = arith.muli %add3A_41, %mul3A_42 : i32
      %dma_start3A_44 = tpu.memref_slice %arg7[%mul3A_43] : memref<10000xi32, #tpu.memory_space<vmem>> -> memref<80xi32, #tpu.memory_space<vmem>>
      %dma_start3A_45 = arith.constant 0 : i32
      %dma_start3A_46 = arith.constant 0 : i32
      %dma_start3A_47 = tpu.memref_slice %arg2[%dma_start3A_45, %dma_start3A_46] : memref<10000x128xf32, #tpu.memory_space<hbm>> -> memref<10000x128xf32, #tpu.memory_space<hbm>>
      tpu.enqueue_indirect_dma source(%dma_start3A_47 : memref<10000x128xf32, #tpu.memory_space<hbm>>) target(%arg12 : memref<80x128xf32, #tpu.memory_space<vmem>>) offsets(%dma_start3A_44 : memref<80xi32, #tpu.memory_space<vmem>>) semaphore(%arg17 : memref<!tpu.dma_semaphore, #tpu.memory_space<semaphore_mem>>)
      %mul3A_48 = arith.constant 5 : i32
      %mul3A_49 = arith.muli %scan3A_8, %mul3A_48 : i32
      %add3A_50 = arith.constant 4 : i32
      %add3A_51 = arith.addi %mul3A_49, %add3A_50 : i32
      %mul3A_52 = arith.constant 80 : i32
      %mul3A_53 = arith.muli %add3A_51, %mul3A_52 : i32
      %dma_start3A_54 = tpu.memref_slice %arg7[%mul3A_53] : memref<10000xi32, #tpu.memory_space<vmem>> -> memref<80xi32, #tpu.memory_space<vmem>>
      %dma_start3A_55 = arith.constant 0 : i32
      %dma_start3A_56 = arith.constant 0 : i32
      %dma_start3A_57 = tpu.memref_slice %arg2[%dma_start3A_55, %dma_start3A_56] : memref<10000x128xf32, #tpu.memory_space<hbm>> -> memref<10000x128xf32, #tpu.memory_space<hbm>>
      tpu.enqueue_indirect_dma source(%dma_start3A_57 : memref<10000x128xf32, #tpu.memory_space<hbm>>) target(%arg13 : memref<80x128xf32, #tpu.memory_space<vmem>>) offsets(%dma_start3A_54 : memref<80xi32, #tpu.memory_space<vmem>>) semaphore(%arg18 : memref<!tpu.dma_semaphore, #tpu.memory_space<semaphore_mem>>)
      %mul3A_58 = arith.constant 5 : i32
      %mul3A_59 = arith.muli %scan3A_8, %mul3A_58 : i32
      %add3A_60 = arith.constant 0 : i32
      %add3A_61 = arith.addi %mul3A_59, %add3A_60 : i32
      %mul3A_62 = arith.constant 80 : i32
      %mul3A_63 = arith.muli %add3A_61, %mul3A_62 : i32
      %dma_wait3A = tpu.memref_slice %arg7[%mul3A_14] : memref<10000xi32, #tpu.memory_space<vmem>> -> memref<80xi32, #tpu.memory_space<vmem>>
      %dma_wait3A_64 = arith.constant 0 : i32
      %dma_wait3A_65 = arith.constant 0 : i32
      %dma_wait3A_66 = tpu.memref_slice %arg2[%dma_wait3A_64, %dma_wait3A_65] : memref<10000x128xf32, #tpu.memory_space<hbm>> -> memref<10000x128xf32, #tpu.memory_space<hbm>>
      tpu.wait_indirect_dma semaphore(%arg14 : memref<!tpu.dma_semaphore, #tpu.memory_space<semaphore_mem>>) src(%dma_wait3A_66 : memref<10000x128xf32, #tpu.memory_space<hbm>>) dst(%arg9 : memref<80x128xf32, #tpu.memory_space<vmem>>)
      %dma_start3A_67 = tpu.memref_slice %arg8[%mul3A_63] : memref<10000xi32, #tpu.memory_space<vmem>> -> memref<80xi32, #tpu.memory_space<vmem>>
      %dma_start3A_68 = arith.constant 0 : i32
      %dma_start3A_69 = arith.constant 0 : i32
      %dma_start3A_70 = tpu.memref_slice %arg3[%dma_start3A_68, %dma_start3A_69] : memref<10000x128xf32, #tpu.memory_space<hbm>> -> memref<10000x128xf32, #tpu.memory_space<hbm>>
      tpu.enqueue_indirect_dma source(%dma_start3A_70 : memref<10000x128xf32, #tpu.memory_space<hbm>>) target(%arg9 : memref<80x128xf32, #tpu.memory_space<vmem>>) offsets(%dma_start3A_67 : memref<80xi32, #tpu.memory_space<vmem>>) semaphore(%arg19 : memref<!tpu.dma_semaphore, #tpu.memory_space<semaphore_mem>>) {add = true}
      %mul3A_71 = arith.constant 5 : i32
      %mul3A_72 = arith.muli %scan3A_8, %mul3A_71 : i32
      %add3A_73 = arith.constant 1 : i32
      %add3A_74 = arith.addi %mul3A_72, %add3A_73 : i32
      %mul3A_75 = arith.constant 80 : i32
      %mul3A_76 = arith.muli %add3A_74, %mul3A_75 : i32
      %dma_wait3A_77 = tpu.memref_slice %arg7[%mul3A_23] : memref<10000xi32, #tpu.memory_space<vmem>> -> memref<80xi32, #tpu.memory_space<vmem>>
      %dma_wait3A_78 = arith.constant 0 : i32
      %dma_wait3A_79 = arith.constant 0 : i32
      %dma_wait3A_80 = tpu.memref_slice %arg2[%dma_wait3A_78, %dma_wait3A_79] : memref<10000x128xf32, #tpu.memory_space<hbm>> -> memref<10000x128xf32, #tpu.memory_space<hbm>>
      tpu.wait_indirect_dma semaphore(%arg15 : memref<!tpu.dma_semaphore, #tpu.memory_space<semaphore_mem>>) src(%dma_wait3A_80 : memref<10000x128xf32, #tpu.memory_space<hbm>>) dst(%arg10 : memref<80x128xf32, #tpu.memory_space<vmem>>)
      %dma_start3A_81 = tpu.memref_slice %arg8[%mul3A_76] : memref<10000xi32, #tpu.memory_space<vmem>> -> memref<80xi32, #tpu.memory_space<vmem>>
      %dma_start3A_82 = arith.constant 0 : i32
      %dma_start3A_83 = arith.constant 0 : i32
      %dma_start3A_84 = tpu.memref_slice %arg3[%dma_start3A_82, %dma_start3A_83] : memref<10000x128xf32, #tpu.memory_space<hbm>> -> memref<10000x128xf32, #tpu.memory_space<hbm>>
      tpu.enqueue_indirect_dma source(%dma_start3A_84 : memref<10000x128xf32, #tpu.memory_space<hbm>>) target(%arg10 : memref<80x128xf32, #tpu.memory_space<vmem>>) offsets(%dma_start3A_81 : memref<80xi32, #tpu.memory_space<vmem>>) semaphore(%arg20 : memref<!tpu.dma_semaphore, #tpu.memory_space<semaphore_mem>>) {add = true}
      %mul3A_85 = arith.constant 5 : i32
      %mul3A_86 = arith.muli %scan3A_8, %mul3A_85 : i32
      %add3A_87 = arith.constant 2 : i32
      %add3A_88 = arith.addi %mul3A_86, %add3A_87 : i32
      %mul3A_89 = arith.constant 80 : i32
      %mul3A_90 = arith.muli %add3A_88, %mul3A_89 : i32
      %dma_wait3A_91 = tpu.memref_slice %arg7[%mul3A_33] : memref<10000xi32, #tpu.memory_space<vmem>> -> memref<80xi32, #tpu.memory_space<vmem>>
      %dma_wait3A_92 = arith.constant 0 : i32
      %dma_wait3A_93 = arith.constant 0 : i32
      %dma_wait3A_94 = tpu.memref_slice %arg2[%dma_wait3A_92, %dma_wait3A_93] : memref<10000x128xf32, #tpu.memory_space<hbm>> -> memref<10000x128xf32, #tpu.memory_space<hbm>>
      tpu.wait_indirect_dma semaphore(%arg16 : memref<!tpu.dma_semaphore, #tpu.memory_space<semaphore_mem>>) src(%dma_wait3A_94 : memref<10000x128xf32, #tpu.memory_space<hbm>>) dst(%arg11 : memref<80x128xf32, #tpu.memory_space<vmem>>)
      %dma_start3A_95 = tpu.memref_slice %arg8[%mul3A_90] : memref<10000xi32, #tpu.memory_space<vmem>> -> memref<80xi32, #tpu.memory_space<vmem>>
      %dma_start3A_96 = arith.constant 0 : i32
      %dma_start3A_97 = arith.constant 0 : i32
      %dma_start3A_98 = tpu.memref_slice %arg3[%dma_start3A_96, %dma_start3A_97] : memref<10000x128xf32, #tpu.memory_space<hbm>> -> memref<10000x128xf32, #tpu.memory_space<hbm>>
      tpu.enqueue_indirect_dma source(%dma_start3A_98 : memref<10000x128xf32, #tpu.memory_space<hbm>>) target(%arg11 : memref<80x128xf32, #tpu.memory_space<vmem>>) offsets(%dma_start3A_95 : memref<80xi32, #tpu.memory_space<vmem>>) semaphore(%arg21 : memref<!tpu.dma_semaphore, #tpu.memory_space<semaphore_mem>>) {add = true}
      %mul3A_99 = arith.constant 5 : i32
      %mul3A_100 = arith.muli %scan3A_8, %mul3A_99 : i32
      %add3A_101 = arith.constant 3 : i32
      %add3A_102 = arith.addi %mul3A_100, %add3A_101 : i32
      %mul3A_103 = arith.constant 80 : i32
      %mul3A_104 = arith.muli %add3A_102, %mul3A_103 : i32
      %dma_wait3A_105 = tpu.memref_slice %arg7[%mul3A_43] : memref<10000xi32, #tpu.memory_space<vmem>> -> memref<80xi32, #tpu.memory_space<vmem>>
      %dma_wait3A_106 = arith.constant 0 : i32
      %dma_wait3A_107 = arith.constant 0 : i32
      %dma_wait3A_108 = tpu.memref_slice %arg2[%dma_wait3A_106, %dma_wait3A_107] : memref<10000x128xf32, #tpu.memory_space<hbm>> -> memref<10000x128xf32, #tpu.memory_space<hbm>>
      tpu.wait_indirect_dma semaphore(%arg17 : memref<!tpu.dma_semaphore, #tpu.memory_space<semaphore_mem>>) src(%dma_wait3A_108 : memref<10000x128xf32, #tpu.memory_space<hbm>>) dst(%arg12 : memref<80x128xf32, #tpu.memory_space<vmem>>)
      %dma_start3A_109 = tpu.memref_slice %arg8[%mul3A_104] : memref<10000xi32, #tpu.memory_space<vmem>> -> memref<80xi32, #tpu.memory_space<vmem>>
      %dma_start3A_110 = arith.constant 0 : i32
      %dma_start3A_111 = arith.constant 0 : i32
      %dma_start3A_112 = tpu.memref_slice %arg3[%dma_start3A_110, %dma_start3A_111] : memref<10000x128xf32, #tpu.memory_space<hbm>> -> memref<10000x128xf32, #tpu.memory_space<hbm>>
      tpu.enqueue_indirect_dma source(%dma_start3A_112 : memref<10000x128xf32, #tpu.memory_space<hbm>>) target(%arg12 : memref<80x128xf32, #tpu.memory_space<vmem>>) offsets(%dma_start3A_109 : memref<80xi32, #tpu.memory_space<vmem>>) semaphore(%arg22 : memref<!tpu.dma_semaphore, #tpu.memory_space<semaphore_mem>>) {add = true}
      %mul3A_113 = arith.constant 5 : i32
      %mul3A_114 = arith.muli %scan3A_8, %mul3A_113 : i32
      %add3A_115 = arith.constant 4 : i32
      %add3A_116 = arith.addi %mul3A_114, %add3A_115 : i32
      %mul3A_117 = arith.constant 80 : i32
      %mul3A_118 = arith.muli %add3A_116, %mul3A_117 : i32
      %dma_wait3A_119 = tpu.memref_slice %arg7[%mul3A_53] : memref<10000xi32, #tpu.memory_space<vmem>> -> memref<80xi32, #tpu.memory_space<vmem>>
      %dma_wait3A_120 = arith.constant 0 : i32
      %dma_wait3A_121 = arith.constant 0 : i32
      %dma_wait3A_122 = tpu.memref_slice %arg2[%dma_wait3A_120, %dma_wait3A_121] : memref<10000x128xf32, #tpu.memory_space<hbm>> -> memref<10000x128xf32, #tpu.memory_space<hbm>>
      tpu.wait_indirect_dma semaphore(%arg18 : memref<!tpu.dma_semaphore, #tpu.memory_space<semaphore_mem>>) src(%dma_wait3A_122 : memref<10000x128xf32, #tpu.memory_space<hbm>>) dst(%arg13 : memref<80x128xf32, #tpu.memory_space<vmem>>)
      %dma_start3A_123 = tpu.memref_slice %arg8[%mul3A_118] : memref<10000xi32, #tpu.memory_space<vmem>> -> memref<80xi32, #tpu.memory_space<vmem>>
      %dma_start3A_124 = arith.constant 0 : i32
      %dma_start3A_125 = arith.constant 0 : i32
      %dma_start3A_126 = tpu.memref_slice %arg3[%dma_start3A_124, %dma_start3A_125] : memref<10000x128xf32, #tpu.memory_space<hbm>> -> memref<10000x128xf32, #tpu.memory_space<hbm>>
      tpu.enqueue_indirect_dma source(%dma_start3A_126 : memref<10000x128xf32, #tpu.memory_space<hbm>>) target(%arg13 : memref<80x128xf32, #tpu.memory_space<vmem>>) offsets(%dma_start3A_123 : memref<80xi32, #tpu.memory_space<vmem>>) semaphore(%arg23 : memref<!tpu.dma_semaphore, #tpu.memory_space<semaphore_mem>>) {add = true}
      %mul3A_127 = arith.constant 5 : i32
      %mul3A_128 = arith.muli %scan3A_8, %mul3A_127 : i32
      %add3A_129 = arith.constant 0 : i32
      %add3A_130 = arith.addi %mul3A_128, %add3A_129 : i32
      %mul3A_131 = arith.constant 80 : i32
      %mul3A_132 = arith.muli %add3A_130, %mul3A_131 : i32
      %dma_wait3A_133 = tpu.memref_slice %arg8[%mul3A_63] : memref<10000xi32, #tpu.memory_space<vmem>> -> memref<80xi32, #tpu.memory_space<vmem>>
      %dma_wait3A_134 = arith.constant 0 : i32
      %dma_wait3A_135 = arith.constant 0 : i32
      %dma_wait3A_136 = tpu.memref_slice %arg3[%dma_wait3A_134, %dma_wait3A_135] : memref<10000x128xf32, #tpu.memory_space<hbm>> -> memref<10000x128xf32, #tpu.memory_space<hbm>>
      tpu.wait_indirect_dma semaphore(%arg19 : memref<!tpu.dma_semaphore, #tpu.memory_space<semaphore_mem>>) src(%dma_wait3A_136 : memref<10000x128xf32, #tpu.memory_space<hbm>>) dst(%arg9 : memref<80x128xf32, #tpu.memory_space<vmem>>)
      %add3A_137 = arith.addi %mul3A_2, %mul3A_132 : i32
      %dma_start3A_138 = arith.constant 0 : i32
      %dma_start3A_139 = tpu.memref_slice %arg6[%add3A_137, %dma_start3A_138] : memref<320000x128xf32, #tpu.memory_space<hbm>> -> memref<80x128xf32, #tpu.memory_space<hbm>>
      %dma_start3A_140 = arith.constant 0 : i32
      %dma_start3A_141 = tpu.memref_slice %arg6[%add3A_137, %dma_start3A_140] : memref<320000x128xf32, #tpu.memory_space<hbm>> -> memref<80x128xf32, #tpu.memory_space<hbm>>
      tpu.enqueue_dma source(%arg9 : memref<80x128xf32, #tpu.memory_space<vmem>>) target(%dma_start3A_141 : memref<80x128xf32, #tpu.memory_space<hbm>>) target_semaphore(%arg14 : memref<!tpu.dma_semaphore, #tpu.memory_space<semaphore_mem>>)
      %mul3A_142 = arith.constant 5 : i32
      %mul3A_143 = arith.muli %scan3A_8, %mul3A_142 : i32
      %add3A_144 = arith.constant 1 : i32
      %add3A_145 = arith.addi %mul3A_143, %add3A_144 : i32
      %mul3A_146 = arith.constant 80 : i32
      %mul3A_147 = arith.muli %add3A_145, %mul3A_146 : i32
      %dma_wait3A_148 = tpu.memref_slice %arg8[%mul3A_76] : memref<10000xi32, #tpu.memory_space<vmem>> -> memref<80xi32, #tpu.memory_space<vmem>>
      %dma_wait3A_149 = arith.constant 0 : i32
      %dma_wait3A_150 = arith.constant 0 : i32
      %dma_wait3A_151 = tpu.memref_slice %arg3[%dma_wait3A_149, %dma_wait3A_150] : memref<10000x128xf32, #tpu.memory_space<hbm>> -> memref<10000x128xf32, #tpu.memory_space<hbm>>
      tpu.wait_indirect_dma semaphore(%arg20 : memref<!tpu.dma_semaphore, #tpu.memory_space<semaphore_mem>>) src(%dma_wait3A_151 : memref<10000x128xf32, #tpu.memory_space<hbm>>) dst(%arg10 : memref<80x128xf32, #tpu.memory_space<vmem>>)
      %add3A_152 = arith.addi %mul3A_2, %mul3A_147 : i32
      %dma_start3A_153 = arith.constant 0 : i32
      %dma_start3A_154 = tpu.memref_slice %arg6[%add3A_152, %dma_start3A_153] : memref<320000x128xf32, #tpu.memory_space<hbm>> -> memref<80x128xf32, #tpu.memory_space<hbm>>
      %dma_start3A_155 = arith.constant 0 : i32
      %dma_start3A_156 = tpu.memref_slice %arg6[%add3A_152, %dma_start3A_155] : memref<320000x128xf32, #tpu.memory_space<hbm>> -> memref<80x128xf32, #tpu.memory_space<hbm>>
      tpu.enqueue_dma source(%arg10 : memref<80x128xf32, #tpu.memory_space<vmem>>) target(%dma_start3A_156 : memref<80x128xf32, #tpu.memory_space<hbm>>) target_semaphore(%arg15 : memref<!tpu.dma_semaphore, #tpu.memory_space<semaphore_mem>>)
      %mul3A_157 = arith.constant 5 : i32
      %mul3A_158 = arith.muli %scan3A_8, %mul3A_157 : i32
      %add3A_159 = arith.constant 2 : i32
      %add3A_160 = arith.addi %mul3A_158, %add3A_159 : i32
      %mul3A_161 = arith.constant 80 : i32
      %mul3A_162 = arith.muli %add3A_160, %mul3A_161 : i32
      %dma_wait3A_163 = tpu.memref_slice %arg8[%mul3A_90] : memref<10000xi32, #tpu.memory_space<vmem>> -> memref<80xi32, #tpu.memory_space<vmem>>
      %dma_wait3A_164 = arith.constant 0 : i32
      %dma_wait3A_165 = arith.constant 0 : i32
      %dma_wait3A_166 = tpu.memref_slice %arg3[%dma_wait3A_164, %dma_wait3A_165] : memref<10000x128xf32, #tpu.memory_space<hbm>> -> memref<10000x128xf32, #tpu.memory_space<hbm>>
      tpu.wait_indirect_dma semaphore(%arg21 : memref<!tpu.dma_semaphore, #tpu.memory_space<semaphore_mem>>) src(%dma_wait3A_166 : memref<10000x128xf32, #tpu.memory_space<hbm>>) dst(%arg11 : memref<80x128xf32, #tpu.memory_space<vmem>>)
      %add3A_167 = arith.addi %mul3A_2, %mul3A_162 : i32
      %dma_start3A_168 = arith.constant 0 : i32
      %dma_start3A_169 = tpu.memref_slice %arg6[%add3A_167, %dma_start3A_168] : memref<320000x128xf32, #tpu.memory_space<hbm>> -> memref<80x128xf32, #tpu.memory_space<hbm>>
      %dma_start3A_170 = arith.constant 0 : i32
      %dma_start3A_171 = tpu.memref_slice %arg6[%add3A_167, %dma_start3A_170] : memref<320000x128xf32, #tpu.memory_space<hbm>> -> memref<80x128xf32, #tpu.memory_space<hbm>>
      tpu.enqueue_dma source(%arg11 : memref<80x128xf32, #tpu.memory_space<vmem>>) target(%dma_start3A_171 : memref<80x128xf32, #tpu.memory_space<hbm>>) target_semaphore(%arg16 : memref<!tpu.dma_semaphore, #tpu.memory_space<semaphore_mem>>)
      %mul3A_172 = arith.constant 5 : i32
      %mul3A_173 = arith.muli %scan3A_8, %mul3A_172 : i32
      %add3A_174 = arith.constant 3 : i32
      %add3A_175 = arith.addi %mul3A_173, %add3A_174 : i32
      %mul3A_176 = arith.constant 80 : i32
      %mul3A_177 = arith.muli %add3A_175, %mul3A_176 : i32
      %dma_wait3A_178 = tpu.memref_slice %arg8[%mul3A_104] : memref<10000xi32, #tpu.memory_space<vmem>> -> memref<80xi32, #tpu.memory_space<vmem>>
      %dma_wait3A_179 = arith.constant 0 : i32
      %dma_wait3A_180 = arith.constant 0 : i32
      %dma_wait3A_181 = tpu.memref_slice %arg3[%dma_wait3A_179, %dma_wait3A_180] : memref<10000x128xf32, #tpu.memory_space<hbm>> -> memref<10000x128xf32, #tpu.memory_space<hbm>>
      tpu.wait_indirect_dma semaphore(%arg22 : memref<!tpu.dma_semaphore, #tpu.memory_space<semaphore_mem>>) src(%dma_wait3A_181 : memref<10000x128xf32, #tpu.memory_space<hbm>>) dst(%arg12 : memref<80x128xf32, #tpu.memory_space<vmem>>)
      %add3A_182 = arith.addi %mul3A_2, %mul3A_177 : i32
      %dma_start3A_183 = arith.constant 0 : i32
      %dma_start3A_184 = tpu.memref_slice %arg6[%add3A_182, %dma_start3A_183] : memref<320000x128xf32, #tpu.memory_space<hbm>> -> memref<80x128xf32, #tpu.memory_space<hbm>>
      %dma_start3A_185 = arith.constant 0 : i32
      %dma_start3A_186 = tpu.memref_slice %arg6[%add3A_182, %dma_start3A_185] : memref<320000x128xf32, #tpu.memory_space<hbm>> -> memref<80x128xf32, #tpu.memory_space<hbm>>
      tpu.enqueue_dma source(%arg12 : memref<80x128xf32, #tpu.memory_space<vmem>>) target(%dma_start3A_186 : memref<80x128xf32, #tpu.memory_space<hbm>>) target_semaphore(%arg17 : memref<!tpu.dma_semaphore, #tpu.memory_space<semaphore_mem>>)
      %mul3A_187 = arith.constant 5 : i32
      %mul3A_188 = arith.muli %scan3A_8, %mul3A_187 : i32
      %add3A_189 = arith.constant 4 : i32
      %add3A_190 = arith.addi %mul3A_188, %add3A_189 : i32
      %mul3A_191 = arith.constant 80 : i32
      %mul3A_192 = arith.muli %add3A_190, %mul3A_191 : i32
      %dma_wait3A_193 = tpu.memref_slice %arg8[%mul3A_118] : memref<10000xi32, #tpu.memory_space<vmem>> -> memref<80xi32, #tpu.memory_space<vmem>>
      %dma_wait3A_194 = arith.constant 0 : i32
      %dma_wait3A_195 = arith.constant 0 : i32
      %dma_wait3A_196 = tpu.memref_slice %arg3[%dma_wait3A_194, %dma_wait3A_195] : memref<10000x128xf32, #tpu.memory_space<hbm>> -> memref<10000x128xf32, #tpu.memory_space<hbm>>
      tpu.wait_indirect_dma semaphore(%arg23 : memref<!tpu.dma_semaphore, #tpu.memory_space<semaphore_mem>>) src(%dma_wait3A_196 : memref<10000x128xf32, #tpu.memory_space<hbm>>) dst(%arg13 : memref<80x128xf32, #tpu.memory_space<vmem>>)
      %add3A_197 = arith.addi %mul3A_2, %mul3A_192 : i32
      %dma_start3A_198 = arith.constant 0 : i32
      %dma_start3A_199 = tpu.memref_slice %arg6[%add3A_197, %dma_start3A_198] : memref<320000x128xf32, #tpu.memory_space<hbm>> -> memref<80x128xf32, #tpu.memory_space<hbm>>
      %dma_start3A_200 = arith.constant 0 : i32
      %dma_start3A_201 = tpu.memref_slice %arg6[%add3A_197, %dma_start3A_200] : memref<320000x128xf32, #tpu.memory_space<hbm>> -> memref<80x128xf32, #tpu.memory_space<hbm>>
      tpu.enqueue_dma source(%arg13 : memref<80x128xf32, #tpu.memory_space<vmem>>) target(%dma_start3A_201 : memref<80x128xf32, #tpu.memory_space<hbm>>) target_semaphore(%arg18 : memref<!tpu.dma_semaphore, #tpu.memory_space<semaphore_mem>>)
      %dma_wait3A_202 = arith.constant 0 : i32
      %dma_wait3A_203 = tpu.memref_slice %arg6[%add3A_137, %dma_wait3A_202] : memref<320000x128xf32, #tpu.memory_space<hbm>> -> memref<80x128xf32, #tpu.memory_space<hbm>>
      %dma_wait3A_204 = arith.constant 0 : i32
      %dma_wait3A_205 = tpu.memref_slice %arg6[%add3A_137, %dma_wait3A_204] : memref<320000x128xf32, #tpu.memory_space<hbm>> -> memref<80x128xf32, #tpu.memory_space<hbm>>
      tpu.wait_dma2 semaphore(%arg14 : memref<!tpu.dma_semaphore, #tpu.memory_space<semaphore_mem>>) src(%arg9 : memref<80x128xf32, #tpu.memory_space<vmem>>) dst(%dma_wait3A_205 : memref<80x128xf32, #tpu.memory_space<hbm>>)
      %dma_wait3A_206 = arith.constant 0 : i32
      %dma_wait3A_207 = tpu.memref_slice %arg6[%add3A_152, %dma_wait3A_206] : memref<320000x128xf32, #tpu.memory_space<hbm>> -> memref<80x128xf32, #tpu.memory_space<hbm>>
      %dma_wait3A_208 = arith.constant 0 : i32
      %dma_wait3A_209 = tpu.memref_slice %arg6[%add3A_152, %dma_wait3A_208] : memref<320000x128xf32, #tpu.memory_space<hbm>> -> memref<80x128xf32, #tpu.memory_space<hbm>>
      tpu.wait_dma2 semaphore(%arg15 : memref<!tpu.dma_semaphore, #tpu.memory_space<semaphore_mem>>) src(%arg10 : memref<80x128xf32, #tpu.memory_space<vmem>>) dst(%dma_wait3A_209 : memref<80x128xf32, #tpu.memory_space<hbm>>)
      %dma_wait3A_210 = arith.constant 0 : i32
      %dma_wait3A_211 = tpu.memref_slice %arg6[%add3A_167, %dma_wait3A_210] : memref<320000x128xf32, #tpu.memory_space<hbm>> -> memref<80x128xf32, #tpu.memory_space<hbm>>
      %dma_wait3A_212 = arith.constant 0 : i32
      %dma_wait3A_213 = tpu.memref_slice %arg6[%add3A_167, %dma_wait3A_212] : memref<320000x128xf32, #tpu.memory_space<hbm>> -> memref<80x128xf32, #tpu.memory_space<hbm>>
      tpu.wait_dma2 semaphore(%arg16 : memref<!tpu.dma_semaphore, #tpu.memory_space<semaphore_mem>>) src(%arg11 : memref<80x128xf32, #tpu.memory_space<vmem>>) dst(%dma_wait3A_213 : memref<80x128xf32, #tpu.memory_space<hbm>>)
      %dma_wait3A_214 = arith.constant 0 : i32
      %dma_wait3A_215 = tpu.memref_slice %arg6[%add3A_182, %dma_wait3A_214] : memref<320000x128xf32, #tpu.memory_space<hbm>> -> memref<80x128xf32, #tpu.memory_space<hbm>>
      %dma_wait3A_216 = arith.constant 0 : i32
      %dma_wait3A_217 = tpu.memref_slice %arg6[%add3A_182, %dma_wait3A_216] : memref<320000x128xf32, #tpu.memory_space<hbm>> -> memref<80x128xf32, #tpu.memory_space<hbm>>
      tpu.wait_dma2 semaphore(%arg17 : memref<!tpu.dma_semaphore, #tpu.memory_space<semaphore_mem>>) src(%arg12 : memref<80x128xf32, #tpu.memory_space<vmem>>) dst(%dma_wait3A_217 : memref<80x128xf32, #tpu.memory_space<hbm>>)
      %dma_wait3A_218 = arith.constant 0 : i32
      %dma_wait3A_219 = tpu.memref_slice %arg6[%add3A_197, %dma_wait3A_218] : memref<320000x128xf32, #tpu.memory_space<hbm>> -> memref<80x128xf32, #tpu.memory_space<hbm>>
      %dma_wait3A_220 = arith.constant 0 : i32
      %dma_wait3A_221 = tpu.memref_slice %arg6[%add3A_197, %dma_wait3A_220] : memref<320000x128xf32, #tpu.memory_space<hbm>> -> memref<80x128xf32, #tpu.memory_space<hbm>>
      tpu.wait_dma2 semaphore(%arg18 : memref<!tpu.dma_semaphore, #tpu.memory_space<semaphore_mem>>) src(%arg13 : memref<80x128xf32, #tpu.memory_space<vmem>>) dst(%dma_wait3A_221 : memref<80x128xf32, #tpu.memory_space<hbm>>)
    }
    %scan3A_7 = arith.constant 25 : i32
    return
  }
}

module attributes {stable_mosaic.version = 14 : i64} {
  func.func @_mm_body(%arg0: i32, %arg1: memref<1000x128xf32, #tpu.memory_space<vmem>>, %arg2: memref<128x128xf32, #tpu.memory_space<vmem>>, %arg3: memref<1000x128xf32, #tpu.memory_space<vmem>>) attributes {dimension_semantics = [#tpu.dimension_semantics<arbitrary>], iteration_bounds = array<i64: 10>, scalar_prefetch = 0 : i64, scratch_operands = 0 : i64, tpu.core_type = #tpu.core_type<tc>, window_params = [{transform_indices = @transform_0, window_bounds = array<i64: 1000, 128>}, {pipeline_mode = #tpu.pipeline_mode<synchronous>, transform_indices = @transform_1, window_bounds = array<i64: 128, 128>}, {transform_indices = @transform_2, window_bounds = array<i64: 1000, 128>}]} {
    %get3A = arith.constant 0 : index
    %get3A_0 = arith.constant 0 : index
    %get3A_1 = vector.load %arg1[%get3A, %get3A_0] : memref<1000x128xf32, #tpu.memory_space<vmem>>, vector<1000x128xf32>
    %get3A_2 = arith.constant 0 : index
    %get3A_3 = arith.constant 0 : index
    %get3A_4 = vector.load %arg2[%get3A_2, %get3A_3] : memref<128x128xf32, #tpu.memory_space<vmem>>, vector<128x128xf32>
    %transpose3A = tpu.transpose %get3A_4, [1, 0] : vector<128x128xf32> -> vector<128x128xf32>
    %dot_general3A = arith.constant dense<0.000000e+00> : vector<1000x128xf32>
    %dot_general3A_5 = tpu.matmul %get3A_1, %transpose3A, %dot_general3A {dimension_numbers = #tpu.dot_dimension_numbers<[1], [0], [0], [1], [0, 0, 1, 1], [], []>, transpose_lhs_hint = false} : vector<1000x128xf32>, vector<128x128xf32>, vector<1000x128xf32> -> vector<1000x128xf32>
    %swap3A = arith.constant 0 : index
    %swap3A_6 = arith.constant 0 : index
    %swap3A_7 = vector.load %arg3[%swap3A, %swap3A_6] : memref<1000x128xf32, #tpu.memory_space<vmem>>, vector<1000x128xf32>
    tpu.vector_store %arg3[%swap3A, %swap3A_6], %dot_general3A_5 {strides = array<i32>} : memref<1000x128xf32, #tpu.memory_space<vmem>>, vector<1000x128xf32>,
    return
  }
  func.func @transform_0(%arg0: i32) -> (i32, i32) {
    %c0_i32 = arith.constant 0 : i32
    %c0_i32_0 = arith.constant 0 : i32
    return %arg0, %c0_i32 : i32, i32
  }
  func.func @transform_1(%arg0: i32) -> (i32, i32) {
    %c0_i32 = arith.constant 0 : i32
    %c0_i32_0 = arith.constant 0 : i32
    %c0_i32_1 = arith.constant 0 : i32
    return %c0_i32, %c0_i32_0 : i32, i32
  }
  func.func @transform_2(%arg0: i32) -> (i32, i32) {
    %c0_i32 = arith.constant 0 : i32
    %c0_i32_0 = arith.constant 0 : i32
    return %arg0, %c0_i32 : i32, i32
  }
}

module attributes {stable_mosaic.version = 14 : i64} {
  func.func @_combine1_body(%arg0: i32, %arg1: memref<2x1000x128xf32, #tpu.memory_space<vmem>>, %arg2: memref<2x1000x128xf32, #tpu.memory_space<vmem>>, %arg3: memref<1000x128xf32, #tpu.memory_space<vmem>>, %arg4: memref<1x128xf32, #tpu.memory_space<vmem>>, %arg5: memref<128x128xf32, #tpu.memory_space<vmem>>, %arg6: memref<1000x128xf32, #tpu.memory_space<vmem>>, %arg7: memref<1000x128xf32, #tpu.memory_space<vmem>>, %arg8: memref<1000x1xf32, #tpu.memory_space<vmem>>) attributes {dimension_semantics = [#tpu.dimension_semantics<arbitrary>], iteration_bounds = array<i64: 10>, scalar_prefetch = 0 : i64, scratch_operands = 0 : i64, tpu.core_type = #tpu.core_type<tc>, window_params = [{transform_indices = @transform_0, window_bounds = array<i64: 2, 1000, 128>}, {transform_indices = @transform_1, window_bounds = array<i64: 2, 1000, 128>}, {transform_indices = @transform_2, window_bounds = array<i64: 1000, 128>}, {pipeline_mode = #tpu.pipeline_mode<synchronous>, transform_indices = @transform_3, window_bounds = array<i64: 1, 128>}, {pipeline_mode = #tpu.pipeline_mode<synchronous>, transform_indices = @transform_4, window_bounds = array<i64: 128, 128>}, {transform_indices = @transform_5, window_bounds = array<i64: 1000, 128>}, {transform_indices = @transform_6, window_bounds = array<i64: 1000, 128>}, {transform_indices = @transform_7, window_bounds = array<i64: 1000, 1>}]} {
    %get3A = arith.constant 0 : index
    %get3A_0 = arith.constant 0 : index
    %get3A_1 = arith.constant 0 : index
    %get3A_2 = vector.load %arg1[%get3A, %get3A_0, %get3A_1] : memref<2x1000x128xf32, #tpu.memory_space<vmem>>, vector<1x1000x128xf32>
    %get3A_3 = vector.shape_cast %get3A_2 : vector<1x1000x128xf32> to vector<1000x128xf32>
    %get3A_4 = arith.constant 1 : index
    %get3A_5 = arith.constant 0 : index
    %get3A_6 = arith.constant 0 : index
    %get3A_7 = vector.load %arg1[%get3A_4, %get3A_5, %get3A_6] : memref<2x1000x128xf32, #tpu.memory_space<vmem>>, vector<1x1000x128xf32>
    %get3A_8 = vector.shape_cast %get3A_7 : vector<1x1000x128xf32> to vector<1000x128xf32>
    %add3A = arith.addf %get3A_3, %get3A_8 : vector<1000x128xf32>
    %get3A_9 = arith.constant 0 : index
    %get3A_10 = arith.constant 0 : index
    %get3A_11 = arith.constant 0 : index
    %get3A_12 = vector.load %arg2[%get3A_9, %get3A_10, %get3A_11] : memref<2x1000x128xf32, #tpu.memory_space<vmem>>, vector<1x1000x1xf32>
    %get3A_13 = vector.shape_cast %get3A_12 : vector<1x1000x1xf32> to vector<1000x1xf32>
    %get3A_14 = arith.constant 1 : index
    %get3A_15 = arith.constant 0 : index
    %get3A_16 = arith.constant 0 : index
    %get3A_17 = vector.load %arg2[%get3A_14, %get3A_15, %get3A_16] : memref<2x1000x128xf32, #tpu.memory_space<vmem>>, vector<1x1000x1xf32>
    %get3A_18 = vector.shape_cast %get3A_17 : vector<1x1000x1xf32> to vector<1000x1xf32>
    %add3A_19 = arith.addf %get3A_13, %get3A_18 : vector<1000x1xf32>
    %max3A = arith.constant 1.000000e+00 : f32
    %max3A_20 = vector.broadcast %max3A : f32 to vector<1000x1xf32>
    %max3A_21 = arith.maximumf %add3A_19, %max3A_20 : vector<1000x1xf32>
    %div3A = arith.constant 1.000000e+00 : f32
    %div3A_22 = vector.broadcast %div3A : f32 to vector<1000x1xf32>
    %div3A_23 = arith.divf %div3A_22, %max3A_21 : vector<1000x1xf32>
    %mul3A = vector.broadcast %div3A_23 : vector<1000x1xf32> to vector<1000x128xf32>
    %mul3A_24 = arith.mulf %add3A, %mul3A : vector<1000x128xf32>
    %get3A_25 = arith.constant 0 : index
    %get3A_26 = arith.constant 0 : index
    %get3A_27 = vector.load %arg4[%get3A_25, %get3A_26] : memref<1x128xf32, #tpu.memory_space<vmem>>, vector<1x128xf32>
    %add3A_28 = vector.broadcast %get3A_27 : vector<1x128xf32> to vector<1000x128xf32>
    %add3A_29 = arith.addf %mul3A_24, %add3A_28 : vector<1000x128xf32>
    %get3A_30 = arith.constant 0 : index
    %get3A_31 = arith.constant 0 : index
    %get3A_32 = vector.load %arg3[%get3A_30, %get3A_31] : memref<1000x128xf32, #tpu.memory_space<vmem>>, vector<1000x128xf32>
    %add3A_33 = arith.addf %add3A_29, %get3A_32 : vector<1000x128xf32>
    %max3A_34 = arith.constant 0.000000e+00 : f32
    %max3A_35 = vector.broadcast %max3A_34 : f32 to vector<1000x128xf32>
    %max3A_36 = arith.maximumf %add3A_33, %max3A_35 : vector<1000x128xf32>
    %swap3A = arith.constant 0 : index
    %swap3A_37 = arith.constant 0 : index
    %swap3A_38 = vector.load %arg6[%swap3A, %swap3A_37] : memref<1000x128xf32, #tpu.memory_space<vmem>>, vector<1000x128xf32>
    tpu.vector_store %arg6[%swap3A, %swap3A_37], %max3A_36 {strides = array<i32>} : memref<1000x128xf32, #tpu.memory_space<vmem>>, vector<1000x128xf32>,
    %get3A_39 = arith.constant 0 : index
    %get3A_40 = arith.constant 0 : index
    %get3A_41 = vector.load %arg5[%get3A_39, %get3A_40] : memref<128x128xf32, #tpu.memory_space<vmem>>, vector<128x128xf32>
    %transpose3A = tpu.transpose %get3A_41, [1, 0] : vector<128x128xf32> -> vector<128x128xf32>
    %dot_general3A = arith.constant dense<0.000000e+00> : vector<1000x128xf32>
    %dot_general3A_42 = tpu.matmul %max3A_36, %transpose3A, %dot_general3A {dimension_numbers = #tpu.dot_dimension_numbers<[1], [0], [0], [1], [0, 0, 1, 1], [], []>, transpose_lhs_hint = false} : vector<1000x128xf32>, vector<128x128xf32>, vector<1000x128xf32> -> vector<1000x128xf32>
    %swap3A_43 = arith.constant 0 : index
    %swap3A_44 = arith.constant 0 : index
    %swap3A_45 = vector.load %arg7[%swap3A_43, %swap3A_44] : memref<1000x128xf32, #tpu.memory_space<vmem>>, vector<1000x128xf32>
    tpu.vector_store %arg7[%swap3A_43, %swap3A_44], %dot_general3A_42 {strides = array<i32>} : memref<1000x128xf32, #tpu.memory_space<vmem>>, vector<1000x128xf32>,
    %swap3A_46 = arith.constant 0 : index
    %swap3A_47 = arith.constant 0 : index
    %swap3A_48 = vector.load %arg8[%swap3A_46, %swap3A_47] : memref<1000x1xf32, #tpu.memory_space<vmem>>, vector<1000x1xf32>
    tpu.vector_store %arg8[%swap3A_46, %swap3A_47], %div3A_23 {strides = array<i32>} : memref<1000x1xf32, #tpu.memory_space<vmem>>, vector<1000x1xf32>,
    return
  }
  func.func @transform_0(%arg0: i32) -> (i32, i32, i32) {
    %c0_i32 = arith.constant 0 : i32
    %c0_i32_0 = arith.constant 0 : i32
    %c0_i32_1 = arith.constant 0 : i32
    return %c0_i32, %arg0, %c0_i32_0 : i32, i32, i32
  }
  func.func @transform_1(%arg0: i32) -> (i32, i32, i32) {
    %c0_i32 = arith.constant 0 : i32
    %c0_i32_0 = arith.constant 0 : i32
    %c0_i32_1 = arith.constant 0 : i32
    return %c0_i32, %arg0, %c0_i32_0 : i32, i32, i32
  }
  func.func @transform_2(%arg0: i32) -> (i32, i32) {
    %c0_i32 = arith.constant 0 : i32
    %c0_i32_0 = arith.constant 0 : i32
    return %arg0, %c0_i32 : i32, i32
  }
  func.func @transform_3(%arg0: i32) -> (i32, i32) {
    %c0_i32 = arith.constant 0 : i32
    %c0_i32_0 = arith.constant 0 : i32
    %c0_i32_1 = arith.constant 0 : i32
    return %c0_i32, %c0_i32_0 : i32, i32
  }
  func.func @transform_4(%arg0: i32) -> (i32, i32) {
    %c0_i32 = arith.constant 0 : i32
    %c0_i32_0 = arith.constant 0 : i32
    %c0_i32_1 = arith.constant 0 : i32
    return %c0_i32, %c0_i32_0 : i32, i32
  }
  func.func @transform_5(%arg0: i32) -> (i32, i32) {
    %c0_i32 = arith.constant 0 : i32
    %c0_i32_0 = arith.constant 0 : i32
    return %arg0, %c0_i32 : i32, i32
  }
  func.func @transform_6(%arg0: i32) -> (i32, i32) {
    %c0_i32 = arith.constant 0 : i32
    %c0_i32_0 = arith.constant 0 : i32
    return %arg0, %c0_i32 : i32, i32
  }
  func.func @transform_7(%arg0: i32) -> (i32, i32) {
    %c0_i32 = arith.constant 0 : i32
    %c0_i32_0 = arith.constant 0 : i32
    return %arg0, %c0_i32 : i32, i32
  }
}

module attributes {stable_mosaic.version = 14 : i64} {
  func.func @_combine2_body(%arg0: i32, %arg1: memref<2x1000x128xf32, #tpu.memory_space<vmem>>, %arg2: memref<1000x128xf32, #tpu.memory_space<vmem>>, %arg3: memref<1000x1xf32, #tpu.memory_space<vmem>>, %arg4: memref<1x128xf32, #tpu.memory_space<vmem>>, %arg5: memref<128x128xf32, #tpu.memory_space<vmem>>, %arg6: memref<128x128xf32, #tpu.memory_space<vmem>>, %arg7: memref<1000x128xf32, #tpu.memory_space<vmem>>, %arg8: memref<1000x128xf32, #tpu.memory_space<vmem>>) attributes {dimension_semantics = [#tpu.dimension_semantics<arbitrary>], iteration_bounds = array<i64: 10>, scalar_prefetch = 0 : i64, scratch_operands = 0 : i64, tpu.core_type = #tpu.core_type<tc>, window_params = [{transform_indices = @transform_0, window_bounds = array<i64: 2, 1000, 128>}, {transform_indices = @transform_1, window_bounds = array<i64: 1000, 128>}, {transform_indices = @transform_2, window_bounds = array<i64: 1000, 1>}, {pipeline_mode = #tpu.pipeline_mode<synchronous>, transform_indices = @transform_3, window_bounds = array<i64: 1, 128>}, {pipeline_mode = #tpu.pipeline_mode<synchronous>, transform_indices = @transform_4, window_bounds = array<i64: 128, 128>}, {pipeline_mode = #tpu.pipeline_mode<synchronous>, transform_indices = @transform_5, window_bounds = array<i64: 128, 128>}, {transform_indices = @transform_6, window_bounds = array<i64: 1000, 128>}, {transform_indices = @transform_7, window_bounds = array<i64: 1000, 128>}]} {
    %get3A = arith.constant 0 : index
    %get3A_0 = arith.constant 0 : index
    %get3A_1 = arith.constant 0 : index
    %get3A_2 = vector.load %arg1[%get3A, %get3A_0, %get3A_1] : memref<2x1000x128xf32, #tpu.memory_space<vmem>>, vector<1x1000x128xf32>
    %get3A_3 = vector.shape_cast %get3A_2 : vector<1x1000x128xf32> to vector<1000x128xf32>
    %get3A_4 = arith.constant 1 : index
    %get3A_5 = arith.constant 0 : index
    %get3A_6 = arith.constant 0 : index
    %get3A_7 = vector.load %arg1[%get3A_4, %get3A_5, %get3A_6] : memref<2x1000x128xf32, #tpu.memory_space<vmem>>, vector<1x1000x128xf32>
    %get3A_8 = vector.shape_cast %get3A_7 : vector<1x1000x128xf32> to vector<1000x128xf32>
    %add3A = arith.addf %get3A_3, %get3A_8 : vector<1000x128xf32>
    %get3A_9 = arith.constant 0 : index
    %get3A_10 = arith.constant 0 : index
    %get3A_11 = vector.load %arg3[%get3A_9, %get3A_10] : memref<1000x1xf32, #tpu.memory_space<vmem>>, vector<1000x1xf32>
    %mul3A = vector.broadcast %get3A_11 : vector<1000x1xf32> to vector<1000x128xf32>
    %mul3A_12 = arith.mulf %add3A, %mul3A : vector<1000x128xf32>
    %get3A_13 = arith.constant 0 : index
    %get3A_14 = arith.constant 0 : index
    %get3A_15 = vector.load %arg4[%get3A_13, %get3A_14] : memref<1x128xf32, #tpu.memory_space<vmem>>, vector<1x128xf32>
    %add3A_16 = vector.broadcast %get3A_15 : vector<1x128xf32> to vector<1000x128xf32>
    %add3A_17 = arith.addf %mul3A_12, %add3A_16 : vector<1000x128xf32>
    %get3A_18 = arith.constant 0 : index
    %get3A_19 = arith.constant 0 : index
    %get3A_20 = vector.load %arg2[%get3A_18, %get3A_19] : memref<1000x128xf32, #tpu.memory_space<vmem>>, vector<1000x128xf32>
    %add3A_21 = arith.addf %add3A_17, %get3A_20 : vector<1000x128xf32>
    %get3A_22 = arith.constant 0 : index
    %get3A_23 = arith.constant 0 : index
    %get3A_24 = vector.load %arg5[%get3A_22, %get3A_23] : memref<128x128xf32, #tpu.memory_space<vmem>>, vector<128x128xf32>
    %transpose3A = tpu.transpose %get3A_24, [1, 0] : vector<128x128xf32> -> vector<128x128xf32>
    %dot_general3A = arith.constant dense<0.000000e+00> : vector<1000x128xf32>
    %dot_general3A_25 = tpu.matmul %add3A_21, %transpose3A, %dot_general3A {dimension_numbers = #tpu.dot_dimension_numbers<[1], [0], [0], [1], [0, 0, 1, 1], [], []>, transpose_lhs_hint = false} : vector<1000x128xf32>, vector<128x128xf32>, vector<1000x128xf32> -> vector<1000x128xf32>
    %swap3A = arith.constant 0 : index
    %swap3A_26 = arith.constant 0 : index
    %swap3A_27 = vector.load %arg7[%swap3A, %swap3A_26] : memref<1000x128xf32, #tpu.memory_space<vmem>>, vector<1000x128xf32>
    tpu.vector_store %arg7[%swap3A, %swap3A_26], %dot_general3A_25 {strides = array<i32>} : memref<1000x128xf32, #tpu.memory_space<vmem>>, vector<1000x128xf32>,
    %get3A_28 = arith.constant 0 : index
    %get3A_29 = arith.constant 0 : index
    %get3A_30 = vector.load %arg6[%get3A_28, %get3A_29] : memref<128x128xf32, #tpu.memory_space<vmem>>, vector<128x128xf32>
    %transpose3A_31 = tpu.transpose %get3A_30, [1, 0] : vector<128x128xf32> -> vector<128x128xf32>
    %dot_general3A_32 = arith.constant dense<0.000000e+00> : vector<1000x128xf32>
    %dot_general3A_33 = tpu.matmul %add3A_21, %transpose3A_31, %dot_general3A_32 {dimension_numbers = #tpu.dot_dimension_numbers<[1], [0], [0], [1], [0, 0, 1, 1], [], []>, transpose_lhs_hint = false} : vector<1000x128xf32>, vector<128x128xf32>, vector<1000x128xf32> -> vector<1000x128xf32>
    %swap3A_34 = arith.constant 0 : index
    %swap3A_35 = arith.constant 0 : index
    %swap3A_36 = vector.load %arg8[%swap3A_34, %swap3A_35] : memref<1000x128xf32, #tpu.memory_space<vmem>>, vector<1000x128xf32>
    tpu.vector_store %arg8[%swap3A_34, %swap3A_35], %dot_general3A_33 {strides = array<i32>} : memref<1000x128xf32, #tpu.memory_space<vmem>>, vector<1000x128xf32>,
    return
  }
  func.func @transform_0(%arg0: i32) -> (i32, i32, i32) {
    %c0_i32 = arith.constant 0 : i32
    %c0_i32_0 = arith.constant 0 : i32
    %c0_i32_1 = arith.constant 0 : i32
    return %c0_i32, %arg0, %c0_i32_0 : i32, i32, i32
  }
  func.func @transform_1(%arg0: i32) -> (i32, i32) {
    %c0_i32 = arith.constant 0 : i32
    %c0_i32_0 = arith.constant 0 : i32
    return %arg0, %c0_i32 : i32, i32
  }
  func.func @transform_2(%arg0: i32) -> (i32, i32) {
    %c0_i32 = arith.constant 0 : i32
    %c0_i32_0 = arith.constant 0 : i32
    return %arg0, %c0_i32 : i32, i32
  }
  func.func @transform_3(%arg0: i32) -> (i32, i32) {
    %c0_i32 = arith.constant 0 : i32
    %c0_i32_0 = arith.constant 0 : i32
    %c0_i32_1 = arith.constant 0 : i32
    return %c0_i32, %c0_i32_0 : i32, i32
  }
  func.func @transform_4(%arg0: i32) -> (i32, i32) {
    %c0_i32 = arith.constant 0 : i32
    %c0_i32_0 = arith.constant 0 : i32
    %c0_i32_1 = arith.constant 0 : i32
    return %c0_i32, %c0_i32_0 : i32, i32
  }
  func.func @transform_5(%arg0: i32) -> (i32, i32) {
    %c0_i32 = arith.constant 0 : i32
    %c0_i32_0 = arith.constant 0 : i32
    %c0_i32_1 = arith.constant 0 : i32
    return %c0_i32, %c0_i32_0 : i32, i32
  }
  func.func @transform_6(%arg0: i32) -> (i32, i32) {
    %c0_i32 = arith.constant 0 : i32
    %c0_i32_0 = arith.constant 0 : i32
    return %arg0, %c0_i32 : i32, i32
  }
  func.func @transform_7(%arg0: i32) -> (i32, i32) {
    %c0_i32 = arith.constant 0 : i32
    %c0_i32_0 = arith.constant 0 : i32
    return %arg0, %c0_i32 : i32, i32
  }
}

module attributes {stable_mosaic.version = 14 : i64} {
  func.func @_cls_body(%arg0: i32, %arg1: memref<4000x128xf32, #tpu.memory_space<vmem>>, %arg2: memref<4000x16xf32, #tpu.memory_space<vmem>>, %arg3: memref<128x16xf32, #tpu.memory_space<vmem>>, %arg4: memref<1x128xf32, #tpu.memory_space<vmem>>, %arg5: memref<64x128xf32, #tpu.memory_space<vmem>>, %arg6: memref<1x64xf32, #tpu.memory_space<vmem>>, %arg7: memref<1x64xf32, #tpu.memory_space<vmem>>, %arg8: memref<1x1xf32, #tpu.memory_space<vmem>>, %arg9: memref<4000x1xf32, #tpu.memory_space<vmem>>) attributes {dimension_semantics = [#tpu.dimension_semantics<arbitrary>], iteration_bounds = array<i64: 80>, scalar_prefetch = 0 : i64, scratch_operands = 0 : i64, tpu.core_type = #tpu.core_type<tc>, window_params = [{transform_indices = @transform_0, window_bounds = array<i64: 4000, 128>}, {transform_indices = @transform_1, window_bounds = array<i64: 4000, 16>}, {pipeline_mode = #tpu.pipeline_mode<synchronous>, transform_indices = @transform_2, window_bounds = array<i64: 128, 16>}, {pipeline_mode = #tpu.pipeline_mode<synchronous>, transform_indices = @transform_3, window_bounds = array<i64: 1, 128>}, {pipeline_mode = #tpu.pipeline_mode<synchronous>, transform_indices = @transform_4, window_bounds = array<i64: 64, 128>}, {pipeline_mode = #tpu.pipeline_mode<synchronous>, transform_indices = @transform_5, window_bounds = array<i64: 1, 64>}, {pipeline_mode = #tpu.pipeline_mode<synchronous>, transform_indices = @transform_6, window_bounds = array<i64: 1, 64>}, {pipeline_mode = #tpu.pipeline_mode<synchronous>, transform_indices = @transform_7, window_bounds = array<i64: 1, 1>}, {transform_indices = @transform_8, window_bounds = array<i64: 4000, 1>}]} {
    %get3A = arith.constant 0 : index
    %get3A_0 = arith.constant 0 : index
    %get3A_1 = vector.load %arg1[%get3A, %get3A_0] : memref<4000x128xf32, #tpu.memory_space<vmem>>, vector<4000x128xf32>
    %get3A_2 = arith.constant 0 : index
    %get3A_3 = arith.constant 0 : index
    %get3A_4 = vector.load %arg2[%get3A_2, %get3A_3] : memref<4000x16xf32, #tpu.memory_space<vmem>>, vector<4000x16xf32>
    %get3A_5 = arith.constant 0 : index
    %get3A_6 = arith.constant 0 : index
    %get3A_7 = vector.load %arg3[%get3A_5, %get3A_6] : memref<128x16xf32, #tpu.memory_space<vmem>>, vector<128x16xf32>
    %transpose3A = tpu.transpose %get3A_7, [1, 0] : vector<128x16xf32> -> vector<16x128xf32>
    %dot_general3A = arith.constant dense<0.000000e+00> : vector<4000x128xf32>
    %dot_general3A_8 = tpu.matmul %get3A_4, %transpose3A, %dot_general3A {dimension_numbers = #tpu.dot_dimension_numbers<[1], [0], [0], [1], [0, 0, 1, 1], [], []>, transpose_lhs_hint = false} : vector<4000x16xf32>, vector<16x128xf32>, vector<4000x128xf32> -> vector<4000x128xf32>
    %add3A = arith.addf %get3A_1, %dot_general3A_8 : vector<4000x128xf32>
    %get3A_9 = arith.constant 0 : index
    %get3A_10 = arith.constant 0 : index
    %get3A_11 = vector.load %arg4[%get3A_9, %get3A_10] : memref<1x128xf32, #tpu.memory_space<vmem>>, vector<1x128xf32>
    %add3A_12 = vector.broadcast %get3A_11 : vector<1x128xf32> to vector<4000x128xf32>
    %add3A_13 = arith.addf %add3A, %add3A_12 : vector<4000x128xf32>
    %max3A = arith.constant 0.000000e+00 : f32
    %max3A_14 = vector.broadcast %max3A : f32 to vector<4000x128xf32>
    %max3A_15 = arith.maximumf %add3A_13, %max3A_14 : vector<4000x128xf32>
    %get3A_16 = arith.constant 0 : index
    %get3A_17 = arith.constant 0 : index
    %get3A_18 = vector.load %arg5[%get3A_16, %get3A_17] : memref<64x128xf32, #tpu.memory_space<vmem>>, vector<64x128xf32>
    %transpose3A_19 = tpu.transpose %get3A_18, [1, 0] : vector<64x128xf32> -> vector<128x64xf32>
    %dot_general3A_20 = arith.constant dense<0.000000e+00> : vector<4000x64xf32>
    %dot_general3A_21 = tpu.matmul %max3A_15, %transpose3A_19, %dot_general3A_20 {dimension_numbers = #tpu.dot_dimension_numbers<[1], [0], [0], [1], [0, 0, 1, 1], [], []>, transpose_lhs_hint = false} : vector<4000x128xf32>, vector<128x64xf32>, vector<4000x64xf32> -> vector<4000x64xf32>
    %get3A_22 = arith.constant 0 : index
    %get3A_23 = arith.constant 0 : index
    %get3A_24 = vector.load %arg6[%get3A_22, %get3A_23] : memref<1x64xf32, #tpu.memory_space<vmem>>, vector<1x64xf32>
    %add3A_25 = vector.broadcast %get3A_24 : vector<1x64xf32> to vector<4000x64xf32>
    %add3A_26 = arith.addf %dot_general3A_21, %add3A_25 : vector<4000x64xf32>
    %max3A_27 = arith.constant 0.000000e+00 : f32
    %max3A_28 = vector.broadcast %max3A_27 : f32 to vector<4000x64xf32>
    %max3A_29 = arith.maximumf %add3A_26, %max3A_28 : vector<4000x64xf32>
    %get3A_30 = arith.constant 0 : index
    %get3A_31 = arith.constant 0 : index
    %get3A_32 = vector.load %arg7[%get3A_30, %get3A_31] : memref<1x64xf32, #tpu.memory_space<vmem>>, vector<1x64xf32>
    %mul3A = vector.broadcast %get3A_32 : vector<1x64xf32> to vector<4000x64xf32>
    %mul3A_33 = arith.mulf %max3A_29, %mul3A : vector<4000x64xf32>
    %reduce_sum3A = arith.constant dense<0.000000e+00> : vector<4000xf32>
    %reduce_sum3A_34 = vector.multi_reduction <add>, %mul3A_33, %reduce_sum3A [1] : vector<4000x64xf32> to vector<4000xf32>
    %broadcast_in_dim3A = vector.shape_cast %reduce_sum3A_34 : vector<4000xf32> to vector<4000x1xf32>
    %get3A_35 = arith.constant 0 : index
    %get3A_36 = arith.constant 0 : index
    %get3A_37 = vector.load %arg8[%get3A_35, %get3A_36] : memref<1x1xf32, #tpu.memory_space<vmem>>, vector<1x1xf32>
    %get3A_38 = vector.extract %get3A_37[0, 0] : f32 from vector<1x1xf32>
    %add3A_39 = vector.broadcast %get3A_38 : f32 to vector<4000x1xf32>
    %add3A_40 = arith.addf %broadcast_in_dim3A, %add3A_39 : vector<4000x1xf32>
    %swap3A = arith.constant 0 : index
    %swap3A_41 = arith.constant 0 : index
    %swap3A_42 = vector.load %arg9[%swap3A, %swap3A_41] : memref<4000x1xf32, #tpu.memory_space<vmem>>, vector<4000x1xf32>
    tpu.vector_store %arg9[%swap3A, %swap3A_41], %add3A_40 {strides = array<i32>} : memref<4000x1xf32, #tpu.memory_space<vmem>>, vector<4000x1xf32>,
    return
  }
  func.func @transform_0(%arg0: i32) -> (i32, i32) {
    %c0_i32 = arith.constant 0 : i32
    %c0_i32_0 = arith.constant 0 : i32
    return %arg0, %c0_i32 : i32, i32
  }
  func.func @transform_1(%arg0: i32) -> (i32, i32) {
    %c0_i32 = arith.constant 0 : i32
    %c0_i32_0 = arith.constant 0 : i32
    return %arg0, %c0_i32 : i32, i32
  }
  func.func @transform_2(%arg0: i32) -> (i32, i32) {
    %c0_i32 = arith.constant 0 : i32
    %c0_i32_0 = arith.constant 0 : i32
    %c0_i32_1 = arith.constant 0 : i32
    return %c0_i32, %c0_i32_0 : i32, i32
  }
  func.func @transform_3(%arg0: i32) -> (i32, i32) {
    %c0_i32 = arith.constant 0 : i32
    %c0_i32_0 = arith.constant 0 : i32
    %c0_i32_1 = arith.constant 0 : i32
    return %c0_i32, %c0_i32_0 : i32, i32
  }
  func.func @transform_4(%arg0: i32) -> (i32, i32) {
    %c0_i32 = arith.constant 0 : i32
    %c0_i32_0 = arith.constant 0 : i32
    %c0_i32_1 = arith.constant 0 : i32
    return %c0_i32, %c0_i32_0 : i32, i32
  }
  func.func @transform_5(%arg0: i32) -> (i32, i32) {
    %c0_i32 = arith.constant 0 : i32
    %c0_i32_0 = arith.constant 0 : i32
    %c0_i32_1 = arith.constant 0 : i32
    return %c0_i32, %c0_i32_0 : i32, i32
  }
  func.func @transform_6(%arg0: i32) -> (i32, i32) {
    %c0_i32 = arith.constant 0 : i32
    %c0_i32_0 = arith.constant 0 : i32
    %c0_i32_1 = arith.constant 0 : i32
    return %c0_i32, %c0_i32_0 : i32, i32
  }
  func.func @transform_7(%arg0: i32) -> (i32, i32) {
    %c0_i32 = arith.constant 0 : i32
    %c0_i32_0 = arith.constant 0 : i32
    %c0_i32_1 = arith.constant 0 : i32
    return %c0_i32, %c0_i32_0 : i32, i32
  }
  func.func @transform_8(%arg0: i32) -> (i32, i32) {
    %c0_i32 = arith.constant 0 : i32
    %c0_i32_0 = arith.constant 0 : i32
    return %arg0, %c0_i32 : i32, i32
  }
}

</mosaic_0001>

<sc_bundles>
// kernel: kernel.12.cloned.1.call-start
scs
__scs_entry_jumppad:
0x0: {  	(pc) =	sbr.rel $0x88, $3  }
0x1: {  	(tag) =	ssettag $0x0;
	lr =	simm.s32 $0x1  }
0x2: {  	[smem:$0x3F90] =	sst lr;
	_ =	strace $0xD0000000  }
0x3: {  	_ = 	snop  }
0x4: {  	_ = 	snop  }
0x5: {  	_ = 	snop  }
0x6: {  	_ = 	snop  }
0x7: {  	_ = 	snop  }
__scs_overlays_trampoline_lowered:
0x8: {  	[smem:$0x3F9F] =	sst s0  }
0x9: {  	[smem:$0x3FA0] =	sst s1  }
0xa: {  	[smem:$0x3FA1] =	sst s2  }
0xb: {  	[smem:$0x3FA2] =	sst s3  }
0xc: {  	[smem:$0x3FA3] =	sst s4  }
0xd: {  	[smem:$0x3FA4] =	sst s5  }
0xe: {  	[smem:$0x3FA5] =	sst s6  }
0xf: {  	[smem:$0x3FA6] =	sst s7  }
0x10: {  	[smem:$0x3FA7] =	sst s8  }
0x11: {  	[smem:$0x3FA8] =	sst s9;
	s0 =	simm.s32 @!p0 $0x0  }
0x12: {  	s1 =	sld [smem:$0x3F8E];
	s0 =	simm.s32 @p0 $0x1  }
0x13: {  	[smem:$0x3FA9] =	sst s0;
	s0 =	simm.s32 @!p1 $0x0  }
0x14: {  	s2 =	sld [smem:$0x3F8D];
	s0 =	simm.s32 @p1 $0x1  }
0x15: {  	[smem:$0x3FAA] =	sst s0;
	s0 =	simm.s32 @!p2 $0x0  }
0x16: {  	s3 =	sld [smem:$0x3FDB];
	s0 =	simm.s32 @p2 $0x1  }
0x17: {  	s4 =	simm.s32 $0x1BF5;
	[smem:$0x3FAC] =	sst s0  }
0x18: {  	s0 =	sld [smem:$0x3F8F];
	_ =	swait.ge [sflag:s4], $0x0  }
0x19: {  	s7 =	sld [smem:$0x3F90]  }
0x1a: {  	s8 =	sadd.s32 $0xFFFFE003, lr  }
0x1b: {  	s9 =	sadd.s32 $0xFFFFFEF7, lr;
	s5 =	simm.s32 $0xFFFFFFFF;
	p2 =	slt.u32 s8, $0xFFFFF086  }
0x1c: {  	p1 =	slt.u32 s9, $0xF7A;
	s5 =	simm.s32 @!p2 $0x0  }
0x1d: {  	s5 =	simm.s32 @p1 $0x1;
	p0 =	seq.s32 s7, s2  }
0x1e: {  	s7 =	smul.u32 @!p0 $0xF7A, s2;
	p2 =	seq.s32 @!p0 s5, $0x0  }
0x1f: {  	s9 =	smul.u32 $0xF7A, s1;
	s8 =	simm.s32 @!p0 $0x1BF5;
	p2 =	por !p2, p0  }
0x20: {  	[sflag:s8] =	ssyncset.s32 @!p0 $0xFFFFF086;
	s6 =	sadd.s32 @!p0 s3, s7;
	s7 =	simm.s32 @!p0 $0x108  }
0x21: {  	s3 =	sadd.s32 s3, s9;
	s6 =	sadd.s32 @!p0 $0x88, s6;
	s7 =	simm.s32 @p2 $0x1082  }
0x22: {  	[simem:s7], [sflag:s8] =	dma.local @!p0 [hbm:s6], $0xF7A  }
0x23: {  	s9 =	sor.u32 $0xD0000000, s2;
	s6 =	simm.s32 $0x108;
	_ =	swait.ge @!p0 [sflag:s8], $0x0  }
0x24: {  	s3 =	sadd.s32 $0x88, s3;
	s6 =	simm.s32 @!p1 $0x1082;
	[sflag:s4] =	ssyncset.s32 $0xFFFFF086  }
0x25: {  	[simem:s6], [sflag:s4] =	dma.local [hbm:s3], $0xF7A  }
0x26: {  	[smem:$0x3F90] =	sst s1;
	(tag) =	ssettag s2;
	_ =	strace s9  }
0x27: {  	s1 =	sld [smem:$0x3FA0]  }
0x28: {  	s2 =	sld [smem:$0x3FA1]  }
0x29: {  	s4 =	sld [smem:$0x3FA3]  }
0x2a: {  	p0 =	seq.s32 s5, $0x0;
	s5 =	sld [smem:$0x3FA4]  }
0x2b: {  	s6 =	sld [smem:$0x3FA5]  }
0x2c: {  	s7 =	sld [smem:$0x3FA6]  }
0x2d: {  	s3 =	simm.s32 $0x108;
	s8 =	sld [smem:$0x3FA7]  }
0x2e: {  	s3 =	simm.s32 @!p0 $0x1082;
	s9 =	sld [smem:$0x3FA8]  }
0x2f: {  	lr =	sadd.s32 s0, s3;
	s0 =	sld [smem:$0x3F9F]  }
0x30: {  	s3 =	sld [smem:$0x3FA2]  }
0x31: {  	[smem:$0x3FAB] =	sst s10  }
0x32: {  	s10 =	sld [smem:$0x3FA9];
	_ =	sdelay $0x3  }
0x33: {  	p0 =	seq.s32 s10, $0x1;
	s10 =	sld [smem:$0x3FAB];
	_ =	sdelay $0x3  }
0x34: {  	[smem:$0x3FAB] =	sst s10  }
0x35: {  	s10 =	sld [smem:$0x3FAA];
	_ =	sdelay $0x3  }
0x36: {  	p1 =	seq.s32 s10, $0x1;
	s10 =	sld [smem:$0x3FAB];
	_ =	sdelay $0x3  }
0x37: {  	[smem:$0x3FAB] =	sst s10  }
0x38: {  	s10 =	sld [smem:$0x3FAC]  }
0x39: {  	_ = 	snop;
	(pc) =	sbr.ind lr, $3  }
0x3a: {  	_ = 	snop  }
0x3b: {  	_ = 	snop  }
0x3c: {  	p2 =	seq.s32 s10, $0x1;
	s10 =	sld [smem:$0x3FAB]  }
0x3d: {  	_ =	shalt  }
0x3e: {  	_ =	shalt  }
0x3f: {  	_ =	shalt  }
0x40: {  	_ =	shalt  }
0x41: {  	_ =	shalt  }
0x42: {  	_ =	shalt  }
0x43: {  	_ =	shalt  }
0x44: {  	_ =	shalt  }
0x45: {  	_ =	shalt  }
0x46: {  	_ =	shalt  }
0x47: {  	_ =	shalt  }
0x48: {  	_ =	shalt  }
0x49: {  	_ =	shalt  }
0x4a: {  	_ =	shalt  }
0x4b: {  	_ =	shalt  }
0x4c: {  	_ =	shalt  }
0x4d: {  	_ =	shalt  }
0x4e: {  	_ =	shalt  }
0x4f: {  	_ =	shalt  }
0x50: {  	_ =	shalt  }
0x51: {  	_ =	shalt  }
0x52: {  	_ =	shalt  }
0x53: {  	_ =	shalt  }
0x54: {  	_ =	shalt  }
0x55: {  	_ =	shalt  }
0x56: {  	_ =	shalt  }
0x57: {  	_ =	shalt  }
0x58: {  	_ =	shalt  }
0x59: {  	_ =	shalt  }
0x5a: {  	_ =	shalt  }
0x5b: {  	_ =	shalt  }
0x5c: {  	_ =	shalt  }
0x5d: {  	_ =	shalt  }
0x5e: {  	_ =	shalt  }
0x5f: {  	_ =	shalt  }
0x60: {  	_ =	shalt  }
0x61: {  	_ =	shalt  }
0x62: {  	_ =	shalt  }
0x63: {  	_ =	shalt  }
0x64: {  	_ =	shalt  }
0x65: {  	_ =	shalt  }
0x66: {  	_ =	shalt  }
0x67: {  	_ =	shalt  }
0x68: {  	_ =	shalt  }
0x69: {  	_ =	shalt  }
0x6a: {  	_ =	shalt  }
0x6b: {  	_ =	shalt  }
0x6c: {  	_ =	shalt  }
0x6d: {  	_ =	shalt  }
0x6e: {  	_ =	shalt  }
0x6f: {  	_ =	shalt  }
0x70: {  	_ =	shalt  }
0x71: {  	_ =	shalt  }
0x72: {  	_ =	shalt  }
0x73: {  	_ =	shalt  }
0x74: {  	_ =	shalt  }
0x75: {  	_ =	shalt  }
0x76: {  	_ =	shalt  }
0x77: {  	_ =	shalt  }
0x78: {  	_ =	shalt  }
0x79: {  	_ =	shalt  }
0x7a: {  	_ =	shalt  }
0x7b: {  	_ =	shalt  }
0x7c: {  	_ =	shalt  }
0x7d: {  	_ =	shalt  }
0x7e: {  	_ =	shalt  }
0x7f: {  	_ =	shalt  }
0x80: {  	_ =	shalt  }
0x81: {  	_ =	shalt  }
0x82: {  	_ =	shalt  }
0x83: {  	_ =	shalt  }
0x84: {  	_ =	shalt  }
0x85: {  	_ =	shalt  }
0x86: {  	_ =	shalt  }
0x87: {  	_ =	shalt  }
.Lfunc_end0:
.L_simem_size_0:
called_computation_lowered:
.L_overlay_start_0:
0x88: {  	s2 =	sld [smem:$0x3FD9]  }
0x89: {  	s3 =	sld [smem:$0x3FFE];
	_ =	sdelay $0x1  }
0x8a: {  	s1 =	srdreg.scid  }
0x8b: {  	s0 =	sand.u32 $0x1, s1  }
0x8c: {  	s17 =	sshll.u32 s0, $0xA;
	s2 =	sadd.s32 s3, s2  }
0x8d: {  	s2 =	sadd.s32 s2, s17  }
0x8e: {  	[smem:$0x3FB7] =	sst s2  }
0x8f: {  	_ = 	snop  }
0x90: {  	s2 =	sld [smem:$0x3FD0];
	(tm) =	ssettm $0x1  }
0x91: {  	s18 =	sld [smem:$0x3FFB];
	_ =	sdelay $0x3  }
0x92: {  	_ =	strace s18  }
0x93: {  	s3 =	sld [smem:$0x3FFC];
	_ =	sdelay $0x3  }
0x94: {  	_ =	strace s3  }
0x95: {  	s3 =	sld [smem:$0x3FFD];
	_ =	sdelay $0x3  }
0x96: {  	_ =	strace s3  }
0x97: {  	_ =	strace $0x8FFFFFFF  }
0x98: {  	s19 =	sld [smem:$0x3FDB];
	_ =	sdelay $0x1  }
0x99: {  	s4 =	simm.s32 $_scs_section_size  }
0x9a: {  	s5 =	simm.s32 $_size__tile_overlayer_lowered;
	s6 =	simm.s32 $_tile_overlayer_lowered  }
0x9b: {  	s22 =	simm.s32 $0x1BFF;
	s21 =	sshll.u32 s6, $0x1;
	s3 =	sadd.s32 s4, s19  }
0x9c: {  	s7 =	simm.s32 $0x0;
	s20 =	sshll.u32 s5, $0x1;
	s5 =	sadd.s32 s21, s3  }
0x9d: {  	[timem:s7], [sflag:s22] =	dma.local [hbm:s5], s20  }
0x9e: {  	_ =	swait.ge [sflag:s22], s20  }
0x9f: {  	s4 =	ssub.s32 $0x0, s20;
	[sflag:s22] =	ssyncset.done $0x0  }
0xa0: {  	[sflag:s22] =	ssyncadd.s32 s4;
	_ =	sdelay $0x1  }
0xa1: {  	s23 =	simm.s32 $0x1B8B  }
0xa2: {  	_ =	swait.ge [sflag:s23], $0x1  }
0xa3: {  	[sflag:s23] =	ssyncset.done $0x0  }
0xa4: {  	s25 =	simm.s32 $0x1B8E;
	s24 =	sld [smem:$0x3FFE];
	[sflag:s23] =	ssyncadd.s32 $0xFFFFFFFF  }
0xa5: {  	s26 =	simm.s32 $execute0_lowered;
	[smem:$0x3FD2] =	sst s25  }
0xa6: {  	s5 =	sshll.u32 s26, $0x1;
	_ =	strace $0x80000046;
	[dreg:$0x1] =	wrdreg $0xFFFFFFFF  }
0xa7: {  	s28 =	simm.s32 $_size_execute0_lowered;
	s3 =	sadd.s32 s3, s5;
	[dreg:$0x0] =	wrdreg $0x0  }
0xa8: {  	s5 =	sshll.u32 s28, $0x1;
	[dreg:$0x2] =	wrdreg s3  }
0xa9: {  	[dreg:$0x3] =	wrdreg s5  }
0xaa: {  	[dreg:$0x4] =	wrdreg $0xC0  }
0xab: {  	_ =	task [dreg:s7], $0x5FFFF  }
0xac: {  	[dreg:$0x1] =	wrdreg $0xFFFFFFFF  }
0xad: {  	[dreg:$0x0] =	wrdreg $0x60  }
0xae: {  	[dreg:$0x2] =	wrdreg s2  }
0xaf: {  	[dreg:$0x3] =	wrdreg s24  }
0xb0: {  	[dreg:$0x4] =	wrdreg $0x3B800  }
0xb1: {  	[dreg:$0x5] =	wrdreg $0x9  }
0xb2: {  	_ =	task.clear_ibuf [dreg:s7], $0x6FFFF;
	_ =	strace $0x90000046  }
0xb3: {  	s29 =	simm.s32 $0x9;
	_ =	strace $0x80000048  }
0xb4: {  	_ =	swait.ge [sflag:s29], $0x1  }
0xb5: {  	[sflag:s29] =	ssyncadd.s32 $0xFFFFFFFF  }
0xb6: {  	_ =	strace $0x90000048  }
0xb7: {  	_ =	sfence  }
0xb8: {  	s30 =	sld [smem:$0x0];
	_ =	sdelay $0x2  }
0xb9: {  	s31 =	sshll.u32 s1, $0xD;
	s1 =	sshrl.u32 s1, $0x2  }
0xba: {  	s3 =	sand.u32 $0x4000, s31;
	s1 =	sadd.s32 s1, s30  }
0xbb: {  	s0 =	sor.u32 s3, s0;
	s1 =	sshll.u32 s1, $0x11  }
0xbc: {  	s0 =	sor.u32 s1, s0  }
0xbd: {  	s0 =	sadd.s32 $0x8F2B, s0  }
0xbe: {  	[sflag:s0] =	ssyncadd.remote.s32 $0x1  }
0xbf: {  	_ =	sfence.sel $0xFFFF  }
0xc0: {  	[dreg:$0x0] =	wrdreg $0xFFFFFFFF;
	(pc) =	sbr.abs _section_cstart, $3  }
0xc1: {  	[dreg:$0x1] =	wrdreg $0xFFFFFFFF  }
0xc2: {  	_ =	task.clear_ibuf [dreg:s7], $0x2FFFF;
	_ =	strace $0x9FFFFFFF  }
0xc3: {  	(tm) =	ssettm $0x7FFFFFFF  }
tec
execute0_lowered:
.L_overlay_start_1:
0x0: {  	(tag) =	ssettag $0x1  }
0x1: {  	s5 =	rddreg [dreg:$0x0]  }
0x2: {  	s6 =	rddreg [dreg:$0x1]  }
0x3: {  	s2 =	rddreg [dreg:$0x2]  }
0x4: {  	s0 =	rddreg [dreg:$0x3];
	s1 =	stileid.u32  }
0x5: {  	s4 =	srdreg.scid;
	s3 =	simm.s32 $0x0;
	s13 =	simm.s32 $0x28  }
0x6: {  	s14 =	simm.s32 $0x0;
	s7 =	smul.u32 $0x13C00, s1;
	s8 =	sand.u32 $0x1, s4  }
0x7: {  	[smem:$0x7FF] =	sst s3;
	s4 =	sadd.s32 $0xE200, s6;
	s28 =	smul.u32 $0x4F000, s1  }
0x8: {  	s26 =	sshll.u32 s1, $0x1;
	s31 =	sshll.u32 s1, $0x6;
	s9 =	smul.u32 $0x13C000, s8  }
0x9: {  	_ =	strace $0x80000047;
	s11 =	ssub.s32 $0x2, s8;
	s8 =	sor.u32 s8, s26  }
0xa: {  	s10 =	sshrl.u32 s7, $0x3;
	s12 =	sshrl.u32 s11, $0x1;
	s8 =	smul.u32 $0x4E2, s8  }
0xb: {  	s29 =	sshrl.u32 s28, $0x2;
	s10 =	sadd.s32 s10, s6;
	s7 =	sadd.s32 s7, s9  }
0xc: {  	s11 =	ssub.s32 s11, s12;
	s30 =	sadd.s32 s29, s2;
	s9 =	simm.s32 $0x1  }
0xd: {  	s7 =	sshrl.u32 s7, $0x3;
	s5 =	sadd.s32 s5, s8;
	s8 =	smax.u32 s11, $0x1  }
0xe: {  	s11 =	sor.u32 $0x1C01, s31;
	s12 =	sshrl.u32 s30, $0x3;
	s7 =	sadd.s32 s7, s6  }
0xf: {  	s6 =	sadd.s32 $0xE600, s10;
	s10 =	simm.s32 $0x2780;
	s7 =	sadd.s32 $0x35E00, s7  }
.LBB2_1:
0x10: {  	[tilespmem:s3], [sflag:$0x1] =	stream.linear.gather [hbm4b:s5+s3], $0x2710, $0x38;
	[tilespmem:$0x17780] =	vst v63  }
0x11: {  	_ =	swait.ge [sflag:s9], $0x2710  }
0x12: {  	[sflag:s9] =	ssyncset.done $0x0  }
0x13: {  	[sflag:s9] =	ssyncadd.s32 $0xFFFFD8F0  }
0x14: {  	[tilespmem:s10], [sflag:$0x1] =	stream.linear.gather [hbm4b:s4+s3], $0x1400, $0x38;
	[tilespmem:$0x17780] =	vst v63  }
0x15: {  	_ =	swait.ge [sflag:s9], $0x1400  }
0x16: {  	[sflag:s9] =	ssyncset.done $0x0  }
0x17: {  	[sflag:s9] =	ssyncadd.s32 $0xFFFFEC00  }
0x18: {  	[spmem:s12], [sflag:s11] =	dma.local [hbm:s6], $0x2780  }
0x19: {  	_ =	swait.ge [sflag:s9], $0x2780  }
0x1a: {  	[sflag:s9] =	ssyncset.done $0x0  }
0x1b: {  	[sflag:s9] =	ssyncadd.s32 $0xFFFFD880  }
0x1c: {  	s15 =	simm.s32 $0x0;
	[bflag:$0x0] =	sbarrier.arrive $0xFFFF  }
0x1d: {  	[spmem:s2] =	stream.indirect.scatter.add.f32 [tilespmem:s10], [sflag:$0x1], $0x80, s15, s13, $0xb8;
	[tilespmem:$0x17780] =	vst v63  }
0x1e: {  	_ =	swait.ge [sflag:s9], $0x1400  }
0x1f: {  	s15 =	simm.s32 $0xA0;
	[sflag:s9] =	ssyncset.done $0x0  }
.LBB2_2:
0x20: {  	s16 =	sshra.s32 s15, $0x2;
	[sflag:s9] =	ssyncadd.s32 $0xFFFFEC00;
	p0 =	sne.s32 s15, $0x9BA0  }
0x21: {  	[spmem:s2] =	stream.indirect.scatter.add.f32 [tilespmem:s10], [sflag:$0x1], $0x80, s16, s13, $0xb8;
	[tilespmem:$0x17780] =	vst v63  }
.Ltmp0:
0x22: {  	_ = 	snop;
	(pc) =	sbr.rel @p0 .LBB2_2-.Ltmp0, $4  }
0x23: {  	_ = 	snop  }
0x24: {  	s15 =	sadd.s32 $0xA0, s15  }
0x25: {  	_ =	swait.ge [sflag:s9], $0x1400  }
0x26: {  	[sflag:s9] =	ssyncset.done $0x0  }
0x27: {  	s14 =	sadd.s32 $0x1, s14  }
0x28: {  	[sflag:s9] =	ssyncadd.s32 $0xFFFFEC00;
	p0 =	sne.s32 s14, s8  }
.Ltmp1:
0x29: {  	[bflag:$0x0] =	sbarrier.arrive $0xFFFF;
	(pc) =	sbr.rel @p0 .LBB2_1-.Ltmp1, $4  }
0x2a: {  	[hbm:s7], [sflag:s11] =	dma.local [spmem:s12], $0x2780  }
0x2b: {  	_ =	swait.ge [sflag:s9], $0x2780  }
0x2c: {  	[sflag:s9] =	ssyncset.done $0x0  }
0x2d: {  	[sflag:s9] =	ssyncadd.s32 $0xFFFFD880  }
0x2e: {  	_ =	sfence.sel $0x180000  }
0x2f: {  	[bflag:$0x0] =	sbarrier.arrive $0xFFFF  }
0x30: {  	p0 =	sne.s32 s1, $0x0;
	_ =	strace $0x90000047  }
0x31: {  	s0 =	sadd.s32 @!p0 $0x100000, s0;
	[bflag:$0x2] =	sbarrier.arrive $0xFFFF  }
0x32: {  	[sflag:s0] =	ssyncadd.tile.s32 @!p0 $0x1;
	_ =	shalt  }
.Lfunc_end2:
_tile_overlayer_lowered:
.L_overlay_start_2:
0x33: {  	(tag) =	ssettag $0x2  }
0x34: {  	s0 =	rddreg [dreg:$0x0];
	s2 =	stileid.u32  }
0x35: {  	s1 =	rddreg [dreg:$0x1];
	p0 =	sne.s32 s2, $0x0  }
0x36: {  	s3 =	rddreg [dreg:$0x2];
	[bflag:$0x3] =	sbarrier.arrive $0xFFFF;
	s2 =	simm.s32 @!p0 $0x1C01  }
0x37: {  	[timem:s3], [sflag:s2] =	dma.local @!p0 [hbm:s0], s1  }
0x38: {  	s0 =	simm.s32 @!p0 $0x1  }
0x39: {  	_ =	swait.ge @!p0 [sflag:s0], s1  }
0x3a: {  	s1 =	ssub.s32 @!p0 $0x0, s1;
	[sflag:s0] =	ssyncset.done @!p0 $0x0  }
0x3b: {  	[sflag:s0] =	ssyncadd.s32 @!p0 s1  }
0x3c: {  	[bflag:$0x3] =	sbarrier.arrive $0xFFFF  }
0x3d: {  	_ =	shalt  }

// kernel: kernel.15.cloned.1.call-start
scs
__scs_entry_jumppad:
0x0: {  	(pc) =	sbr.rel $0x88, $3  }
0x1: {  	(tag) =	ssettag $0x0;
	lr =	simm.s32 $0x1  }
0x2: {  	[smem:$0x3F90] =	sst lr;
	_ =	strace $0xD0000000  }
0x3: {  	_ = 	snop  }
0x4: {  	_ = 	snop  }
0x5: {  	_ = 	snop  }
0x6: {  	_ = 	snop  }
0x7: {  	_ = 	snop  }
__scs_overlays_trampoline_lowered:
0x8: {  	[smem:$0x3F9F] =	sst s0  }
0x9: {  	[smem:$0x3FA0] =	sst s1  }
0xa: {  	[smem:$0x3FA1] =	sst s2  }
0xb: {  	[smem:$0x3FA2] =	sst s3  }
0xc: {  	[smem:$0x3FA3] =	sst s4  }
0xd: {  	[smem:$0x3FA4] =	sst s5  }
0xe: {  	[smem:$0x3FA5] =	sst s6  }
0xf: {  	[smem:$0x3FA6] =	sst s7  }
0x10: {  	[smem:$0x3FA7] =	sst s8  }
0x11: {  	[smem:$0x3FA8] =	sst s9;
	s0 =	simm.s32 @!p0 $0x0  }
0x12: {  	s1 =	sld [smem:$0x3F8E];
	s0 =	simm.s32 @p0 $0x1  }
0x13: {  	[smem:$0x3FA9] =	sst s0;
	s0 =	simm.s32 @!p1 $0x0  }
0x14: {  	s2 =	sld [smem:$0x3F8D];
	s0 =	simm.s32 @p1 $0x1  }
0x15: {  	[smem:$0x3FAA] =	sst s0;
	s0 =	simm.s32 @!p2 $0x0  }
0x16: {  	s3 =	sld [smem:$0x3FDB];
	s0 =	simm.s32 @p2 $0x1  }
0x17: {  	s4 =	simm.s32 $0x1BF5;
	[smem:$0x3FAC] =	sst s0  }
0x18: {  	s0 =	sld [smem:$0x3F8F];
	_ =	swait.ge [sflag:s4], $0x0  }
0x19: {  	s7 =	sld [smem:$0x3F90]  }
0x1a: {  	s8 =	sadd.s32 $0xFFFFE003, lr  }
0x1b: {  	s9 =	sadd.s32 $0xFFFFFEF7, lr;
	s5 =	simm.s32 $0xFFFFFFFF;
	p2 =	slt.u32 s8, $0xFFFFF086  }
0x1c: {  	p1 =	slt.u32 s9, $0xF7A;
	s5 =	simm.s32 @!p2 $0x0  }
0x1d: {  	s5 =	simm.s32 @p1 $0x1;
	p0 =	seq.s32 s7, s2  }
0x1e: {  	s7 =	smul.u32 @!p0 $0xF7A, s2;
	p2 =	seq.s32 @!p0 s5, $0x0  }
0x1f: {  	s9 =	smul.u32 $0xF7A, s1;
	s8 =	simm.s32 @!p0 $0x1BF5;
	p2 =	por !p2, p0  }
0x20: {  	[sflag:s8] =	ssyncset.s32 @!p0 $0xFFFFF086;
	s6 =	sadd.s32 @!p0 s3, s7;
	s7 =	simm.s32 @!p0 $0x108  }
0x21: {  	s3 =	sadd.s32 s3, s9;
	s6 =	sadd.s32 @!p0 $0x88, s6;
	s7 =	simm.s32 @p2 $0x1082  }
0x22: {  	[simem:s7], [sflag:s8] =	dma.local @!p0 [hbm:s6], $0xF7A  }
0x23: {  	s9 =	sor.u32 $0xD0000000, s2;
	s6 =	simm.s32 $0x108;
	_ =	swait.ge @!p0 [sflag:s8], $0x0  }
0x24: {  	s3 =	sadd.s32 $0x88, s3;
	s6 =	simm.s32 @!p1 $0x1082;
	[sflag:s4] =	ssyncset.s32 $0xFFFFF086  }
0x25: {  	[simem:s6], [sflag:s4] =	dma.local [hbm:s3], $0xF7A  }
0x26: {  	[smem:$0x3F90] =	sst s1;
	(tag) =	ssettag s2;
	_ =	strace s9  }
0x27: {  	s1 =	sld [smem:$0x3FA0]  }
0x28: {  	s2 =	sld [smem:$0x3FA1]  }
0x29: {  	s4 =	sld [smem:$0x3FA3]  }
0x2a: {  	p0 =	seq.s32 s5, $0x0;
	s5 =	sld [smem:$0x3FA4]  }
0x2b: {  	s6 =	sld [smem:$0x3FA5]  }
0x2c: {  	s7 =	sld [smem:$0x3FA6]  }
0x2d: {  	s3 =	simm.s32 $0x108;
	s8 =	sld [smem:$0x3FA7]  }
0x2e: {  	s3 =	simm.s32 @!p0 $0x1082;
	s9 =	sld [smem:$0x3FA8]  }
0x2f: {  	lr =	sadd.s32 s0, s3;
	s0 =	sld [smem:$0x3F9F]  }
0x30: {  	s3 =	sld [smem:$0x3FA2]  }
0x31: {  	[smem:$0x3FAB] =	sst s10  }
0x32: {  	s10 =	sld [smem:$0x3FA9];
	_ =	sdelay $0x3  }
0x33: {  	p0 =	seq.s32 s10, $0x1;
	s10 =	sld [smem:$0x3FAB];
	_ =	sdelay $0x3  }
0x34: {  	[smem:$0x3FAB] =	sst s10  }
0x35: {  	s10 =	sld [smem:$0x3FAA];
	_ =	sdelay $0x3  }
0x36: {  	p1 =	seq.s32 s10, $0x1;
	s10 =	sld [smem:$0x3FAB];
	_ =	sdelay $0x3  }
0x37: {  	[smem:$0x3FAB] =	sst s10  }
0x38: {  	s10 =	sld [smem:$0x3FAC]  }
0x39: {  	_ = 	snop;
	(pc) =	sbr.ind lr, $3  }
0x3a: {  	_ = 	snop  }
0x3b: {  	_ = 	snop  }
0x3c: {  	p2 =	seq.s32 s10, $0x1;
	s10 =	sld [smem:$0x3FAB]  }
0x3d: {  	_ =	shalt  }
0x3e: {  	_ =	shalt  }
0x3f: {  	_ =	shalt  }
0x40: {  	_ =	shalt  }
0x41: {  	_ =	shalt  }
0x42: {  	_ =	shalt  }
0x43: {  	_ =	shalt  }
0x44: {  	_ =	shalt  }
0x45: {  	_ =	shalt  }
0x46: {  	_ =	shalt  }
0x47: {  	_ =	shalt  }
0x48: {  	_ =	shalt  }
0x49: {  	_ =	shalt  }
0x4a: {  	_ =	shalt  }
0x4b: {  	_ =	shalt  }
0x4c: {  	_ =	shalt  }
0x4d: {  	_ =	shalt  }
0x4e: {  	_ =	shalt  }
0x4f: {  	_ =	shalt  }
0x50: {  	_ =	shalt  }
0x51: {  	_ =	shalt  }
0x52: {  	_ =	shalt  }
0x53: {  	_ =	shalt  }
0x54: {  	_ =	shalt  }
0x55: {  	_ =	shalt  }
0x56: {  	_ =	shalt  }
0x57: {  	_ =	shalt  }
0x58: {  	_ =	shalt  }
0x59: {  	_ =	shalt  }
0x5a: {  	_ =	shalt  }
0x5b: {  	_ =	shalt  }
0x5c: {  	_ =	shalt  }
0x5d: {  	_ =	shalt  }
0x5e: {  	_ =	shalt  }
0x5f: {  	_ =	shalt  }
0x60: {  	_ =	shalt  }
0x61: {  	_ =	shalt  }
0x62: {  	_ =	shalt  }
0x63: {  	_ =	shalt  }
0x64: {  	_ =	shalt  }
0x65: {  	_ =	shalt  }
0x66: {  	_ =	shalt  }
0x67: {  	_ =	shalt  }
0x68: {  	_ =	shalt  }
0x69: {  	_ =	shalt  }
0x6a: {  	_ =	shalt  }
0x6b: {  	_ =	shalt  }
0x6c: {  	_ =	shalt  }
0x6d: {  	_ =	shalt  }
0x6e: {  	_ =	shalt  }
0x6f: {  	_ =	shalt  }
0x70: {  	_ =	shalt  }
0x71: {  	_ =	shalt  }
0x72: {  	_ =	shalt  }
0x73: {  	_ =	shalt  }
0x74: {  	_ =	shalt  }
0x75: {  	_ =	shalt  }
0x76: {  	_ =	shalt  }
0x77: {  	_ =	shalt  }
0x78: {  	_ =	shalt  }
0x79: {  	_ =	shalt  }
0x7a: {  	_ =	shalt  }
0x7b: {  	_ =	shalt  }
0x7c: {  	_ =	shalt  }
0x7d: {  	_ =	shalt  }
0x7e: {  	_ =	shalt  }
0x7f: {  	_ =	shalt  }
0x80: {  	_ =	shalt  }
0x81: {  	_ =	shalt  }
0x82: {  	_ =	shalt  }
0x83: {  	_ =	shalt  }
0x84: {  	_ =	shalt  }
0x85: {  	_ =	shalt  }
0x86: {  	_ =	shalt  }
0x87: {  	_ =	shalt  }
.Lfunc_end0:
.L_simem_size_0:
called_computation.1_lowered:
.L_overlay_start_0:
0x88: {  	s2 =	sld [smem:$0x3FD9]  }
0x89: {  	s3 =	sld [smem:$0x3FFE];
	_ =	sdelay $0x1  }
0x8a: {  	s1 =	srdreg.scid  }
0x8b: {  	s0 =	sand.u32 $0x1, s1  }
0x8c: {  	s17 =	sshll.u32 s0, $0xA;
	s2 =	sadd.s32 s3, s2  }
0x8d: {  	s2 =	sadd.s32 s2, s17  }
0x8e: {  	[smem:$0x3FB7] =	sst s2  }
0x8f: {  	_ = 	snop  }
0x90: {  	s18 =	sld [smem:$0x3FD0];
	(tm) =	ssettm $0x1  }
0x91: {  	s19 =	sld [smem:$0x3FFB];
	_ =	sdelay $0x3  }
0x92: {  	_ =	strace s19  }
0x93: {  	s2 =	sld [smem:$0x3FFC];
	_ =	sdelay $0x3  }
0x94: {  	_ =	strace s2  }
0x95: {  	s2 =	sld [smem:$0x3FFD];
	_ =	sdelay $0x3  }
0x96: {  	_ =	strace s2  }
0x97: {  	_ =	strace $0x8FFFFFFF  }
0x98: {  	s20 =	sld [smem:$0x3FDB];
	_ =	sdelay $0x1  }
0x99: {  	s4 =	simm.s32 $_scs_section_size  }
0x9a: {  	s5 =	simm.s32 $_size__tile_overlayer_lowered;
	s6 =	simm.s32 $_tile_overlayer_lowered  }
0x9b: {  	s7 =	simm.s32 $0x1BFF;
	s21 =	sshll.u32 s6, $0x1;
	s4 =	sadd.s32 s4, s20  }
0x9c: {  	s22 =	simm.s32 $0x0;
	s5 =	sshll.u32 s5, $0x1;
	s6 =	sadd.s32 s21, s4  }
0x9d: {  	[timem:s22], [sflag:s7] =	dma.local [hbm:s6], s5  }
0x9e: {  	_ =	swait.ge [sflag:s7], s5  }
0x9f: {  	s5 =	ssub.s32 $0x0, s5;
	[sflag:s7] =	ssyncset.done $0x0  }
0xa0: {  	[sflag:s7] =	ssyncadd.s32 s5;
	_ =	sdelay $0x1  }
0xa1: {  	s23 =	simm.s32 $0x1B8B  }
0xa2: {  	_ =	swait.ge [sflag:s23], $0x1  }
0xa3: {  	[sflag:s23] =	ssyncset.done $0x0  }
0xa4: {  	[sflag:s23] =	ssyncadd.s32 $0xFFFFFFFF  }
0xa5: {  	s5 =	sld [smem:$0x0]  }
0xa6: {  	s6 =	sand.u32 $0xFFFFFFFE, s1  }
0xa7: {  	p0 =	sne.s32 s1, s6  }
0xa8: {  	s6 =	sshll.u32 @p0 s6, $0xE  }
0xa9: {  	s6 =	sadd.s32 @p0 $0x11B8D, s6;
	s7 =	sshll.u32 @p0 s5, $0x11  }
0xaa: {  	s6 =	sor.u32 @p0 s7, s6  }
0xab: {  	[sflag:s6] =	ssyncadd.remote.s32 @p0 $0x1;
	_ =	sdelay $0x1  }
0xac: {  	s6 =	simm.s32 @p0 $0x1B8D  }
0xad: {  	_ =	swait.eq @p0 [sflag:s6], $0x1  }
0xae: {  	[sflag:s6] =	ssyncadd.s32 @p0 $0xFFFFFFFF  }
0xaf: {  	s7 =	sshll.u32 @!p0 s1, $0xE  }
0xb0: {  	s7 =	sor.u32 @!p0 $0x4000, s7;
	s6 =	simm.s32 @!p0 $0x1B8D  }
0xb1: {  	s5 =	sshll.u32 @!p0 s5, $0x11;
	s7 =	sadd.s32 @!p0 $0x11B8D, s7;
	_ =	swait.eq @!p0 [sflag:s6], $0x1  }
0xb2: {  	s5 =	sor.u32 @!p0 s5, s7;
	[sflag:s6] =	ssyncadd.s32 @!p0 $0xFFFFFFFF  }
0xb3: {  	s25 =	simm.s32 $0x1B8E;
	s24 =	sld [smem:$0x3FFE];
	[sflag:s5] =	ssyncadd.remote.s32 @!p0 $0x1  }
0xb4: {  	s26 =	simm.s32 $execute0_lowered;
	[smem:$0x3FD2] =	sst s25  }
0xb5: {  	s6 =	sshll.u32 s26, $0x1;
	_ =	strace $0x80000049;
	[dreg:$0x1] =	wrdreg $0xFFFFFFFF  }
0xb6: {  	s28 =	simm.s32 $_size_execute0_lowered;
	s4 =	sadd.s32 s4, s6;
	[dreg:$0x0] =	wrdreg $0x0  }
0xb7: {  	s6 =	sshll.u32 s28, $0x1;
	[dreg:$0x2] =	wrdreg s4  }
0xb8: {  	[dreg:$0x3] =	wrdreg s6  }
0xb9: {  	[dreg:$0x4] =	wrdreg $0xC0  }
0xba: {  	_ =	task [dreg:s22], $0x5FFFF  }
0xbb: {  	[dreg:$0x1] =	wrdreg $0xFFFFFFFF  }
0xbc: {  	[dreg:$0x0] =	wrdreg $0x60  }
0xbd: {  	[dreg:$0x2] =	wrdreg s24  }
0xbe: {  	[dreg:$0x3] =	wrdreg s18  }
0xbf: {  	[dreg:$0x4] =	wrdreg $0x66000  }
0xc0: {  	[dreg:$0x5] =	wrdreg $0xA  }
0xc1: {  	_ =	task.clear_ibuf [dreg:s22], $0x6FFFF;
	_ =	strace $0x90000049  }
0xc2: {  	s29 =	simm.s32 $0xA;
	_ =	strace $0x8000004B  }
0xc3: {  	_ =	swait.ge [sflag:s29], $0x1  }
0xc4: {  	[sflag:s29] =	ssyncadd.s32 $0xFFFFFFFF  }
0xc5: {  	_ =	strace $0x9000004B  }
0xc6: {  	_ =	sfence  }
0xc7: {  	s30 =	sld [smem:$0x0];
	_ =	sdelay $0x2  }
0xc8: {  	s31 =	sshll.u32 s1, $0xD;
	s1 =	sshrl.u32 s1, $0x2  }
0xc9: {  	s4 =	sand.u32 $0x4000, s31;
	s1 =	sadd.s32 s1, s30  }
0xca: {  	s0 =	sor.u32 s4, s0;
	s1 =	sshll.u32 s1, $0x11  }
0xcb: {  	s0 =	sor.u32 s1, s0  }
0xcc: {  	s0 =	sadd.s32 $0x8F2B, s0  }
0xcd: {  	[sflag:s0] =	ssyncadd.remote.s32 $0x1  }
0xce: {  	_ =	sfence.sel $0xFFFF  }
0xcf: {  	[dreg:$0x0] =	wrdreg $0xFFFFFFFF;
	(pc) =	sbr.abs _section_cstart, $3  }
0xd0: {  	[dreg:$0x1] =	wrdreg $0xFFFFFFFF  }
0xd1: {  	_ =	task.clear_ibuf [dreg:s22], $0x2FFFF;
	_ =	strace $0x9FFFFFFF  }
0xd2: {  	(tm) =	ssettm $0x7FFFFFFF  }
0xd3: {  	_ =	shalt  }
tec
execute0_lowered:
.L_overlay_start_1:
0x0: {  	(tag) =	ssettag $0x1  }
0x1: {  	s0 =	rddreg [dreg:$0x0];
	s1 =	srdreg.scid  }
0x2: {  	s11 =	stileid.u32;
	s5 =	rddreg [dreg:$0x1]  }
0x3: {  	s2 =	rddreg [dreg:$0x2];
	s3 =	simm.s32 $0x0;
	s12 =	simm.s32 $0x28  }
0x4: {  	s13 =	simm.s32 $0x200;
	s14 =	simm.s32 $0x1600;
	s26 =	simm.s32 $0x50  }
0x5: {  	s15 =	simm.s32 $0x2A00;
	s16 =	simm.s32 $0x78;
	s17 =	simm.s32 $0x3E00  }
0x6: {  	s18 =	simm.s32 $0xA0;
	s19 =	simm.s32 $0x5200;
	s4 =	smul.u32 $0x4E20, s11  }
0x7: {  	s28 =	simm.s32 $0x5;
	s29 =	simm.s32 $0x1A0;
	s20 =	smul.u32 $0x13C00, s11  }
0x8: {  	s30 =	simm.s32 $0x6;
	s1 =	sand.u32 $0x1, s1;
	s21 =	smul.u32 $0x4F000, s11  }
0x9: {  	s31 =	simm.s32 $0x7;
	[smem:$0x7FF] =	sst s3;
	s6 =	smul.u32 $0x2710, s1  }
0xa: {  	s24 =	sshll.u32 s11, $0x6;
	s11 =	simm.s32 $0x100;
	s8 =	smul.u32 $0x13C000, s1  }
0xb: {  	_ =	strace $0x8000004A;
	s1 =	ssub.s32 $0x2, s1;
	[dreg:$0x6] =	wrdreg s26  }
0xc: {  	s26 =	simm.s32 $0x178;
	s10 =	sshrl.u32 s20, $0x3;
	s22 =	sshrl.u32 s1, $0x1  }
0xd: {  	s4 =	sadd.s32 s6, s4;
	s6 =	sadd.s32 s20, s8;
	s10 =	sadd.s32 s10, s0  }
0xe: {  	s8 =	sshrl.u32 s21, $0x2;
	s1 =	ssub.s32 s1, s22;
	s20 =	simm.s32 $0x1  }
0xf: {  	s21 =	simm.s32 $0x2;
	s22 =	simm.s32 $0x128;
	s7 =	sshrl.u32 s4, $0x3  }
0x10: {  	s4 =	sadd.s32 $0x84E00, s0;
	s6 =	sshrl.u32 s6, $0x3;
	s23 =	sadd.s32 s8, s2  }
0x11: {  	s10 =	sadd.s32 $0xE600, s10;
	s8 =	sor.u32 $0x1C0B, s24;
	s1 =	smax.u32 s1, $0x1  }
0x12: {  	s24 =	simm.s32 $0x150;
	s9 =	sadd.s32 s7, s0;
	[dreg:$0x7] =	wrdreg s10  }
0x13: {  	s0 =	sadd.s32 s6, s0;
	s5 =	sadd.s32 s7, s5;
	[dreg:$0xa] =	wrdreg s1  }
0x14: {  	s7 =	sshrl.u32 s23, $0x3;
	s10 =	simm.s32 $0xB;
	[dreg:$0x8] =	wrdreg s8  }
0x15: {  	s23 =	simm.s32 $0x3;
	s1 =	simm.s32 $0x8;
	[dreg:$0x4] =	wrdreg s5  }
0x16: {  	s0 =	sadd.s32 $0xAC000, s0;
	s25 =	sadd.s32 $0x4400, s9;
	[dreg:$0xb] =	wrdreg s7  }
0x17: {  	s5 =	simm.s32 $0xA;
	s9 =	simm.s32 $0x0;
	[dreg:$0x9] =	wrdreg s0  }
0x18: {  	[dreg:$0x5] =	wrdreg s25;
	s25 =	simm.s32 $0x4;
	s0 =	simm.s32 $0x9  }
.LBB2_1:
0x19: {  	[dreg:$0xc] =	wrdreg s9  }
0x1a: {  	s6 =	rddreg [dreg:$0x7]  }
0x1b: {  	[spmem:s7], [sflag:s8] =	dma.local [hbm:s6], $0x2780  }
0x1c: {  	_ =	swait.ge [sflag:s10], $0x2780  }
0x1d: {  	[sflag:s10] =	ssyncset.done $0x0  }
0x1e: {  	[sflag:s10] =	ssyncadd.s32 $0xFFFFD880  }
0x1f: {  	[bflag:$0x0] =	sbarrier.arrive $0xFFFF  }
0x20: {  	s7 =	rddreg [dreg:$0x5]  }
0x21: {  	s6 =	sadd.s32 $0x0, s7  }
0x22: {  	[tilespmem:s3], [sflag:$0xB] =	stream.linear.gather [hbm4b:s6+s3], $0xC8, $0x38;
	[tilespmem:$0x1A200] =	vst v63  }
0x23: {  	_ =	swait.ge [sflag:s10], $0xC8  }
0x24: {  	s8 =	rddreg [dreg:$0x4];
	[sflag:s10] =	ssyncset.done $0x0  }
0x25: {  	[sflag:s10] =	ssyncadd.s32 $0xFFFFFF38;
	s6 =	sadd.s32 $0x0, s8  }
0x26: {  	[tilespmem:s11], [sflag:$0xB] =	stream.linear.gather [hbm4b:s6+s3], $0xC8, $0x38;
	[tilespmem:$0x1A200] =	vst v63  }
0x27: {  	_ =	swait.ge [sflag:s10], $0xC8  }
0x28: {  	[sflag:s10] =	ssyncset.done $0x0  }
0x29: {  	[sflag:s10] =	ssyncadd.s32 $0xFFFFFF38  }
0x2a: {  	[tilespmem:s13], [sflag:$0x1] =	stream.indirect.gather [hbm4b:s4+s12], $0x80, s3, s12, $0xb8;
	[tilespmem:$0x1A200] =	vst v63  }
0x2b: {  	_ = 	snop  }
0x2c: {  	[tilespmem:s14], [sflag:$0x2] =	stream.indirect.gather [hbm4b:s4+s12], $0x80, s12, s12, $0xb8;
	[tilespmem:$0x1A200] =	vst v63  }
0x2d: {  	s9 =	rddreg [dreg:$0x6]  }
0x2e: {  	[tilespmem:s15], [sflag:$0x3] =	stream.indirect.gather [hbm4b:s4+s12], $0x80, s9, s12, $0xb8;
	[tilespmem:$0x1A200] =	vst v63  }
0x2f: {  	_ = 	snop  }
0x30: {  	[tilespmem:s17], [sflag:$0x4] =	stream.indirect.gather [hbm4b:s4+s12], $0x80, s16, s12, $0xb8;
	[tilespmem:$0x1A200] =	vst v63  }
0x31: {  	_ = 	snop  }
0x32: {  	[tilespmem:s19], [sflag:$0x5] =	stream.indirect.gather [hbm4b:s4+s12], $0x80, s18, s12, $0xb8;
	[tilespmem:$0x1A200] =	vst v63  }
0x33: {  	_ =	swait.ge [sflag:s20], $0x1400  }
0x34: {  	[sflag:s20] =	ssyncset.done $0x0  }
0x35: {  	[sflag:s20] =	ssyncadd.s32 $0xFFFFEC00  }
0x36: {  	[spmem:s2] =	stream.indirect.scatter.add.f32 [tilespmem:s13], [sflag:$0x6], $0x80, s11, s12, $0xb8;
	[tilespmem:$0x1A200] =	vst v63  }
0x37: {  	_ =	swait.ge [sflag:s21], $0x1400  }
0x38: {  	[sflag:s21] =	ssyncset.done $0x0  }
0x39: {  	[sflag:s21] =	ssyncadd.s32 $0xFFFFEC00  }
0x3a: {  	[spmem:s2] =	stream.indirect.scatter.add.f32 [tilespmem:s14], [sflag:$0x7], $0x80, s22, s12, $0xb8;
	[tilespmem:$0x1A200] =	vst v63  }
0x3b: {  	_ =	swait.ge [sflag:s23], $0x1400  }
0x3c: {  	[sflag:s23] =	ssyncset.done $0x0  }
0x3d: {  	[sflag:s23] =	ssyncadd.s32 $0xFFFFEC00  }
0x3e: {  	[spmem:s2] =	stream.indirect.scatter.add.f32 [tilespmem:s15], [sflag:$0x8], $0x80, s24, s12, $0xb8;
	[tilespmem:$0x1A200] =	vst v63  }
0x3f: {  	_ =	swait.ge [sflag:s25], $0x1400  }
0x40: {  	[sflag:s25] =	ssyncset.done $0x0  }
0x41: {  	[sflag:s25] =	ssyncadd.s32 $0xFFFFEC00  }
0x42: {  	[spmem:s2] =	stream.indirect.scatter.add.f32 [tilespmem:s17], [sflag:$0x9], $0x80, s26, s12, $0xb8;
	[tilespmem:$0x1A200] =	vst v63  }
0x43: {  	_ =	swait.ge [sflag:s28], $0x1400  }
0x44: {  	[sflag:s28] =	ssyncset.done $0x0  }
0x45: {  	[sflag:s28] =	ssyncadd.s32 $0xFFFFEC00  }
0x46: {  	[spmem:s2] =	stream.indirect.scatter.add.f32 [tilespmem:s19], [sflag:$0xA], $0x80, s29, s12, $0xb8;
	[tilespmem:$0x1A200] =	vst v63  }
0x47: {  	_ =	swait.ge [sflag:s30], $0x1400  }
0x48: {  	[sflag:s30] =	ssyncset.done $0x0  }
0x49: {  	[sflag:s30] =	ssyncadd.s32 $0xFFFFEC00  }
0x4a: {  	_ =	swait.ge [sflag:s31], $0x1400  }
0x4b: {  	[sflag:s31] =	ssyncset.done $0x0  }
0x4c: {  	[sflag:s31] =	ssyncadd.s32 $0xFFFFEC00  }
0x4d: {  	_ =	swait.ge [sflag:s1], $0x1400  }
0x4e: {  	[sflag:s1] =	ssyncset.done $0x0  }
0x4f: {  	[sflag:s1] =	ssyncadd.s32 $0xFFFFEC00  }
0x50: {  	_ =	swait.ge [sflag:s0], $0x1400  }
0x51: {  	[sflag:s0] =	ssyncset.done $0x0  }
0x52: {  	[sflag:s0] =	ssyncadd.s32 $0xFFFFEC00  }
0x53: {  	s8 =	simm.s32 $0x19;
	_ =	swait.ge [sflag:s5], $0x1400  }
0x54: {  	s6 =	simm.s32 $0x32;
	s9 =	rddreg [dreg:$0x5];
	[sflag:s5] =	ssyncset.done $0x0  }
.LBB2_2:
0x55: {  	[sflag:s5] =	ssyncadd.s32 $0xFFFFEC00;
	s9 =	sadd.s32 s8, s9  }
0x56: {  	[tilespmem:s3], [sflag:$0xB] =	stream.linear.gather [hbm4b:s9+s3], $0xC8, $0x38;
	[tilespmem:$0x1A200] =	vst v63  }
0x57: {  	_ =	swait.ge [sflag:s10], $0xC8  }
0x58: {  	s9 =	rddreg [dreg:$0x4];
	[sflag:s10] =	ssyncset.done $0x0  }
0x59: {  	[sflag:s10] =	ssyncadd.s32 $0xFFFFFF38;
	s9 =	sadd.s32 s8, s9  }
0x5a: {  	[tilespmem:s11], [sflag:$0xB] =	stream.linear.gather [hbm4b:s9+s3], $0xC8, $0x38;
	[tilespmem:$0x1A200] =	vst v63  }
0x5b: {  	_ =	swait.ge [sflag:s10], $0xC8  }
0x5c: {  	[sflag:s10] =	ssyncset.done $0x0  }
0x5d: {  	[sflag:s10] =	ssyncadd.s32 $0xFFFFFF38  }
0x5e: {  	[tilespmem:s13], [sflag:$0x1] =	stream.indirect.gather [hbm4b:s4+s12], $0x80, s3, s12, $0xb8;
	[tilespmem:$0x1A200] =	vst v63  }
0x5f: {  	_ = 	snop  }
0x60: {  	[tilespmem:s14], [sflag:$0x2] =	stream.indirect.gather [hbm4b:s4+s12], $0x80, s12, s12, $0xb8;
	[tilespmem:$0x1A200] =	vst v63  }
0x61: {  	s9 =	rddreg [dreg:$0x6]  }
0x62: {  	[tilespmem:s15], [sflag:$0x3] =	stream.indirect.gather [hbm4b:s4+s12], $0x80, s9, s12, $0xb8;
	[tilespmem:$0x1A200] =	vst v63  }
0x63: {  	_ = 	snop  }
0x64: {  	[tilespmem:s17], [sflag:$0x4] =	stream.indirect.gather [hbm4b:s4+s12], $0x80, s16, s12, $0xb8;
	[tilespmem:$0x1A200] =	vst v63  }
0x65: {  	_ = 	snop  }
0x66: {  	[tilespmem:s19], [sflag:$0x5] =	stream.indirect.gather [hbm4b:s4+s12], $0x80, s18, s12, $0xb8;
	[tilespmem:$0x1A200] =	vst v63  }
0x67: {  	_ =	swait.ge [sflag:s20], $0x1400  }
0x68: {  	[sflag:s20] =	ssyncset.done $0x0  }
0x69: {  	[sflag:s20] =	ssyncadd.s32 $0xFFFFEC00  }
0x6a: {  	[spmem:s2] =	stream.indirect.scatter.add.f32 [tilespmem:s13], [sflag:$0x6], $0x80, s11, s12, $0xb8;
	[tilespmem:$0x1A200] =	vst v63  }
0x6b: {  	_ =	swait.ge [sflag:s21], $0x1400  }
0x6c: {  	[sflag:s21] =	ssyncset.done $0x0  }
0x6d: {  	[sflag:s21] =	ssyncadd.s32 $0xFFFFEC00  }
0x6e: {  	[spmem:s2] =	stream.indirect.scatter.add.f32 [tilespmem:s14], [sflag:$0x7], $0x80, s22, s12, $0xb8;
	[tilespmem:$0x1A200] =	vst v63  }
0x6f: {  	_ =	swait.ge [sflag:s23], $0x1400  }
0x70: {  	[sflag:s23] =	ssyncset.done $0x0  }
0x71: {  	[sflag:s23] =	ssyncadd.s32 $0xFFFFEC00  }
0x72: {  	[spmem:s2] =	stream.indirect.scatter.add.f32 [tilespmem:s15], [sflag:$0x8], $0x80, s24, s12, $0xb8;
	[tilespmem:$0x1A200] =	vst v63  }
0x73: {  	_ =	swait.ge [sflag:s25], $0x1400  }
0x74: {  	[sflag:s25] =	ssyncset.done $0x0  }
0x75: {  	[sflag:s25] =	ssyncadd.s32 $0xFFFFEC00  }
0x76: {  	[spmem:s2] =	stream.indirect.scatter.add.f32 [tilespmem:s17], [sflag:$0x9], $0x80, s26, s12, $0xb8;
	[tilespmem:$0x1A200] =	vst v63  }
0x77: {  	_ =	swait.ge [sflag:s28], $0x1400  }
0x78: {  	[sflag:s28] =	ssyncset.done $0x0  }
0x79: {  	[sflag:s28] =	ssyncadd.s32 $0xFFFFEC00  }
0x7a: {  	[spmem:s2] =	stream.indirect.scatter.add.f32 [tilespmem:s19], [sflag:$0xA], $0x80, s29, s12, $0xb8;
	[tilespmem:$0x1A200] =	vst v63  }
0x7b: {  	_ =	swait.ge [sflag:s30], $0x1400  }
0x7c: {  	[sflag:s30] =	ssyncset.done $0x0  }
0x7d: {  	[sflag:s30] =	ssyncadd.s32 $0xFFFFEC00  }
0x7e: {  	_ =	swait.ge [sflag:s31], $0x1400  }
0x7f: {  	[sflag:s31] =	ssyncset.done $0x0  }
0x80: {  	[sflag:s31] =	ssyncadd.s32 $0xFFFFEC00  }
0x81: {  	_ =	swait.ge [sflag:s1], $0x1400  }
0x82: {  	[sflag:s1] =	ssyncset.done $0x0  }
0x83: {  	p0 =	sne.s32 s6, $0x4C9;
	[sflag:s1] =	ssyncadd.s32 $0xFFFFEC00  }
.Ltmp0:
0x84: {  	_ =	swait.ge [sflag:s0], $0x1400;
	(pc) =	sbr.rel @p0 .LBB2_2-.Ltmp0, $4  }
0x85: {  	[sflag:s0] =	ssyncset.done $0x0  }
0x86: {  	[sflag:s0] =	ssyncadd.s32 $0xFFFFEC00  }
0x87: {  	s7 =	smov.u32 s6;
	s6 =	sadd.s32 $0x19, s6;
	_ =	swait.ge [sflag:s5], $0x1400  }
0x88: {  	s8 =	smov.u32 s7;
	s9 =	rddreg [dreg:$0x5];
	[sflag:s5] =	ssyncset.done $0x0  }
0x89: {  	[sflag:s5] =	ssyncadd.s32 $0xFFFFEC00;
	s6 =	sadd.s32 s8, s9  }
0x8a: {  	[tilespmem:s3], [sflag:$0xB] =	stream.linear.gather [hbm4b:s6+s3], $0xC8, $0x38;
	[tilespmem:$0x1A200] =	vst v63  }
0x8b: {  	_ =	swait.ge [sflag:s10], $0xC8  }
0x8c: {  	s7 =	rddreg [dreg:$0x4];
	[sflag:s10] =	ssyncset.done $0x0  }
0x8d: {  	s6 =	sadd.s32 s8, s7;
	[sflag:s10] =	ssyncadd.s32 $0xFFFFFF38  }
0x8e: {  	[tilespmem:s11], [sflag:$0xB] =	stream.linear.gather [hbm4b:s6+s3], $0xC8, $0x38;
	[tilespmem:$0x1A200] =	vst v63  }
0x8f: {  	_ =	swait.ge [sflag:s10], $0xC8  }
0x90: {  	[sflag:s10] =	ssyncset.done $0x0  }
0x91: {  	[sflag:s10] =	ssyncadd.s32 $0xFFFFFF38  }
0x92: {  	[tilespmem:s13], [sflag:$0x1] =	stream.indirect.gather [hbm4b:s4+s12], $0x80, s3, s12, $0xb8;
	[tilespmem:$0x1A200] =	vst v63  }
0x93: {  	_ = 	snop  }
0x94: {  	[tilespmem:s14], [sflag:$0x2] =	stream.indirect.gather [hbm4b:s4+s12], $0x80, s12, s12, $0xb8;
	[tilespmem:$0x1A200] =	vst v63  }
0x95: {  	s8 =	rddreg [dreg:$0x6]  }
0x96: {  	[tilespmem:s15], [sflag:$0x3] =	stream.indirect.gather [hbm4b:s4+s12], $0x80, s8, s12, $0xb8;
	[tilespmem:$0x1A200] =	vst v63  }
0x97: {  	_ = 	snop  }
0x98: {  	[tilespmem:s17], [sflag:$0x4] =	stream.indirect.gather [hbm4b:s4+s12], $0x80, s16, s12, $0xb8;
	[tilespmem:$0x1A200] =	vst v63  }
0x99: {  	_ = 	snop  }
0x9a: {  	[tilespmem:s19], [sflag:$0x5] =	stream.indirect.gather [hbm4b:s4+s12], $0x80, s18, s12, $0xb8;
	[tilespmem:$0x1A200] =	vst v63  }
0x9b: {  	_ =	swait.ge [sflag:s20], $0x1400  }
0x9c: {  	[sflag:s20] =	ssyncset.done $0x0  }
0x9d: {  	[sflag:s20] =	ssyncadd.s32 $0xFFFFEC00  }
0x9e: {  	[spmem:s2] =	stream.indirect.scatter.add.f32 [tilespmem:s13], [sflag:$0x6], $0x80, s11, s12, $0xb8;
	[tilespmem:$0x1A200] =	vst v63  }
0x9f: {  	_ =	swait.ge [sflag:s21], $0x1400  }
0xa0: {  	[sflag:s21] =	ssyncset.done $0x0  }
0xa1: {  	[sflag:s21] =	ssyncadd.s32 $0xFFFFEC00  }
0xa2: {  	[spmem:s2] =	stream.indirect.scatter.add.f32 [tilespmem:s14], [sflag:$0x7], $0x80, s22, s12, $0xb8;
	[tilespmem:$0x1A200] =	vst v63  }
0xa3: {  	_ =	swait.ge [sflag:s23], $0x1400  }
0xa4: {  	[sflag:s23] =	ssyncset.done $0x0  }
0xa5: {  	[sflag:s23] =	ssyncadd.s32 $0xFFFFEC00  }
0xa6: {  	[spmem:s2] =	stream.indirect.scatter.add.f32 [tilespmem:s15], [sflag:$0x8], $0x80, s24, s12, $0xb8;
	[tilespmem:$0x1A200] =	vst v63  }
0xa7: {  	_ =	swait.ge [sflag:s25], $0x1400  }
0xa8: {  	[sflag:s25] =	ssyncset.done $0x0  }
0xa9: {  	[sflag:s25] =	ssyncadd.s32 $0xFFFFEC00  }
0xaa: {  	[spmem:s2] =	stream.indirect.scatter.add.f32 [tilespmem:s17], [sflag:$0x9], $0x80, s26, s12, $0xb8;
	[tilespmem:$0x1A200] =	vst v63  }
0xab: {  	_ =	swait.ge [sflag:s28], $0x1400  }
0xac: {  	[sflag:s28] =	ssyncset.done $0x0  }
0xad: {  	[sflag:s28] =	ssyncadd.s32 $0xFFFFEC00  }
0xae: {  	[spmem:s2] =	stream.indirect.scatter.add.f32 [tilespmem:s19], [sflag:$0xA], $0x80, s29, s12, $0xb8;
	[tilespmem:$0x1A200] =	vst v63  }
0xaf: {  	_ =	swait.ge [sflag:s30], $0x1400  }
0xb0: {  	[sflag:s30] =	ssyncset.done $0x0  }
0xb1: {  	[sflag:s30] =	ssyncadd.s32 $0xFFFFEC00  }
0xb2: {  	_ =	swait.ge [sflag:s31], $0x1400  }
0xb3: {  	[sflag:s31] =	ssyncset.done $0x0  }
0xb4: {  	[sflag:s31] =	ssyncadd.s32 $0xFFFFEC00  }
0xb5: {  	_ =	swait.ge [sflag:s1], $0x1400  }
0xb6: {  	[sflag:s1] =	ssyncset.done $0x0  }
0xb7: {  	[sflag:s1] =	ssyncadd.s32 $0xFFFFEC00  }
0xb8: {  	_ =	swait.ge [sflag:s0], $0x1400  }
0xb9: {  	[sflag:s0] =	ssyncset.done $0x0  }
0xba: {  	[sflag:s0] =	ssyncadd.s32 $0xFFFFEC00  }
0xbb: {  	_ =	swait.ge [sflag:s5], $0x1400  }
0xbc: {  	[sflag:s5] =	ssyncset.done $0x0  }
0xbd: {  	[sflag:s5] =	ssyncadd.s32 $0xFFFFEC00  }
0xbe: {  	[bflag:$0x0] =	sbarrier.arrive $0xFFFF  }
0xbf: {  	s8 =	rddreg [dreg:$0x8]  }
0xc0: {  	s9 =	rddreg [dreg:$0x9]  }
0xc1: {  	s7 =	rddreg [dreg:$0xb]  }
0xc2: {  	[hbm:s9], [sflag:s8] =	dma.local [spmem:s7], $0x2780  }
0xc3: {  	_ =	swait.ge [sflag:s10], $0x2780  }
0xc4: {  	s6 =	rddreg [dreg:$0xc]  }
0xc5: {  	s9 =	sadd.s32 $0x1, s6;
	s6 =	rddreg [dreg:$0xa]  }
0xc6: {  	p0 =	sne.s32 s9, s6  }
.Ltmp1:
0xc7: {  	_ = 	snop;
	(pc) =	sbr.rel @p0 .LBB2_1-.Ltmp1, $3  }
0xc8: {  	_ =	sdelay $0x1  }
0xc9: {  	[sflag:s10] =	ssyncset.done $0x0  }
0xca: {  	[sflag:s10] =	ssyncadd.s32 $0xFFFFD880  }
0xcb: {  	_ =	sfence.sel $0x180000  }
0xcc: {  	[bflag:$0x0] =	sbarrier.arrive $0xFFFF  }
0xcd: {  	_ =	strace $0x9000004A  }
0xce: {  	s0 =	stileid.u32;
	[bflag:$0x2] =	sbarrier.arrive $0xFFFF  }
0xcf: {  	p0 =	sne.s32 s0, $0x0;
	s0 =	rddreg [dreg:$0x3]  }
0xd0: {  	s0 =	sadd.s32 @!p0 $0x100000, s0  }
0xd1: {  	[sflag:s0] =	ssyncadd.tile.s32 @!p0 $0x1;
	_ =	shalt  }
.Lfunc_end2:
_tile_overlayer_lowered:
.L_overlay_start_2:
0xd2: {  	(tag) =	ssettag $0x2  }
0xd3: {  	s0 =	rddreg [dreg:$0x0];
	s2 =	stileid.u32  }
0xd4: {  	s1 =	rddreg [dreg:$0x1];
	p0 =	sne.s32 s2, $0x0  }
0xd5: {  	s3 =	rddreg [dreg:$0x2];
	[bflag:$0x3] =	sbarrier.arrive $0xFFFF;
	s2 =	simm.s32 @!p0 $0x1C0B  }
0xd6: {  	[timem:s3], [sflag:s2] =	dma.local @!p0 [hbm:s0], s1  }
0xd7: {  	s0 =	simm.s32 @!p0 $0xB  }
0xd8: {  	_ =	swait.ge @!p0 [sflag:s0], s1  }
0xd9: {  	s1 =	ssub.s32 @!p0 $0x0, s1;
	[sflag:s0] =	ssyncset.done @!p0 $0x0  }
0xda: {  	[sflag:s0] =	ssyncadd.s32 @!p0 s1  }
0xdb: {  	[bflag:$0x3] =	sbarrier.arrive $0xFFFF  }
0xdc: {  	_ =	shalt  }

// kernel: kernel.18.cloned.1.call-start
scs
__scs_entry_jumppad:
0x0: {  	(pc) =	sbr.rel $0x88, $3  }
0x1: {  	(tag) =	ssettag $0x0;
	lr =	simm.s32 $0x1  }
0x2: {  	[smem:$0x3F90] =	sst lr;
	_ =	strace $0xD0000000  }
0x3: {  	_ = 	snop  }
0x4: {  	_ = 	snop  }
0x5: {  	_ = 	snop  }
0x6: {  	_ = 	snop  }
0x7: {  	_ = 	snop  }
__scs_overlays_trampoline_lowered:
0x8: {  	[smem:$0x3F9F] =	sst s0  }
0x9: {  	[smem:$0x3FA0] =	sst s1  }
0xa: {  	[smem:$0x3FA1] =	sst s2  }
0xb: {  	[smem:$0x3FA2] =	sst s3  }
0xc: {  	[smem:$0x3FA3] =	sst s4  }
0xd: {  	[smem:$0x3FA4] =	sst s5  }
0xe: {  	[smem:$0x3FA5] =	sst s6  }
0xf: {  	[smem:$0x3FA6] =	sst s7  }
0x10: {  	[smem:$0x3FA7] =	sst s8  }
0x11: {  	[smem:$0x3FA8] =	sst s9;
	s0 =	simm.s32 @!p0 $0x0  }
0x12: {  	s1 =	sld [smem:$0x3F8E];
	s0 =	simm.s32 @p0 $0x1  }
0x13: {  	[smem:$0x3FA9] =	sst s0;
	s0 =	simm.s32 @!p1 $0x0  }
0x14: {  	s2 =	sld [smem:$0x3F8D];
	s0 =	simm.s32 @p1 $0x1  }
0x15: {  	[smem:$0x3FAA] =	sst s0;
	s0 =	simm.s32 @!p2 $0x0  }
0x16: {  	s3 =	sld [smem:$0x3FDB];
	s0 =	simm.s32 @p2 $0x1  }
0x17: {  	s4 =	simm.s32 $0x1BF5;
	[smem:$0x3FAC] =	sst s0  }
0x18: {  	s0 =	sld [smem:$0x3F8F];
	_ =	swait.ge [sflag:s4], $0x0  }
0x19: {  	s7 =	sld [smem:$0x3F90]  }
0x1a: {  	s8 =	sadd.s32 $0xFFFFE003, lr  }
0x1b: {  	s9 =	sadd.s32 $0xFFFFFEF7, lr;
	s5 =	simm.s32 $0xFFFFFFFF;
	p2 =	slt.u32 s8, $0xFFFFF086  }
0x1c: {  	p1 =	slt.u32 s9, $0xF7A;
	s5 =	simm.s32 @!p2 $0x0  }
0x1d: {  	s5 =	simm.s32 @p1 $0x1;
	p0 =	seq.s32 s7, s2  }
0x1e: {  	s7 =	smul.u32 @!p0 $0xF7A, s2;
	p2 =	seq.s32 @!p0 s5, $0x0  }
0x1f: {  	s9 =	smul.u32 $0xF7A, s1;
	s8 =	simm.s32 @!p0 $0x1BF5;
	p2 =	por !p2, p0  }
0x20: {  	[sflag:s8] =	ssyncset.s32 @!p0 $0xFFFFF086;
	s6 =	sadd.s32 @!p0 s3, s7;
	s7 =	simm.s32 @!p0 $0x108  }
0x21: {  	s3 =	sadd.s32 s3, s9;
	s6 =	sadd.s32 @!p0 $0x88, s6;
	s7 =	simm.s32 @p2 $0x1082  }
0x22: {  	[simem:s7], [sflag:s8] =	dma.local @!p0 [hbm:s6], $0xF7A  }
0x23: {  	s9 =	sor.u32 $0xD0000000, s2;
	s6 =	simm.s32 $0x108;
	_ =	swait.ge @!p0 [sflag:s8], $0x0  }
0x24: {  	s3 =	sadd.s32 $0x88, s3;
	s6 =	simm.s32 @!p1 $0x1082;
	[sflag:s4] =	ssyncset.s32 $0xFFFFF086  }
0x25: {  	[simem:s6], [sflag:s4] =	dma.local [hbm:s3], $0xF7A  }
0x26: {  	[smem:$0x3F90] =	sst s1;
	(tag) =	ssettag s2;
	_ =	strace s9  }
0x27: {  	s1 =	sld [smem:$0x3FA0]  }
0x28: {  	s2 =	sld [smem:$0x3FA1]  }
0x29: {  	s4 =	sld [smem:$0x3FA3]  }
0x2a: {  	p0 =	seq.s32 s5, $0x0;
	s5 =	sld [smem:$0x3FA4]  }
0x2b: {  	s6 =	sld [smem:$0x3FA5]  }
0x2c: {  	s7 =	sld [smem:$0x3FA6]  }
0x2d: {  	s3 =	simm.s32 $0x108;
	s8 =	sld [smem:$0x3FA7]  }
0x2e: {  	s3 =	simm.s32 @!p0 $0x1082;
	s9 =	sld [smem:$0x3FA8]  }
0x2f: {  	lr =	sadd.s32 s0, s3;
	s0 =	sld [smem:$0x3F9F]  }
0x30: {  	s3 =	sld [smem:$0x3FA2]  }
0x31: {  	[smem:$0x3FAB] =	sst s10  }
0x32: {  	s10 =	sld [smem:$0x3FA9];
	_ =	sdelay $0x3  }
0x33: {  	p0 =	seq.s32 s10, $0x1;
	s10 =	sld [smem:$0x3FAB];
	_ =	sdelay $0x3  }
0x34: {  	[smem:$0x3FAB] =	sst s10  }
0x35: {  	s10 =	sld [smem:$0x3FAA];
	_ =	sdelay $0x3  }
0x36: {  	p1 =	seq.s32 s10, $0x1;
	s10 =	sld [smem:$0x3FAB];
	_ =	sdelay $0x3  }
0x37: {  	[smem:$0x3FAB] =	sst s10  }
0x38: {  	s10 =	sld [smem:$0x3FAC]  }
0x39: {  	_ = 	snop;
	(pc) =	sbr.ind lr, $3  }
0x3a: {  	_ = 	snop  }
0x3b: {  	_ = 	snop  }
0x3c: {  	p2 =	seq.s32 s10, $0x1;
	s10 =	sld [smem:$0x3FAB]  }
0x3d: {  	_ =	shalt  }
0x3e: {  	_ =	shalt  }
0x3f: {  	_ =	shalt  }
0x40: {  	_ =	shalt  }
0x41: {  	_ =	shalt  }
0x42: {  	_ =	shalt  }
0x43: {  	_ =	shalt  }
0x44: {  	_ =	shalt  }
0x45: {  	_ =	shalt  }
0x46: {  	_ =	shalt  }
0x47: {  	_ =	shalt  }
0x48: {  	_ =	shalt  }
0x49: {  	_ =	shalt  }
0x4a: {  	_ =	shalt  }
0x4b: {  	_ =	shalt  }
0x4c: {  	_ =	shalt  }
0x4d: {  	_ =	shalt  }
0x4e: {  	_ =	shalt  }
0x4f: {  	_ =	shalt  }
0x50: {  	_ =	shalt  }
0x51: {  	_ =	shalt  }
0x52: {  	_ =	shalt  }
0x53: {  	_ =	shalt  }
0x54: {  	_ =	shalt  }
0x55: {  	_ =	shalt  }
0x56: {  	_ =	shalt  }
0x57: {  	_ =	shalt  }
0x58: {  	_ =	shalt  }
0x59: {  	_ =	shalt  }
0x5a: {  	_ =	shalt  }
0x5b: {  	_ =	shalt  }
0x5c: {  	_ =	shalt  }
0x5d: {  	_ =	shalt  }
0x5e: {  	_ =	shalt  }
0x5f: {  	_ =	shalt  }
0x60: {  	_ =	shalt  }
0x61: {  	_ =	shalt  }
0x62: {  	_ =	shalt  }
0x63: {  	_ =	shalt  }
0x64: {  	_ =	shalt  }
0x65: {  	_ =	shalt  }
0x66: {  	_ =	shalt  }
0x67: {  	_ =	shalt  }
0x68: {  	_ =	shalt  }
0x69: {  	_ =	shalt  }
0x6a: {  	_ =	shalt  }
0x6b: {  	_ =	shalt  }
0x6c: {  	_ =	shalt  }
0x6d: {  	_ =	shalt  }
0x6e: {  	_ =	shalt  }
0x6f: {  	_ =	shalt  }
0x70: {  	_ =	shalt  }
0x71: {  	_ =	shalt  }
0x72: {  	_ =	shalt  }
0x73: {  	_ =	shalt  }
0x74: {  	_ =	shalt  }
0x75: {  	_ =	shalt  }
0x76: {  	_ =	shalt  }
0x77: {  	_ =	shalt  }
0x78: {  	_ =	shalt  }
0x79: {  	_ =	shalt  }
0x7a: {  	_ =	shalt  }
0x7b: {  	_ =	shalt  }
0x7c: {  	_ =	shalt  }
0x7d: {  	_ =	shalt  }
0x7e: {  	_ =	shalt  }
0x7f: {  	_ =	shalt  }
0x80: {  	_ =	shalt  }
0x81: {  	_ =	shalt  }
0x82: {  	_ =	shalt  }
0x83: {  	_ =	shalt  }
0x84: {  	_ =	shalt  }
0x85: {  	_ =	shalt  }
0x86: {  	_ =	shalt  }
0x87: {  	_ =	shalt  }
.Lfunc_end0:
.L_simem_size_0:
called_computation.2_lowered:
.L_overlay_start_0:
0x88: {  	s2 =	sld [smem:$0x3FD9]  }
0x89: {  	s3 =	sld [smem:$0x3FFE];
	_ =	sdelay $0x1  }
0x8a: {  	s1 =	srdreg.scid  }
0x8b: {  	s0 =	sand.u32 $0x1, s1  }
0x8c: {  	s17 =	sshll.u32 s0, $0xA;
	s2 =	sadd.s32 s3, s2  }
0x8d: {  	s2 =	sadd.s32 s2, s17  }
0x8e: {  	[smem:$0x3FB7] =	sst s2  }
0x8f: {  	_ = 	snop  }
0x90: {  	s2 =	sld [smem:$0x3FD0];
	(tm) =	ssettm $0x1  }
0x91: {  	s18 =	sld [smem:$0x3FFB];
	_ =	sdelay $0x3  }
0x92: {  	_ =	strace s18  }
0x93: {  	s3 =	sld [smem:$0x3FFC];
	_ =	sdelay $0x3  }
0x94: {  	_ =	strace s3  }
0x95: {  	s3 =	sld [smem:$0x3FFD];
	_ =	sdelay $0x3  }
0x96: {  	_ =	strace s3  }
0x97: {  	_ =	strace $0x8FFFFFFF  }
0x98: {  	s19 =	sld [smem:$0x3FDB];
	_ =	sdelay $0x1  }
0x99: {  	s4 =	simm.s32 $_scs_section_size  }
0x9a: {  	s5 =	simm.s32 $_size__tile_overlayer_lowered;
	s6 =	simm.s32 $_tile_overlayer_lowered  }
0x9b: {  	s22 =	simm.s32 $0x1BFF;
	s21 =	sshll.u32 s6, $0x1;
	s3 =	sadd.s32 s4, s19  }
0x9c: {  	s7 =	simm.s32 $0x0;
	s20 =	sshll.u32 s5, $0x1;
	s5 =	sadd.s32 s21, s3  }
0x9d: {  	[timem:s7], [sflag:s22] =	dma.local [hbm:s5], s20  }
0x9e: {  	_ =	swait.ge [sflag:s22], s20  }
0x9f: {  	s4 =	ssub.s32 $0x0, s20;
	[sflag:s22] =	ssyncset.done $0x0  }
0xa0: {  	[sflag:s22] =	ssyncadd.s32 s4;
	_ =	sdelay $0x1  }
0xa1: {  	s23 =	simm.s32 $0x1B8B  }
0xa2: {  	_ =	swait.ge [sflag:s23], $0x1  }
0xa3: {  	[sflag:s23] =	ssyncset.done $0x0  }
0xa4: {  	s25 =	simm.s32 $0x1B8E;
	s24 =	sld [smem:$0x3FFE];
	[sflag:s23] =	ssyncadd.s32 $0xFFFFFFFF  }
0xa5: {  	s26 =	simm.s32 $execute0_lowered;
	[smem:$0x3FD2] =	sst s25  }
0xa6: {  	s5 =	sshll.u32 s26, $0x1;
	_ =	strace $0x8000004C;
	[dreg:$0x1] =	wrdreg $0xFFFFFFFF  }
0xa7: {  	s28 =	simm.s32 $_size_execute0_lowered;
	s3 =	sadd.s32 s3, s5;
	[dreg:$0x0] =	wrdreg $0x0  }
0xa8: {  	s5 =	sshll.u32 s28, $0x1;
	[dreg:$0x2] =	wrdreg s3  }
0xa9: {  	[dreg:$0x3] =	wrdreg s5  }
0xaa: {  	[dreg:$0x4] =	wrdreg $0xC0  }
0xab: {  	_ =	task [dreg:s7], $0x5FFFF  }
0xac: {  	[dreg:$0x1] =	wrdreg $0xFFFFFFFF  }
0xad: {  	[dreg:$0x0] =	wrdreg $0x60  }
0xae: {  	[dreg:$0x2] =	wrdreg s24  }
0xaf: {  	[dreg:$0x3] =	wrdreg s2  }
0xb0: {  	[dreg:$0x4] =	wrdreg $0x66000  }
0xb1: {  	[dreg:$0x5] =	wrdreg $0x9  }
0xb2: {  	_ =	task.clear_ibuf [dreg:s7], $0x6FFFF;
	_ =	strace $0x9000004C  }
0xb3: {  	s29 =	simm.s32 $0x9;
	_ =	strace $0x8000004E  }
0xb4: {  	_ =	swait.ge [sflag:s29], $0x1  }
0xb5: {  	[sflag:s29] =	ssyncadd.s32 $0xFFFFFFFF  }
0xb6: {  	_ =	strace $0x9000004E  }
0xb7: {  	_ =	sfence  }
0xb8: {  	s30 =	sld [smem:$0x0];
	_ =	sdelay $0x2  }
0xb9: {  	s31 =	sshll.u32 s1, $0xD;
	s1 =	sshrl.u32 s1, $0x2  }
0xba: {  	s3 =	sand.u32 $0x4000, s31;
	s1 =	sadd.s32 s1, s30  }
0xbb: {  	s0 =	sor.u32 s3, s0;
	s1 =	sshll.u32 s1, $0x11  }
0xbc: {  	s0 =	sor.u32 s1, s0  }
0xbd: {  	s0 =	sadd.s32 $0x8F2B, s0  }
0xbe: {  	[sflag:s0] =	ssyncadd.remote.s32 $0x1  }
0xbf: {  	_ =	sfence.sel $0xFFFF  }
0xc0: {  	[dreg:$0x0] =	wrdreg $0xFFFFFFFF;
	(pc) =	sbr.abs _section_cstart, $3  }
0xc1: {  	[dreg:$0x1] =	wrdreg $0xFFFFFFFF  }
0xc2: {  	_ =	task.clear_ibuf [dreg:s7], $0x2FFFF;
	_ =	strace $0x9FFFFFFF  }
0xc3: {  	(tm) =	ssettm $0x7FFFFFFF  }
tec
execute0_lowered:
.L_overlay_start_1:
0x0: {  	(tag) =	ssettag $0x1  }
0x1: {  	s0 =	rddreg [dreg:$0x0];
	s1 =	srdreg.scid  }
0x2: {  	s11 =	stileid.u32;
	s5 =	rddreg [dreg:$0x1]  }
0x3: {  	s2 =	rddreg [dreg:$0x2];
	s3 =	simm.s32 $0x0;
	s12 =	simm.s32 $0x28  }
0x4: {  	s13 =	simm.s32 $0x200;
	s14 =	simm.s32 $0x1600;
	s26 =	simm.s32 $0x50  }
0x5: {  	s15 =	simm.s32 $0x2A00;
	s16 =	simm.s32 $0x78;
	s17 =	simm.s32 $0x3E00  }
0x6: {  	s18 =	simm.s32 $0xA0;
	s19 =	simm.s32 $0x5200;
	s4 =	smul.u32 $0x4E20, s11  }
0x7: {  	s28 =	simm.s32 $0x5;
	s29 =	simm.s32 $0x1A0;
	s20 =	smul.u32 $0x13C00, s11  }
0x8: {  	s30 =	simm.s32 $0x6;
	s1 =	sand.u32 $0x1, s1;
	s21 =	smul.u32 $0x4F000, s11  }
0x9: {  	s31 =	simm.s32 $0x7;
	[smem:$0x7FF] =	sst s3;
	s6 =	smul.u32 $0x2710, s1  }
0xa: {  	s24 =	sshll.u32 s11, $0x6;
	s11 =	simm.s32 $0x100;
	s8 =	smul.u32 $0x13C000, s1  }
0xb: {  	_ =	strace $0x8000004D;
	s1 =	ssub.s32 $0x2, s1;
	[dreg:$0x6] =	wrdreg s26  }
0xc: {  	s26 =	simm.s32 $0x178;
	s10 =	sshrl.u32 s20, $0x3;
	s22 =	sshrl.u32 s1, $0x1  }
0xd: {  	s4 =	sadd.s32 s6, s4;
	s6 =	sadd.s32 s20, s8;
	s10 =	sadd.s32 s10, s0  }
0xe: {  	s8 =	sshrl.u32 s21, $0x2;
	s1 =	ssub.s32 s1, s22;
	s20 =	simm.s32 $0x1  }
0xf: {  	s21 =	simm.s32 $0x2;
	s22 =	simm.s32 $0x128;
	s7 =	sshrl.u32 s4, $0x3  }
0x10: {  	s4 =	sadd.s32 $0x35E00, s0;
	s6 =	sshrl.u32 s6, $0x3;
	s23 =	sadd.s32 s8, s2  }
0x11: {  	s10 =	sadd.s32 $0xE600, s10;
	s8 =	sor.u32 $0x1C0B, s24;
	s1 =	smax.u32 s1, $0x1  }
0x12: {  	s24 =	simm.s32 $0x150;
	s9 =	sadd.s32 s7, s0;
	[dreg:$0x7] =	wrdreg s10  }
0x13: {  	s0 =	sadd.s32 s6, s0;
	s5 =	sadd.s32 s7, s5;
	[dreg:$0xa] =	wrdreg s1  }
0x14: {  	s7 =	sshrl.u32 s23, $0x3;
	s10 =	simm.s32 $0xB;
	[dreg:$0x8] =	wrdreg s8  }
0x15: {  	s23 =	simm.s32 $0x3;
	s1 =	simm.s32 $0x8;
	[dreg:$0x4] =	wrdreg s5  }
0x16: {  	s0 =	sadd.s32 $0x84200, s0;
	s25 =	sadd.s32 $0x4400, s9;
	[dreg:$0xb] =	wrdreg s7  }
0x17: {  	s5 =	simm.s32 $0xA;
	s9 =	simm.s32 $0x0;
	[dreg:$0x9] =	wrdreg s0  }
0x18: {  	[dreg:$0x5] =	wrdreg s25;
	s25 =	simm.s32 $0x4;
	s0 =	simm.s32 $0x9  }
.LBB2_1:
0x19: {  	[dreg:$0xc] =	wrdreg s9  }
0x1a: {  	s6 =	rddreg [dreg:$0x7]  }
0x1b: {  	[spmem:s7], [sflag:s8] =	dma.local [hbm:s6], $0x2780  }
0x1c: {  	_ =	swait.ge [sflag:s10], $0x2780  }
0x1d: {  	[sflag:s10] =	ssyncset.done $0x0  }
0x1e: {  	[sflag:s10] =	ssyncadd.s32 $0xFFFFD880  }
0x1f: {  	[bflag:$0x0] =	sbarrier.arrive $0xFFFF  }
0x20: {  	s7 =	rddreg [dreg:$0x5]  }
0x21: {  	s6 =	sadd.s32 $0x0, s7  }
0x22: {  	[tilespmem:s3], [sflag:$0xB] =	stream.linear.gather [hbm4b:s6+s3], $0xC8, $0x38;
	[tilespmem:$0x1A200] =	vst v63  }
0x23: {  	_ =	swait.ge [sflag:s10], $0xC8  }
0x24: {  	s8 =	rddreg [dreg:$0x4];
	[sflag:s10] =	ssyncset.done $0x0  }
0x25: {  	[sflag:s10] =	ssyncadd.s32 $0xFFFFFF38;
	s6 =	sadd.s32 $0x0, s8  }
0x26: {  	[tilespmem:s11], [sflag:$0xB] =	stream.linear.gather [hbm4b:s6+s3], $0xC8, $0x38;
	[tilespmem:$0x1A200] =	vst v63  }
0x27: {  	_ =	swait.ge [sflag:s10], $0xC8  }
0x28: {  	[sflag:s10] =	ssyncset.done $0x0  }
0x29: {  	[sflag:s10] =	ssyncadd.s32 $0xFFFFFF38  }
0x2a: {  	[tilespmem:s13], [sflag:$0x1] =	stream.indirect.gather [hbm4b:s4+s12], $0x80, s3, s12, $0xb8;
	[tilespmem:$0x1A200] =	vst v63  }
0x2b: {  	_ = 	snop  }
0x2c: {  	[tilespmem:s14], [sflag:$0x2] =	stream.indirect.gather [hbm4b:s4+s12], $0x80, s12, s12, $0xb8;
	[tilespmem:$0x1A200] =	vst v63  }
0x2d: {  	s9 =	rddreg [dreg:$0x6]  }
0x2e: {  	[tilespmem:s15], [sflag:$0x3] =	stream.indirect.gather [hbm4b:s4+s12], $0x80, s9, s12, $0xb8;
	[tilespmem:$0x1A200] =	vst v63  }
0x2f: {  	_ = 	snop  }
0x30: {  	[tilespmem:s17], [sflag:$0x4] =	stream.indirect.gather [hbm4b:s4+s12], $0x80, s16, s12, $0xb8;
	[tilespmem:$0x1A200] =	vst v63  }
0x31: {  	_ = 	snop  }
0x32: {  	[tilespmem:s19], [sflag:$0x5] =	stream.indirect.gather [hbm4b:s4+s12], $0x80, s18, s12, $0xb8;
	[tilespmem:$0x1A200] =	vst v63  }
0x33: {  	_ =	swait.ge [sflag:s20], $0x1400  }
0x34: {  	[sflag:s20] =	ssyncset.done $0x0  }
0x35: {  	[sflag:s20] =	ssyncadd.s32 $0xFFFFEC00  }
0x36: {  	[spmem:s2] =	stream.indirect.scatter.add.f32 [tilespmem:s13], [sflag:$0x6], $0x80, s11, s12, $0xb8;
	[tilespmem:$0x1A200] =	vst v63  }
0x37: {  	_ =	swait.ge [sflag:s21], $0x1400  }
0x38: {  	[sflag:s21] =	ssyncset.done $0x0  }
0x39: {  	[sflag:s21] =	ssyncadd.s32 $0xFFFFEC00  }
0x3a: {  	[spmem:s2] =	stream.indirect.scatter.add.f32 [tilespmem:s14], [sflag:$0x7], $0x80, s22, s12, $0xb8;
	[tilespmem:$0x1A200] =	vst v63  }
0x3b: {  	_ =	swait.ge [sflag:s23], $0x1400  }
0x3c: {  	[sflag:s23] =	ssyncset.done $0x0  }
0x3d: {  	[sflag:s23] =	ssyncadd.s32 $0xFFFFEC00  }
0x3e: {  	[spmem:s2] =	stream.indirect.scatter.add.f32 [tilespmem:s15], [sflag:$0x8], $0x80, s24, s12, $0xb8;
	[tilespmem:$0x1A200] =	vst v63  }
0x3f: {  	_ =	swait.ge [sflag:s25], $0x1400  }
0x40: {  	[sflag:s25] =	ssyncset.done $0x0  }
0x41: {  	[sflag:s25] =	ssyncadd.s32 $0xFFFFEC00  }
0x42: {  	[spmem:s2] =	stream.indirect.scatter.add.f32 [tilespmem:s17], [sflag:$0x9], $0x80, s26, s12, $0xb8;
	[tilespmem:$0x1A200] =	vst v63  }
0x43: {  	_ =	swait.ge [sflag:s28], $0x1400  }
0x44: {  	[sflag:s28] =	ssyncset.done $0x0  }
0x45: {  	[sflag:s28] =	ssyncadd.s32 $0xFFFFEC00  }
0x46: {  	[spmem:s2] =	stream.indirect.scatter.add.f32 [tilespmem:s19], [sflag:$0xA], $0x80, s29, s12, $0xb8;
	[tilespmem:$0x1A200] =	vst v63  }
0x47: {  	_ =	swait.ge [sflag:s30], $0x1400  }
0x48: {  	[sflag:s30] =	ssyncset.done $0x0  }
0x49: {  	[sflag:s30] =	ssyncadd.s32 $0xFFFFEC00  }
0x4a: {  	_ =	swait.ge [sflag:s31], $0x1400  }
0x4b: {  	[sflag:s31] =	ssyncset.done $0x0  }
0x4c: {  	[sflag:s31] =	ssyncadd.s32 $0xFFFFEC00  }
0x4d: {  	_ =	swait.ge [sflag:s1], $0x1400  }
0x4e: {  	[sflag:s1] =	ssyncset.done $0x0  }
0x4f: {  	[sflag:s1] =	ssyncadd.s32 $0xFFFFEC00  }
0x50: {  	_ =	swait.ge [sflag:s0], $0x1400  }
0x51: {  	[sflag:s0] =	ssyncset.done $0x0  }
0x52: {  	[sflag:s0] =	ssyncadd.s32 $0xFFFFEC00  }
0x53: {  	s8 =	simm.s32 $0x19;
	_ =	swait.ge [sflag:s5], $0x1400  }
0x54: {  	s6 =	simm.s32 $0x32;
	s9 =	rddreg [dreg:$0x5];
	[sflag:s5] =	ssyncset.done $0x0  }
.LBB2_2:
0x55: {  	[sflag:s5] =	ssyncadd.s32 $0xFFFFEC00;
	s9 =	sadd.s32 s8, s9  }
0x56: {  	[tilespmem:s3], [sflag:$0xB] =	stream.linear.gather [hbm4b:s9+s3], $0xC8, $0x38;
	[tilespmem:$0x1A200] =	vst v63  }
0x57: {  	_ =	swait.ge [sflag:s10], $0xC8  }
0x58: {  	s9 =	rddreg [dreg:$0x4];
	[sflag:s10] =	ssyncset.done $0x0  }
0x59: {  	[sflag:s10] =	ssyncadd.s32 $0xFFFFFF38;
	s9 =	sadd.s32 s8, s9  }
0x5a: {  	[tilespmem:s11], [sflag:$0xB] =	stream.linear.gather [hbm4b:s9+s3], $0xC8, $0x38;
	[tilespmem:$0x1A200] =	vst v63  }
0x5b: {  	_ =	swait.ge [sflag:s10], $0xC8  }
0x5c: {  	[sflag:s10] =	ssyncset.done $0x0  }
0x5d: {  	[sflag:s10] =	ssyncadd.s32 $0xFFFFFF38  }
0x5e: {  	[tilespmem:s13], [sflag:$0x1] =	stream.indirect.gather [hbm4b:s4+s12], $0x80, s3, s12, $0xb8;
	[tilespmem:$0x1A200] =	vst v63  }
0x5f: {  	_ = 	snop  }
0x60: {  	[tilespmem:s14], [sflag:$0x2] =	stream.indirect.gather [hbm4b:s4+s12], $0x80, s12, s12, $0xb8;
	[tilespmem:$0x1A200] =	vst v63  }
0x61: {  	s9 =	rddreg [dreg:$0x6]  }
0x62: {  	[tilespmem:s15], [sflag:$0x3] =	stream.indirect.gather [hbm4b:s4+s12], $0x80, s9, s12, $0xb8;
	[tilespmem:$0x1A200] =	vst v63  }
0x63: {  	_ = 	snop  }
0x64: {  	[tilespmem:s17], [sflag:$0x4] =	stream.indirect.gather [hbm4b:s4+s12], $0x80, s16, s12, $0xb8;
	[tilespmem:$0x1A200] =	vst v63  }
0x65: {  	_ = 	snop  }
0x66: {  	[tilespmem:s19], [sflag:$0x5] =	stream.indirect.gather [hbm4b:s4+s12], $0x80, s18, s12, $0xb8;
	[tilespmem:$0x1A200] =	vst v63  }
0x67: {  	_ =	swait.ge [sflag:s20], $0x1400  }
0x68: {  	[sflag:s20] =	ssyncset.done $0x0  }
0x69: {  	[sflag:s20] =	ssyncadd.s32 $0xFFFFEC00  }
0x6a: {  	[spmem:s2] =	stream.indirect.scatter.add.f32 [tilespmem:s13], [sflag:$0x6], $0x80, s11, s12, $0xb8;
	[tilespmem:$0x1A200] =	vst v63  }
0x6b: {  	_ =	swait.ge [sflag:s21], $0x1400  }
0x6c: {  	[sflag:s21] =	ssyncset.done $0x0  }
0x6d: {  	[sflag:s21] =	ssyncadd.s32 $0xFFFFEC00  }
0x6e: {  	[spmem:s2] =	stream.indirect.scatter.add.f32 [tilespmem:s14], [sflag:$0x7], $0x80, s22, s12, $0xb8;
	[tilespmem:$0x1A200] =	vst v63  }
0x6f: {  	_ =	swait.ge [sflag:s23], $0x1400  }
0x70: {  	[sflag:s23] =	ssyncset.done $0x0  }
0x71: {  	[sflag:s23] =	ssyncadd.s32 $0xFFFFEC00  }
0x72: {  	[spmem:s2] =	stream.indirect.scatter.add.f32 [tilespmem:s15], [sflag:$0x8], $0x80, s24, s12, $0xb8;
	[tilespmem:$0x1A200] =	vst v63  }
0x73: {  	_ =	swait.ge [sflag:s25], $0x1400  }
0x74: {  	[sflag:s25] =	ssyncset.done $0x0  }
0x75: {  	[sflag:s25] =	ssyncadd.s32 $0xFFFFEC00  }
0x76: {  	[spmem:s2] =	stream.indirect.scatter.add.f32 [tilespmem:s17], [sflag:$0x9], $0x80, s26, s12, $0xb8;
	[tilespmem:$0x1A200] =	vst v63  }
0x77: {  	_ =	swait.ge [sflag:s28], $0x1400  }
0x78: {  	[sflag:s28] =	ssyncset.done $0x0  }
0x79: {  	[sflag:s28] =	ssyncadd.s32 $0xFFFFEC00  }
0x7a: {  	[spmem:s2] =	stream.indirect.scatter.add.f32 [tilespmem:s19], [sflag:$0xA], $0x80, s29, s12, $0xb8;
	[tilespmem:$0x1A200] =	vst v63  }
0x7b: {  	_ =	swait.ge [sflag:s30], $0x1400  }
0x7c: {  	[sflag:s30] =	ssyncset.done $0x0  }
0x7d: {  	[sflag:s30] =	ssyncadd.s32 $0xFFFFEC00  }
0x7e: {  	_ =	swait.ge [sflag:s31], $0x1400  }
0x7f: {  	[sflag:s31] =	ssyncset.done $0x0  }
0x80: {  	[sflag:s31] =	ssyncadd.s32 $0xFFFFEC00  }
0x81: {  	_ =	swait.ge [sflag:s1], $0x1400  }
0x82: {  	[sflag:s1] =	ssyncset.done $0x0  }
0x83: {  	p0 =	sne.s32 s6, $0x4C9;
	[sflag:s1] =	ssyncadd.s32 $0xFFFFEC00  }
.Ltmp0:
0x84: {  	_ =	swait.ge [sflag:s0], $0x1400;
	(pc) =	sbr.rel @p0 .LBB2_2-.Ltmp0, $4  }
0x85: {  	[sflag:s0] =	ssyncset.done $0x0  }
0x86: {  	[sflag:s0] =	ssyncadd.s32 $0xFFFFEC00  }
0x87: {  	s7 =	smov.u32 s6;
	s6 =	sadd.s32 $0x19, s6;
	_ =	swait.ge [sflag:s5], $0x1400  }
0x88: {  	s8 =	smov.u32 s7;
	s9 =	rddreg [dreg:$0x5];
	[sflag:s5] =	ssyncset.done $0x0  }
0x89: {  	[sflag:s5] =	ssyncadd.s32 $0xFFFFEC00;
	s6 =	sadd.s32 s8, s9  }
0x8a: {  	[tilespmem:s3], [sflag:$0xB] =	stream.linear.gather [hbm4b:s6+s3], $0xC8, $0x38;
	[tilespmem:$0x1A200] =	vst v63  }
0x8b: {  	_ =	swait.ge [sflag:s10], $0xC8  }
0x8c: {  	s7 =	rddreg [dreg:$0x4];
	[sflag:s10] =	ssyncset.done $0x0  }
0x8d: {  	s6 =	sadd.s32 s8, s7;
	[sflag:s10] =	ssyncadd.s32 $0xFFFFFF38  }
0x8e: {  	[tilespmem:s11], [sflag:$0xB] =	stream.linear.gather [hbm4b:s6+s3], $0xC8, $0x38;
	[tilespmem:$0x1A200] =	vst v63  }
0x8f: {  	_ =	swait.ge [sflag:s10], $0xC8  }
0x90: {  	[sflag:s10] =	ssyncset.done $0x0  }
0x91: {  	[sflag:s10] =	ssyncadd.s32 $0xFFFFFF38  }
0x92: {  	[tilespmem:s13], [sflag:$0x1] =	stream.indirect.gather [hbm4b:s4+s12], $0x80, s3, s12, $0xb8;
	[tilespmem:$0x1A200] =	vst v63  }
0x93: {  	_ = 	snop  }
0x94: {  	[tilespmem:s14], [sflag:$0x2] =	stream.indirect.gather [hbm4b:s4+s12], $0x80, s12, s12, $0xb8;
	[tilespmem:$0x1A200] =	vst v63  }
0x95: {  	s8 =	rddreg [dreg:$0x6]  }
0x96: {  	[tilespmem:s15], [sflag:$0x3] =	stream.indirect.gather [hbm4b:s4+s12], $0x80, s8, s12, $0xb8;
	[tilespmem:$0x1A200] =	vst v63  }
0x97: {  	_ = 	snop  }
0x98: {  	[tilespmem:s17], [sflag:$0x4] =	stream.indirect.gather [hbm4b:s4+s12], $0x80, s16, s12, $0xb8;
	[tilespmem:$0x1A200] =	vst v63  }
0x99: {  	_ = 	snop  }
0x9a: {  	[tilespmem:s19], [sflag:$0x5] =	stream.indirect.gather [hbm4b:s4+s12], $0x80, s18, s12, $0xb8;
	[tilespmem:$0x1A200] =	vst v63  }
0x9b: {  	_ =	swait.ge [sflag:s20], $0x1400  }
0x9c: {  	[sflag:s20] =	ssyncset.done $0x0  }
0x9d: {  	[sflag:s20] =	ssyncadd.s32 $0xFFFFEC00  }
0x9e: {  	[spmem:s2] =	stream.indirect.scatter.add.f32 [tilespmem:s13], [sflag:$0x6], $0x80, s11, s12, $0xb8;
	[tilespmem:$0x1A200] =	vst v63  }
0x9f: {  	_ =	swait.ge [sflag:s21], $0x1400  }
0xa0: {  	[sflag:s21] =	ssyncset.done $0x0  }
0xa1: {  	[sflag:s21] =	ssyncadd.s32 $0xFFFFEC00  }
0xa2: {  	[spmem:s2] =	stream.indirect.scatter.add.f32 [tilespmem:s14], [sflag:$0x7], $0x80, s22, s12, $0xb8;
	[tilespmem:$0x1A200] =	vst v63  }
0xa3: {  	_ =	swait.ge [sflag:s23], $0x1400  }
0xa4: {  	[sflag:s23] =	ssyncset.done $0x0  }
0xa5: {  	[sflag:s23] =	ssyncadd.s32 $0xFFFFEC00  }
0xa6: {  	[spmem:s2] =	stream.indirect.scatter.add.f32 [tilespmem:s15], [sflag:$0x8], $0x80, s24, s12, $0xb8;
	[tilespmem:$0x1A200] =	vst v63  }
0xa7: {  	_ =	swait.ge [sflag:s25], $0x1400  }
0xa8: {  	[sflag:s25] =	ssyncset.done $0x0  }
0xa9: {  	[sflag:s25] =	ssyncadd.s32 $0xFFFFEC00  }
0xaa: {  	[spmem:s2] =	stream.indirect.scatter.add.f32 [tilespmem:s17], [sflag:$0x9], $0x80, s26, s12, $0xb8;
	[tilespmem:$0x1A200] =	vst v63  }
0xab: {  	_ =	swait.ge [sflag:s28], $0x1400  }
0xac: {  	[sflag:s28] =	ssyncset.done $0x0  }
0xad: {  	[sflag:s28] =	ssyncadd.s32 $0xFFFFEC00  }
0xae: {  	[spmem:s2] =	stream.indirect.scatter.add.f32 [tilespmem:s19], [sflag:$0xA], $0x80, s29, s12, $0xb8;
	[tilespmem:$0x1A200] =	vst v63  }
0xaf: {  	_ =	swait.ge [sflag:s30], $0x1400  }
0xb0: {  	[sflag:s30] =	ssyncset.done $0x0  }
0xb1: {  	[sflag:s30] =	ssyncadd.s32 $0xFFFFEC00  }
0xb2: {  	_ =	swait.ge [sflag:s31], $0x1400  }
0xb3: {  	[sflag:s31] =	ssyncset.done $0x0  }
0xb4: {  	[sflag:s31] =	ssyncadd.s32 $0xFFFFEC00  }
0xb5: {  	_ =	swait.ge [sflag:s1], $0x1400  }
0xb6: {  	[sflag:s1] =	ssyncset.done $0x0  }
0xb7: {  	[sflag:s1] =	ssyncadd.s32 $0xFFFFEC00  }
0xb8: {  	_ =	swait.ge [sflag:s0], $0x1400  }
0xb9: {  	[sflag:s0] =	ssyncset.done $0x0  }
0xba: {  	[sflag:s0] =	ssyncadd.s32 $0xFFFFEC00  }
0xbb: {  	_ =	swait.ge [sflag:s5], $0x1400  }
0xbc: {  	[sflag:s5] =	ssyncset.done $0x0  }
0xbd: {  	[sflag:s5] =	ssyncadd.s32 $0xFFFFEC00  }
0xbe: {  	[bflag:$0x0] =	sbarrier.arrive $0xFFFF  }
0xbf: {  	s8 =	rddreg [dreg:$0x8]  }
0xc0: {  	s9 =	rddreg [dreg:$0x9]  }
0xc1: {  	s7 =	rddreg [dreg:$0xb]  }
0xc2: {  	[hbm:s9], [sflag:s8] =	dma.local [spmem:s7], $0x2780  }
0xc3: {  	_ =	swait.ge [sflag:s10], $0x2780  }
0xc4: {  	s6 =	rddreg [dreg:$0xc]  }
0xc5: {  	s9 =	sadd.s32 $0x1, s6;
	s6 =	rddreg [dreg:$0xa]  }
0xc6: {  	p0 =	sne.s32 s9, s6  }
.Ltmp1:
0xc7: {  	_ = 	snop;
	(pc) =	sbr.rel @p0 .LBB2_1-.Ltmp1, $3  }
0xc8: {  	_ =	sdelay $0x1  }
0xc9: {  	[sflag:s10] =	ssyncset.done $0x0  }
0xca: {  	[sflag:s10] =	ssyncadd.s32 $0xFFFFD880  }
0xcb: {  	_ =	sfence.sel $0x180000  }
0xcc: {  	[bflag:$0x0] =	sbarrier.arrive $0xFFFF  }
0xcd: {  	_ =	strace $0x9000004D  }
0xce: {  	s0 =	stileid.u32;
	[bflag:$0x2] =	sbarrier.arrive $0xFFFF  }
0xcf: {  	p0 =	sne.s32 s0, $0x0;
	s0 =	rddreg [dreg:$0x3]  }
0xd0: {  	s0 =	sadd.s32 @!p0 $0x100000, s0  }
0xd1: {  	[sflag:s0] =	ssyncadd.tile.s32 @!p0 $0x1;
	_ =	shalt  }
.Lfunc_end2:
_tile_overlayer_lowered:
.L_overlay_start_2:
0xd2: {  	(tag) =	ssettag $0x2  }
0xd3: {  	s0 =	rddreg [dreg:$0x0];
	s2 =	stileid.u32  }
0xd4: {  	s1 =	rddreg [dreg:$0x1];
	p0 =	sne.s32 s2, $0x0  }
0xd5: {  	s3 =	rddreg [dreg:$0x2];
	[bflag:$0x3] =	sbarrier.arrive $0xFFFF;
	s2 =	simm.s32 @!p0 $0x1C0B  }
0xd6: {  	[timem:s3], [sflag:s2] =	dma.local @!p0 [hbm:s0], s1  }
0xd7: {  	s0 =	simm.s32 @!p0 $0xB  }
0xd8: {  	_ =	swait.ge @!p0 [sflag:s0], s1  }
0xd9: {  	s1 =	ssub.s32 @!p0 $0x0, s1;
	[sflag:s0] =	ssyncset.done @!p0 $0x0  }
0xda: {  	[sflag:s0] =	ssyncadd.s32 @!p0 s1  }
0xdb: {  	[bflag:$0x3] =	sbarrier.arrive $0xFFFF  }
0xdc: {  	_ =	shalt  }

// kernel: kernel.21.cloned.1.call-start
scs
__scs_entry_jumppad:
0x0: {  	(pc) =	sbr.rel $0x88, $3  }
0x1: {  	(tag) =	ssettag $0x0;
	lr =	simm.s32 $0x1  }
0x2: {  	[smem:$0x3F90] =	sst lr;
	_ =	strace $0xD0000000  }
0x3: {  	_ = 	snop  }
0x4: {  	_ = 	snop  }
0x5: {  	_ = 	snop  }
0x6: {  	_ = 	snop  }
0x7: {  	_ = 	snop  }
__scs_overlays_trampoline_lowered:
0x8: {  	[smem:$0x3F9F] =	sst s0  }
0x9: {  	[smem:$0x3FA0] =	sst s1  }
0xa: {  	[smem:$0x3FA1] =	sst s2  }
0xb: {  	[smem:$0x3FA2] =	sst s3  }
0xc: {  	[smem:$0x3FA3] =	sst s4  }
0xd: {  	[smem:$0x3FA4] =	sst s5  }
0xe: {  	[smem:$0x3FA5] =	sst s6  }
0xf: {  	[smem:$0x3FA6] =	sst s7  }
0x10: {  	[smem:$0x3FA7] =	sst s8  }
0x11: {  	[smem:$0x3FA8] =	sst s9;
	s0 =	simm.s32 @!p0 $0x0  }
0x12: {  	s1 =	sld [smem:$0x3F8E];
	s0 =	simm.s32 @p0 $0x1  }
0x13: {  	[smem:$0x3FA9] =	sst s0;
	s0 =	simm.s32 @!p1 $0x0  }
0x14: {  	s2 =	sld [smem:$0x3F8D];
	s0 =	simm.s32 @p1 $0x1  }
0x15: {  	[smem:$0x3FAA] =	sst s0;
	s0 =	simm.s32 @!p2 $0x0  }
0x16: {  	s3 =	sld [smem:$0x3FDB];
	s0 =	simm.s32 @p2 $0x1  }
0x17: {  	s4 =	simm.s32 $0x1BF5;
	[smem:$0x3FAC] =	sst s0  }
0x18: {  	s0 =	sld [smem:$0x3F8F];
	_ =	swait.ge [sflag:s4], $0x0  }
0x19: {  	s7 =	sld [smem:$0x3F90]  }
0x1a: {  	s8 =	sadd.s32 $0xFFFFE003, lr  }
0x1b: {  	s9 =	sadd.s32 $0xFFFFFEF7, lr;
	s5 =	simm.s32 $0xFFFFFFFF;
	p2 =	slt.u32 s8, $0xFFFFF086  }
0x1c: {  	p1 =	slt.u32 s9, $0xF7A;
	s5 =	simm.s32 @!p2 $0x0  }
0x1d: {  	s5 =	simm.s32 @p1 $0x1;
	p0 =	seq.s32 s7, s2  }
0x1e: {  	s7 =	smul.u32 @!p0 $0xF7A, s2;
	p2 =	seq.s32 @!p0 s5, $0x0  }
0x1f: {  	s9 =	smul.u32 $0xF7A, s1;
	s8 =	simm.s32 @!p0 $0x1BF5;
	p2 =	por !p2, p0  }
0x20: {  	[sflag:s8] =	ssyncset.s32 @!p0 $0xFFFFF086;
	s6 =	sadd.s32 @!p0 s3, s7;
	s7 =	simm.s32 @!p0 $0x108  }
0x21: {  	s3 =	sadd.s32 s3, s9;
	s6 =	sadd.s32 @!p0 $0x88, s6;
	s7 =	simm.s32 @p2 $0x1082  }
0x22: {  	[simem:s7], [sflag:s8] =	dma.local @!p0 [hbm:s6], $0xF7A  }
0x23: {  	s9 =	sor.u32 $0xD0000000, s2;
	s6 =	simm.s32 $0x108;
	_ =	swait.ge @!p0 [sflag:s8], $0x0  }
0x24: {  	s3 =	sadd.s32 $0x88, s3;
	s6 =	simm.s32 @!p1 $0x1082;
	[sflag:s4] =	ssyncset.s32 $0xFFFFF086  }
0x25: {  	[simem:s6], [sflag:s4] =	dma.local [hbm:s3], $0xF7A  }
0x26: {  	[smem:$0x3F90] =	sst s1;
	(tag) =	ssettag s2;
	_ =	strace s9  }
0x27: {  	s1 =	sld [smem:$0x3FA0]  }
0x28: {  	s2 =	sld [smem:$0x3FA1]  }
0x29: {  	s4 =	sld [smem:$0x3FA3]  }
0x2a: {  	p0 =	seq.s32 s5, $0x0;
	s5 =	sld [smem:$0x3FA4]  }
0x2b: {  	s6 =	sld [smem:$0x3FA5]  }
0x2c: {  	s7 =	sld [smem:$0x3FA6]  }
0x2d: {  	s3 =	simm.s32 $0x108;
	s8 =	sld [smem:$0x3FA7]  }
0x2e: {  	s3 =	simm.s32 @!p0 $0x1082;
	s9 =	sld [smem:$0x3FA8]  }
0x2f: {  	lr =	sadd.s32 s0, s3;
	s0 =	sld [smem:$0x3F9F]  }
0x30: {  	s3 =	sld [smem:$0x3FA2]  }
0x31: {  	[smem:$0x3FAB] =	sst s10  }
0x32: {  	s10 =	sld [smem:$0x3FA9];
	_ =	sdelay $0x3  }
0x33: {  	p0 =	seq.s32 s10, $0x1;
	s10 =	sld [smem:$0x3FAB];
	_ =	sdelay $0x3  }
0x34: {  	[smem:$0x3FAB] =	sst s10  }
0x35: {  	s10 =	sld [smem:$0x3FAA];
	_ =	sdelay $0x3  }
0x36: {  	p1 =	seq.s32 s10, $0x1;
	s10 =	sld [smem:$0x3FAB];
	_ =	sdelay $0x3  }
0x37: {  	[smem:$0x3FAB] =	sst s10  }
0x38: {  	s10 =	sld [smem:$0x3FAC]  }
0x39: {  	_ = 	snop;
	(pc) =	sbr.ind lr, $3  }
0x3a: {  	_ = 	snop  }
0x3b: {  	_ = 	snop  }
0x3c: {  	p2 =	seq.s32 s10, $0x1;
	s10 =	sld [smem:$0x3FAB]  }
0x3d: {  	_ =	shalt  }
0x3e: {  	_ =	shalt  }
0x3f: {  	_ =	shalt  }
0x40: {  	_ =	shalt  }
0x41: {  	_ =	shalt  }
0x42: {  	_ =	shalt  }
0x43: {  	_ =	shalt  }
0x44: {  	_ =	shalt  }
0x45: {  	_ =	shalt  }
0x46: {  	_ =	shalt  }
0x47: {  	_ =	shalt  }
0x48: {  	_ =	shalt  }
0x49: {  	_ =	shalt  }
0x4a: {  	_ =	shalt  }
0x4b: {  	_ =	shalt  }
0x4c: {  	_ =	shalt  }
0x4d: {  	_ =	shalt  }
0x4e: {  	_ =	shalt  }
0x4f: {  	_ =	shalt  }
0x50: {  	_ =	shalt  }
0x51: {  	_ =	shalt  }
0x52: {  	_ =	shalt  }
0x53: {  	_ =	shalt  }
0x54: {  	_ =	shalt  }
0x55: {  	_ =	shalt  }
0x56: {  	_ =	shalt  }
0x57: {  	_ =	shalt  }
0x58: {  	_ =	shalt  }
0x59: {  	_ =	shalt  }
0x5a: {  	_ =	shalt  }
0x5b: {  	_ =	shalt  }
0x5c: {  	_ =	shalt  }
0x5d: {  	_ =	shalt  }
0x5e: {  	_ =	shalt  }
0x5f: {  	_ =	shalt  }
0x60: {  	_ =	shalt  }
0x61: {  	_ =	shalt  }
0x62: {  	_ =	shalt  }
0x63: {  	_ =	shalt  }
0x64: {  	_ =	shalt  }
0x65: {  	_ =	shalt  }
0x66: {  	_ =	shalt  }
0x67: {  	_ =	shalt  }
0x68: {  	_ =	shalt  }
0x69: {  	_ =	shalt  }
0x6a: {  	_ =	shalt  }
0x6b: {  	_ =	shalt  }
0x6c: {  	_ =	shalt  }
0x6d: {  	_ =	shalt  }
0x6e: {  	_ =	shalt  }
0x6f: {  	_ =	shalt  }
0x70: {  	_ =	shalt  }
0x71: {  	_ =	shalt  }
0x72: {  	_ =	shalt  }
0x73: {  	_ =	shalt  }
0x74: {  	_ =	shalt  }
0x75: {  	_ =	shalt  }
0x76: {  	_ =	shalt  }
0x77: {  	_ =	shalt  }
0x78: {  	_ =	shalt  }
0x79: {  	_ =	shalt  }
0x7a: {  	_ =	shalt  }
0x7b: {  	_ =	shalt  }
0x7c: {  	_ =	shalt  }
0x7d: {  	_ =	shalt  }
0x7e: {  	_ =	shalt  }
0x7f: {  	_ =	shalt  }
0x80: {  	_ =	shalt  }
0x81: {  	_ =	shalt  }
0x82: {  	_ =	shalt  }
0x83: {  	_ =	shalt  }
0x84: {  	_ =	shalt  }
0x85: {  	_ =	shalt  }
0x86: {  	_ =	shalt  }
0x87: {  	_ =	shalt  }
.Lfunc_end0:
.L_simem_size_0:
called_computation.3_lowered:
.L_overlay_start_0:
0x88: {  	s2 =	sld [smem:$0x3FD9]  }
0x89: {  	s3 =	sld [smem:$0x3FFE];
	_ =	sdelay $0x1  }
0x8a: {  	s1 =	srdreg.scid  }
0x8b: {  	s0 =	sand.u32 $0x1, s1  }
0x8c: {  	s17 =	sshll.u32 s0, $0xA;
	s2 =	sadd.s32 s3, s2  }
0x8d: {  	s2 =	sadd.s32 s2, s17  }
0x8e: {  	[smem:$0x3FB7] =	sst s2  }
0x8f: {  	_ = 	snop  }
0x90: {  	s2 =	sld [smem:$0x3FD0];
	(tm) =	ssettm $0x1  }
0x91: {  	s18 =	sld [smem:$0x3FFB];
	_ =	sdelay $0x3  }
0x92: {  	_ =	strace s18  }
0x93: {  	s3 =	sld [smem:$0x3FFC];
	_ =	sdelay $0x3  }
0x94: {  	_ =	strace s3  }
0x95: {  	s3 =	sld [smem:$0x3FFD];
	_ =	sdelay $0x3  }
0x96: {  	_ =	strace s3  }
0x97: {  	_ =	strace $0x8FFFFFFF  }
0x98: {  	s19 =	sld [smem:$0x3FDB];
	_ =	sdelay $0x1  }
0x99: {  	s4 =	simm.s32 $_scs_section_size  }
0x9a: {  	s5 =	simm.s32 $_size__tile_overlayer_lowered;
	s6 =	simm.s32 $_tile_overlayer_lowered  }
0x9b: {  	s22 =	simm.s32 $0x1BFF;
	s21 =	sshll.u32 s6, $0x1;
	s3 =	sadd.s32 s4, s19  }
0x9c: {  	s7 =	simm.s32 $0x0;
	s20 =	sshll.u32 s5, $0x1;
	s5 =	sadd.s32 s21, s3  }
0x9d: {  	[timem:s7], [sflag:s22] =	dma.local [hbm:s5], s20  }
0x9e: {  	_ =	swait.ge [sflag:s22], s20  }
0x9f: {  	s4 =	ssub.s32 $0x0, s20;
	[sflag:s22] =	ssyncset.done $0x0  }
0xa0: {  	[sflag:s22] =	ssyncadd.s32 s4;
	_ =	sdelay $0x1  }
0xa1: {  	s23 =	simm.s32 $0x1B8B  }
0xa2: {  	_ =	swait.ge [sflag:s23], $0x1  }
0xa3: {  	[sflag:s23] =	ssyncset.done $0x0  }
0xa4: {  	s25 =	simm.s32 $0x1B8E;
	s24 =	sld [smem:$0x3FFE];
	[sflag:s23] =	ssyncadd.s32 $0xFFFFFFFF  }
0xa5: {  	s26 =	simm.s32 $execute0_lowered;
	[smem:$0x3FD2] =	sst s25  }
0xa6: {  	s5 =	sshll.u32 s26, $0x1;
	_ =	strace $0x8000004F;
	[dreg:$0x1] =	wrdreg $0xFFFFFFFF  }
0xa7: {  	s28 =	simm.s32 $_size_execute0_lowered;
	s3 =	sadd.s32 s3, s5;
	[dreg:$0x0] =	wrdreg $0x0  }
0xa8: {  	s5 =	sshll.u32 s28, $0x1;
	[dreg:$0x2] =	wrdreg s3  }
0xa9: {  	[dreg:$0x3] =	wrdreg s5  }
0xaa: {  	[dreg:$0x4] =	wrdreg $0xC0  }
0xab: {  	_ =	task [dreg:s7], $0x5FFFF  }
0xac: {  	[dreg:$0x1] =	wrdreg $0xFFFFFFFF  }
0xad: {  	[dreg:$0x0] =	wrdreg $0x60  }
0xae: {  	[dreg:$0x2] =	wrdreg s24  }
0xaf: {  	[dreg:$0x3] =	wrdreg s2  }
0xb0: {  	[dreg:$0x4] =	wrdreg $0x9  }
0xb1: {  	_ =	task.clear_ibuf [dreg:s7], $0x5FFFF;
	_ =	strace $0x9000004F  }
0xb2: {  	s29 =	simm.s32 $0x9;
	_ =	strace $0x80000051  }
0xb3: {  	_ =	swait.ge [sflag:s29], $0x1  }
0xb4: {  	[sflag:s29] =	ssyncadd.s32 $0xFFFFFFFF  }
0xb5: {  	_ =	strace $0x90000051  }
0xb6: {  	_ =	sfence  }
0xb7: {  	s30 =	sld [smem:$0x0];
	_ =	sdelay $0x2  }
0xb8: {  	s31 =	sshll.u32 s1, $0xD;
	s1 =	sshrl.u32 s1, $0x2  }
0xb9: {  	s3 =	sand.u32 $0x4000, s31;
	s1 =	sadd.s32 s1, s30  }
0xba: {  	s0 =	sor.u32 s3, s0;
	s1 =	sshll.u32 s1, $0x11  }
0xbb: {  	s0 =	sor.u32 s1, s0  }
0xbc: {  	s0 =	sadd.s32 $0x8F2B, s0  }
0xbd: {  	[sflag:s0] =	ssyncadd.remote.s32 $0x1  }
0xbe: {  	_ =	sfence.sel $0xFFFF  }
0xbf: {  	[dreg:$0x0] =	wrdreg $0xFFFFFFFF;
	(pc) =	sbr.abs _section_cstart, $3  }
0xc0: {  	[dreg:$0x1] =	wrdreg $0xFFFFFFFF  }
0xc1: {  	_ =	task.clear_ibuf [dreg:s7], $0x2FFFF;
	_ =	strace $0x9FFFFFFF  }
0xc2: {  	(tm) =	ssettm $0x7FFFFFFF  }
0xc3: {  	_ =	shalt  }
tec
execute0_lowered:
.L_overlay_start_1:
0x0: {  	(tag) =	ssettag $0x1  }
0x1: {  	s0 =	rddreg [dreg:$0x0]  }
0x2: {  	s1 =	rddreg [dreg:$0x1];
	s3 =	srdreg.scid  }
0x3: {  	s7 =	stileid.u32;
	s2 =	simm.s32 $0x0;
	s11 =	simm.s32 $0x50  }
0x4: {  	s12 =	simm.s32 $0x4F00;
	s13 =	simm.s32 $0x7700;
	s14 =	simm.s32 $0x9F00  }
0x5: {  	s15 =	simm.s32 $0xC700;
	s16 =	simm.s32 $0xEF00;
	s17 =	simm.s32 $0x1  }
0x6: {  	s18 =	simm.s32 $0x2;
	s19 =	simm.s32 $0x3;
	s20 =	simm.s32 $0x4  }
0x7: {  	s21 =	simm.s32 $0x5;
	s22 =	simm.s32 $0x6;
	s23 =	simm.s32 $0x7  }
0x8: {  	s24 =	simm.s32 $0x8;
	s25 =	simm.s32 $0x9;
	s26 =	simm.s32 $0xA  }
0x9: {  	s28 =	simm.s32 $0x0;
	s5 =	sand.u32 $0x1, s3;
	s29 =	sshll.u32 s7, $0x1  }
0xa: {  	[smem:$0x7FF] =	sst s2;
	s7 =	smul.u32 $0x4E200, s7;
	s4 =	sor.u32 s5, s29  }
0xb: {  	s3 =	sadd.s32 $0xE600, s0;
	s8 =	ssub.s32 $0x2, s5;
	s6 =	smul.u32 $0x2710, s4  }
0xc: {  	_ =	strace $0x80000050;
	s10 =	smul.u32 $0x27100, s5;
	s9 =	sshrl.u32 s8, $0x1  }
0xd: {  	s4 =	sadd.s32 $0x35800, s0;
	s31 =	ssub.s32 s8, s9;
	s6 =	sshrl.u32 s6, $0x3  }
0xe: {  	s9 =	simm.s32 $0xB;
	s30 =	sadd.s32 s6, s0;
	s0 =	sadd.s32 s7, s0  }
0xf: {  	s6 =	sadd.s32 s1, s6;
	s7 =	smax.u32 s31, $0x1;
	s0 =	sadd.s32 s10, s0  }
0x10: {  	s5 =	sadd.s32 $0x4400, s30;
	s10 =	simm.s32 $0x2780;
	s8 =	sadd.s32 $0x5DE00, s0  }
.LBB2_1:
0x11: {  	[tilespmem:s2], [sflag:$0xB] =	stream.linear.gather [hbm4b:s5+s2], $0x2710, $0x38;
	[tilespmem:$0x11700] =	vst v63  }
0x12: {  	_ =	swait.ge [sflag:s9], $0x2710  }
0x13: {  	[sflag:s9] =	ssyncset.done $0x0  }
0x14: {  	[sflag:s9] =	ssyncadd.s32 $0xFFFFD8F0  }
0x15: {  	[tilespmem:s10], [sflag:$0xB] =	stream.linear.gather [hbm4b:s6+s2], $0x2710, $0x38;
	[tilespmem:$0x11700] =	vst v63  }
0x16: {  	_ =	swait.ge [sflag:s9], $0x2710  }
0x17: {  	[sflag:s9] =	ssyncset.done $0x0  }
0x18: {  	s0 =	simm.s32 $0x0;
	[sflag:s9] =	ssyncadd.s32 $0xFFFFD8F0  }
0x19: {  	[tilespmem:s12], [sflag:$0x1] =	stream.indirect.gather [hbm4b:s3+s11], $0x80, s0, s11, $0xb8;
	[tilespmem:$0x11700] =	vst v63  }
0x1a: {  	s1 =	simm.s32 $0x50  }
0x1b: {  	[tilespmem:s13], [sflag:$0x2] =	stream.indirect.gather [hbm4b:s3+s11], $0x80, s1, s11, $0xb8;
	[tilespmem:$0x11700] =	vst v63  }
0x1c: {  	s1 =	simm.s32 $0xA0  }
0x1d: {  	[tilespmem:s14], [sflag:$0x3] =	stream.indirect.gather [hbm4b:s3+s11], $0x80, s1, s11, $0xb8;
	[tilespmem:$0x11700] =	vst v63  }
0x1e: {  	s1 =	simm.s32 $0xF0  }
0x1f: {  	[tilespmem:s15], [sflag:$0x4] =	stream.indirect.gather [hbm4b:s3+s11], $0x80, s1, s11, $0xb8;
	[tilespmem:$0x11700] =	vst v63  }
0x20: {  	s1 =	simm.s32 $0x140  }
0x21: {  	[tilespmem:s16], [sflag:$0x5] =	stream.indirect.gather [hbm4b:s3+s11], $0x80, s1, s11, $0xb8;
	[tilespmem:$0x11700] =	vst v63  }
0x22: {  	_ =	swait.ge [sflag:s17], $0x2800  }
0x23: {  	[sflag:s17] =	ssyncset.done $0x0  }
0x24: {  	s1 =	simm.s32 $0x2780;
	[sflag:s17] =	ssyncadd.s32 $0xFFFFD800  }
0x25: {  	[tilespmem:s12], [sflag:$0x6] =	stream.indirect.gather.add.f32 [hbm:s4], $0x80, s1, s11, $0xb8;
	[tilespmem:$0x11700] =	vst v63  }
0x26: {  	_ =	swait.ge [sflag:s18], $0x2800  }
0x27: {  	[sflag:s18] =	ssyncset.done $0x0  }
0x28: {  	s1 =	simm.s32 $0x27D0;
	[sflag:s18] =	ssyncadd.s32 $0xFFFFD800  }
0x29: {  	[tilespmem:s13], [sflag:$0x7] =	stream.indirect.gather.add.f32 [hbm:s4], $0x80, s1, s11, $0xb8;
	[tilespmem:$0x11700] =	vst v63  }
0x2a: {  	_ =	swait.ge [sflag:s19], $0x2800  }
0x2b: {  	[sflag:s19] =	ssyncset.done $0x0  }
0x2c: {  	s1 =	simm.s32 $0x2820;
	[sflag:s19] =	ssyncadd.s32 $0xFFFFD800  }
0x2d: {  	[tilespmem:s14], [sflag:$0x8] =	stream.indirect.gather.add.f32 [hbm:s4], $0x80, s1, s11, $0xb8;
	[tilespmem:$0x11700] =	vst v63  }
0x2e: {  	_ =	swait.ge [sflag:s20], $0x2800  }
0x2f: {  	[sflag:s20] =	ssyncset.done $0x0  }
0x30: {  	s1 =	simm.s32 $0x2870;
	[sflag:s20] =	ssyncadd.s32 $0xFFFFD800  }
0x31: {  	[tilespmem:s15], [sflag:$0x9] =	stream.indirect.gather.add.f32 [hbm:s4], $0x80, s1, s11, $0xb8;
	[tilespmem:$0x11700] =	vst v63  }
0x32: {  	_ =	swait.ge [sflag:s21], $0x2800  }
0x33: {  	[sflag:s21] =	ssyncset.done $0x0  }
0x34: {  	s1 =	simm.s32 $0x28C0;
	[sflag:s21] =	ssyncadd.s32 $0xFFFFD800  }
0x35: {  	[tilespmem:s16], [sflag:$0xA] =	stream.indirect.gather.add.f32 [hbm:s4], $0x80, s1, s11, $0xb8;
	[tilespmem:$0x11700] =	vst v63  }
0x36: {  	_ =	swait.ge [sflag:s22], $0x2800  }
0x37: {  	[sflag:s22] =	ssyncset.done $0x0  }
0x38: {  	s1 =	sadd.s32 $0xFFFFEC00, s8;
	[sflag:s22] =	ssyncadd.s32 $0xFFFFD800  }
0x39: {  	[hbm4b:s1+s2] =	stream.linear.scatter [tilespmem:s12], [sflag:$0x1], $0x2800, $0x38;
	[tilespmem:$0x11700] =	vst v63  }
0x3a: {  	_ =	swait.ge [sflag:s23], $0x2800  }
0x3b: {  	[sflag:s23] =	ssyncset.done $0x0  }
0x3c: {  	s1 =	sadd.s32 $0xFFFFF100, s8;
	[sflag:s23] =	ssyncadd.s32 $0xFFFFD800  }
0x3d: {  	[hbm4b:s1+s2] =	stream.linear.scatter [tilespmem:s13], [sflag:$0x2], $0x2800, $0x38;
	[tilespmem:$0x11700] =	vst v63  }
0x3e: {  	_ =	swait.ge [sflag:s24], $0x2800  }
0x3f: {  	[sflag:s24] =	ssyncset.done $0x0  }
0x40: {  	s1 =	sadd.s32 $0xFFFFF600, s8;
	[sflag:s24] =	ssyncadd.s32 $0xFFFFD800  }
0x41: {  	[hbm4b:s1+s2] =	stream.linear.scatter [tilespmem:s14], [sflag:$0x3], $0x2800, $0x38;
	[tilespmem:$0x11700] =	vst v63  }
0x42: {  	_ =	swait.ge [sflag:s25], $0x2800  }
0x43: {  	[sflag:s25] =	ssyncset.done $0x0  }
0x44: {  	s1 =	sadd.s32 $0xFFFFFB00, s8;
	[sflag:s25] =	ssyncadd.s32 $0xFFFFD800  }
0x45: {  	[hbm4b:s1+s2] =	stream.linear.scatter [tilespmem:s15], [sflag:$0x4], $0x2800, $0x38;
	[tilespmem:$0x11700] =	vst v63  }
0x46: {  	_ =	swait.ge [sflag:s26], $0x2800  }
0x47: {  	[sflag:s26] =	ssyncset.done $0x0  }
0x48: {  	[sflag:s26] =	ssyncadd.s32 $0xFFFFD800  }
0x49: {  	[hbm4b:s8+s2] =	stream.linear.scatter [tilespmem:s16], [sflag:$0x5], $0x2800, $0x38;
	[tilespmem:$0x11700] =	vst v63  }
0x4a: {  	_ =	swait.ge [sflag:s17], $0x2800  }
0x4b: {  	[sflag:s17] =	ssyncset.done $0x0  }
0x4c: {  	[sflag:s17] =	ssyncadd.s32 $0xFFFFD800  }
0x4d: {  	_ =	swait.ge [sflag:s18], $0x2800  }
0x4e: {  	[sflag:s18] =	ssyncset.done $0x0  }
0x4f: {  	[sflag:s18] =	ssyncadd.s32 $0xFFFFD800  }
0x50: {  	_ =	swait.ge [sflag:s19], $0x2800  }
0x51: {  	[sflag:s19] =	ssyncset.done $0x0  }
0x52: {  	[sflag:s19] =	ssyncadd.s32 $0xFFFFD800  }
0x53: {  	_ =	swait.ge [sflag:s20], $0x2800  }
0x54: {  	[sflag:s20] =	ssyncset.done $0x0  }
0x55: {  	[sflag:s20] =	ssyncadd.s32 $0xFFFFD800  }
0x56: {  	s30 =	simm.s32 $0x640;
	_ =	swait.ge [sflag:s21], $0x2800  }
0x57: {  	s31 =	simm.s32 $0xC80;
	s29 =	sadd.s32 $0x1900, s8;
	[sflag:s21] =	ssyncset.done $0x0  }
.LBB2_2:
0x58: {  	s0 =	sshra.s32 s30, $0x2  }
0x59: {  	[sflag:s21] =	ssyncadd.s32 $0xFFFFD800;
	s30 =	smov.u32 s31;
	s1 =	sadd.s32 $0x640, s31  }
0x5a: {  	[tilespmem:s12], [sflag:$0x1] =	stream.indirect.gather [hbm4b:s3+s11], $0x80, s0, s11, $0xb8;
	[tilespmem:$0x11700] =	vst v63  }
0x5b: {  	p0 =	sne.s32 s31, $0x9600;
	s31 =	sadd.s32 $0x50, s0  }
0x5c: {  	[tilespmem:s13], [sflag:$0x2] =	stream.indirect.gather [hbm4b:s3+s11], $0x80, s31, s11, $0xb8;
	[tilespmem:$0x11700] =	vst v63  }
0x5d: {  	s31 =	sadd.s32 $0xA0, s0  }
0x5e: {  	[tilespmem:s14], [sflag:$0x3] =	stream.indirect.gather [hbm4b:s3+s11], $0x80, s31, s11, $0xb8;
	[tilespmem:$0x11700] =	vst v63  }
0x5f: {  	s31 =	sadd.s32 $0xF0, s0  }
0x60: {  	[tilespmem:s15], [sflag:$0x4] =	stream.indirect.gather [hbm4b:s3+s11], $0x80, s31, s11, $0xb8;
	[tilespmem:$0x11700] =	vst v63  }
0x61: {  	s31 =	sadd.s32 $0x140, s0  }
0x62: {  	[tilespmem:s16], [sflag:$0x5] =	stream.indirect.gather [hbm4b:s3+s11], $0x80, s31, s11, $0xb8;
	[tilespmem:$0x11700] =	vst v63  }
0x63: {  	_ =	swait.ge [sflag:s17], $0x2800  }
0x64: {  	[sflag:s17] =	ssyncset.done $0x0  }
0x65: {  	s31 =	sadd.s32 $0x2780, s0;
	[sflag:s17] =	ssyncadd.s32 $0xFFFFD800  }
0x66: {  	[tilespmem:s12], [sflag:$0x6] =	stream.indirect.gather.add.f32 [hbm:s4], $0x80, s31, s11, $0xb8;
	[tilespmem:$0x11700] =	vst v63  }
0x67: {  	_ =	swait.ge [sflag:s18], $0x2800  }
0x68: {  	[sflag:s18] =	ssyncset.done $0x0  }
0x69: {  	s31 =	sadd.s32 $0x27D0, s0;
	[sflag:s18] =	ssyncadd.s32 $0xFFFFD800  }
0x6a: {  	[tilespmem:s13], [sflag:$0x7] =	stream.indirect.gather.add.f32 [hbm:s4], $0x80, s31, s11, $0xb8;
	[tilespmem:$0x11700] =	vst v63  }
0x6b: {  	_ =	swait.ge [sflag:s19], $0x2800  }
0x6c: {  	[sflag:s19] =	ssyncset.done $0x0  }
0x6d: {  	s31 =	sadd.s32 $0x2820, s0;
	[sflag:s19] =	ssyncadd.s32 $0xFFFFD800  }
0x6e: {  	[tilespmem:s14], [sflag:$0x8] =	stream.indirect.gather.add.f32 [hbm:s4], $0x80, s31, s11, $0xb8;
	[tilespmem:$0x11700] =	vst v63  }
0x6f: {  	_ =	swait.ge [sflag:s20], $0x2800  }
0x70: {  	[sflag:s20] =	ssyncset.done $0x0  }
0x71: {  	s31 =	sadd.s32 $0x2870, s0;
	[sflag:s20] =	ssyncadd.s32 $0xFFFFD800  }
0x72: {  	[tilespmem:s15], [sflag:$0x9] =	stream.indirect.gather.add.f32 [hbm:s4], $0x80, s31, s11, $0xb8;
	[tilespmem:$0x11700] =	vst v63  }
0x73: {  	_ =	swait.ge [sflag:s21], $0x2800  }
0x74: {  	[sflag:s21] =	ssyncset.done $0x0  }
0x75: {  	s0 =	sadd.s32 $0x28C0, s0;
	[sflag:s21] =	ssyncadd.s32 $0xFFFFD800  }
0x76: {  	[tilespmem:s16], [sflag:$0xA] =	stream.indirect.gather.add.f32 [hbm:s4], $0x80, s0, s11, $0xb8;
	[tilespmem:$0x11700] =	vst v63  }
0x77: {  	_ =	swait.ge [sflag:s22], $0x2800  }
0x78: {  	[sflag:s22] =	ssyncset.done $0x0  }
0x79: {  	s0 =	sadd.s32 $0xFFFFEC00, s29;
	[sflag:s22] =	ssyncadd.s32 $0xFFFFD800  }
0x7a: {  	[hbm4b:s0+s2] =	stream.linear.scatter [tilespmem:s12], [sflag:$0x1], $0x2800, $0x38;
	[tilespmem:$0x11700] =	vst v63  }
0x7b: {  	_ =	swait.ge [sflag:s23], $0x2800  }
0x7c: {  	[sflag:s23] =	ssyncset.done $0x0  }
0x7d: {  	s0 =	sadd.s32 $0xFFFFF100, s29;
	[sflag:s23] =	ssyncadd.s32 $0xFFFFD800  }
0x7e: {  	[hbm4b:s0+s2] =	stream.linear.scatter [tilespmem:s13], [sflag:$0x2], $0x2800, $0x38;
	[tilespmem:$0x11700] =	vst v63  }
0x7f: {  	_ =	swait.ge [sflag:s24], $0x2800  }
0x80: {  	[sflag:s24] =	ssyncset.done $0x0  }
0x81: {  	s0 =	sadd.s32 $0xFFFFF600, s29;
	[sflag:s24] =	ssyncadd.s32 $0xFFFFD800  }
0x82: {  	[hbm4b:s0+s2] =	stream.linear.scatter [tilespmem:s14], [sflag:$0x3], $0x2800, $0x38;
	[tilespmem:$0x11700] =	vst v63  }
0x83: {  	_ =	swait.ge [sflag:s25], $0x2800  }
0x84: {  	[sflag:s25] =	ssyncset.done $0x0  }
0x85: {  	s0 =	sadd.s32 $0xFFFFFB00, s29;
	[sflag:s25] =	ssyncadd.s32 $0xFFFFD800  }
0x86: {  	[hbm4b:s0+s2] =	stream.linear.scatter [tilespmem:s15], [sflag:$0x4], $0x2800, $0x38;
	[tilespmem:$0x11700] =	vst v63  }
0x87: {  	_ =	swait.ge [sflag:s26], $0x2800  }
0x88: {  	[sflag:s26] =	ssyncset.done $0x0  }
0x89: {  	[sflag:s26] =	ssyncadd.s32 $0xFFFFD800  }
0x8a: {  	[hbm4b:s29+s2] =	stream.linear.scatter [tilespmem:s16], [sflag:$0x5], $0x2800, $0x38;
	[tilespmem:$0x11700] =	vst v63  }
0x8b: {  	_ =	swait.ge [sflag:s17], $0x2800  }
0x8c: {  	[sflag:s17] =	ssyncset.done $0x0  }
0x8d: {  	[sflag:s17] =	ssyncadd.s32 $0xFFFFD800  }
0x8e: {  	_ =	swait.ge [sflag:s18], $0x2800  }
0x8f: {  	[sflag:s18] =	ssyncset.done $0x0  }
0x90: {  	[sflag:s18] =	ssyncadd.s32 $0xFFFFD800  }
0x91: {  	_ =	swait.ge [sflag:s19], $0x2800  }
0x92: {  	[sflag:s19] =	ssyncset.done $0x0  }
0x93: {  	[sflag:s19] =	ssyncadd.s32 $0xFFFFD800  }
.Ltmp0:
0x94: {  	_ =	swait.ge [sflag:s20], $0x2800;
	(pc) =	sbr.rel @p0 .LBB2_2-.Ltmp0, $4  }
0x95: {  	[sflag:s20] =	ssyncset.done $0x0  }
0x96: {  	[sflag:s20] =	ssyncadd.s32 $0xFFFFD800  }
0x97: {  	_ =	swait.ge [sflag:s21], $0x2800  }
0x98: {  	s31 =	smov.u32 s1;
	s29 =	sadd.s32 $0x1900, s29;
	[sflag:s21] =	ssyncset.done $0x0  }
0x99: {  	s0 =	sshra.s32 s30, $0x2;
	[sflag:s21] =	ssyncadd.s32 $0xFFFFD800  }
0x9a: {  	[tilespmem:s12], [sflag:$0x1] =	stream.indirect.gather [hbm4b:s3+s11], $0x80, s0, s11, $0xb8;
	[tilespmem:$0x11700] =	vst v63  }
0x9b: {  	s1 =	sadd.s32 $0x50, s0  }
0x9c: {  	[tilespmem:s13], [sflag:$0x2] =	stream.indirect.gather [hbm4b:s3+s11], $0x80, s1, s11, $0xb8;
	[tilespmem:$0x11700] =	vst v63  }
0x9d: {  	s30 =	sadd.s32 $0xA0, s0  }
0x9e: {  	[tilespmem:s14], [sflag:$0x3] =	stream.indirect.gather [hbm4b:s3+s11], $0x80, s30, s11, $0xb8;
	[tilespmem:$0x11700] =	vst v63  }
0x9f: {  	s31 =	sadd.s32 $0xF0, s0  }
0xa0: {  	[tilespmem:s15], [sflag:$0x4] =	stream.indirect.gather [hbm4b:s3+s11], $0x80, s31, s11, $0xb8;
	[tilespmem:$0x11700] =	vst v63  }
0xa1: {  	s30 =	sadd.s32 $0x140, s0  }
0xa2: {  	[tilespmem:s16], [sflag:$0x5] =	stream.indirect.gather [hbm4b:s3+s11], $0x80, s30, s11, $0xb8;
	[tilespmem:$0x11700] =	vst v63  }
0xa3: {  	_ =	swait.ge [sflag:s17], $0x2800  }
0xa4: {  	[sflag:s17] =	ssyncset.done $0x0  }
0xa5: {  	s31 =	sadd.s32 $0x2780, s0;
	[sflag:s17] =	ssyncadd.s32 $0xFFFFD800  }
0xa6: {  	[tilespmem:s12], [sflag:$0x6] =	stream.indirect.gather.add.f32 [hbm:s4], $0x80, s31, s11, $0xb8;
	[tilespmem:$0x11700] =	vst v63  }
0xa7: {  	_ =	swait.ge [sflag:s18], $0x2800  }
0xa8: {  	[sflag:s18] =	ssyncset.done $0x0  }
0xa9: {  	s30 =	sadd.s32 $0x27D0, s0;
	[sflag:s18] =	ssyncadd.s32 $0xFFFFD800  }
0xaa: {  	[tilespmem:s13], [sflag:$0x7] =	stream.indirect.gather.add.f32 [hbm:s4], $0x80, s30, s11, $0xb8;
	[tilespmem:$0x11700] =	vst v63  }
0xab: {  	_ =	swait.ge [sflag:s19], $0x2800  }
0xac: {  	[sflag:s19] =	ssyncset.done $0x0  }
0xad: {  	s31 =	sadd.s32 $0x2820, s0;
	[sflag:s19] =	ssyncadd.s32 $0xFFFFD800  }
0xae: {  	[tilespmem:s14], [sflag:$0x8] =	stream.indirect.gather.add.f32 [hbm:s4], $0x80, s31, s11, $0xb8;
	[tilespmem:$0x11700] =	vst v63  }
0xaf: {  	_ =	swait.ge [sflag:s20], $0x2800  }
0xb0: {  	[sflag:s20] =	ssyncset.done $0x0  }
0xb1: {  	s30 =	sadd.s32 $0x2870, s0;
	[sflag:s20] =	ssyncadd.s32 $0xFFFFD800  }
0xb2: {  	[tilespmem:s15], [sflag:$0x9] =	stream.indirect.gather.add.f32 [hbm:s4], $0x80, s30, s11, $0xb8;
	[tilespmem:$0x11700] =	vst v63  }
0xb3: {  	_ =	swait.ge [sflag:s21], $0x2800  }
0xb4: {  	[sflag:s21] =	ssyncset.done $0x0  }
0xb5: {  	s0 =	sadd.s32 $0x28C0, s0;
	[sflag:s21] =	ssyncadd.s32 $0xFFFFD800  }
0xb6: {  	[tilespmem:s16], [sflag:$0xA] =	stream.indirect.gather.add.f32 [hbm:s4], $0x80, s0, s11, $0xb8;
	[tilespmem:$0x11700] =	vst v63  }
0xb7: {  	_ =	swait.ge [sflag:s22], $0x2800  }
0xb8: {  	[sflag:s22] =	ssyncset.done $0x0  }
0xb9: {  	s31 =	sadd.s32 $0xFFFFEC00, s29;
	[sflag:s22] =	ssyncadd.s32 $0xFFFFD800  }
0xba: {  	[hbm4b:s31+s2] =	stream.linear.scatter [tilespmem:s12], [sflag:$0x1], $0x2800, $0x38;
	[tilespmem:$0x11700] =	vst v63  }
0xbb: {  	_ =	swait.ge [sflag:s23], $0x2800  }
0xbc: {  	[sflag:s23] =	ssyncset.done $0x0  }
0xbd: {  	s1 =	sadd.s32 $0xFFFFF100, s29;
	[sflag:s23] =	ssyncadd.s32 $0xFFFFD800  }
0xbe: {  	[hbm4b:s1+s2] =	stream.linear.scatter [tilespmem:s13], [sflag:$0x2], $0x2800, $0x38;
	[tilespmem:$0x11700] =	vst v63  }
0xbf: {  	_ =	swait.ge [sflag:s24], $0x2800  }
0xc0: {  	[sflag:s24] =	ssyncset.done $0x0  }
0xc1: {  	s30 =	sadd.s32 $0xFFFFF600, s29;
	[sflag:s24] =	ssyncadd.s32 $0xFFFFD800  }
0xc2: {  	[hbm4b:s30+s2] =	stream.linear.scatter [tilespmem:s14], [sflag:$0x3], $0x2800, $0x38;
	[tilespmem:$0x11700] =	vst v63  }
0xc3: {  	_ =	swait.ge [sflag:s25], $0x2800  }
0xc4: {  	[sflag:s25] =	ssyncset.done $0x0  }
0xc5: {  	s31 =	sadd.s32 $0xFFFFFB00, s29;
	[sflag:s25] =	ssyncadd.s32 $0xFFFFD800  }
0xc6: {  	[hbm4b:s31+s2] =	stream.linear.scatter [tilespmem:s15], [sflag:$0x4], $0x2800, $0x38;
	[tilespmem:$0x11700] =	vst v63  }
0xc7: {  	_ =	swait.ge [sflag:s26], $0x2800  }
0xc8: {  	[sflag:s26] =	ssyncset.done $0x0  }
0xc9: {  	[sflag:s26] =	ssyncadd.s32 $0xFFFFD800  }
0xca: {  	[hbm4b:s29+s2] =	stream.linear.scatter [tilespmem:s16], [sflag:$0x5], $0x2800, $0x38;
	[tilespmem:$0x11700] =	vst v63  }
0xcb: {  	_ =	swait.ge [sflag:s17], $0x2800  }
0xcc: {  	[sflag:s17] =	ssyncset.done $0x0  }
0xcd: {  	[sflag:s17] =	ssyncadd.s32 $0xFFFFD800  }
0xce: {  	_ =	swait.ge [sflag:s18], $0x2800  }
0xcf: {  	[sflag:s18] =	ssyncset.done $0x0  }
0xd0: {  	[sflag:s18] =	ssyncadd.s32 $0xFFFFD800  }
0xd1: {  	_ =	swait.ge [sflag:s19], $0x2800  }
0xd2: {  	[sflag:s19] =	ssyncset.done $0x0  }
0xd3: {  	s28 =	sadd.s32 $0x1, s28;
	[sflag:s19] =	ssyncadd.s32 $0xFFFFD800  }
0xd4: {  	p0 =	sne.s32 s28, s7;
	_ =	swait.ge [sflag:s20], $0x2800  }
.Ltmp1:
0xd5: {  	[sflag:s20] =	ssyncset.done $0x0;
	(pc) =	sbr.rel @p0 .LBB2_1-.Ltmp1, $4  }
0xd6: {  	[sflag:s20] =	ssyncadd.s32 $0xFFFFD800  }
0xd7: {  	_ =	swait.ge [sflag:s21], $0x2800  }
0xd8: {  	[sflag:s21] =	ssyncset.done $0x0  }
0xd9: {  	[sflag:s21] =	ssyncadd.s32 $0xFFFFD800  }
0xda: {  	_ =	sfence.sel $0x180000  }
0xdb: {  	[bflag:$0x0] =	sbarrier.arrive $0xFFFF  }
0xdc: {  	_ =	strace $0x90000050  }
0xdd: {  	s0 =	stileid.u32;
	[bflag:$0x2] =	sbarrier.arrive $0xFFFF  }
0xde: {  	p0 =	sne.s32 s0, $0x0;
	s0 =	rddreg [dreg:$0x2]  }
0xdf: {  	s0 =	sadd.s32 @!p0 $0x100000, s0  }
0xe0: {  	[sflag:s0] =	ssyncadd.tile.s32 @!p0 $0x1;
	_ =	shalt  }
.Lfunc_end2:
_tile_overlayer_lowered:
.L_overlay_start_2:
0xe1: {  	(tag) =	ssettag $0x2  }
0xe2: {  	s0 =	rddreg [dreg:$0x0];
	s2 =	stileid.u32  }
0xe3: {  	s1 =	rddreg [dreg:$0x1];
	p0 =	sne.s32 s2, $0x0  }
0xe4: {  	s3 =	rddreg [dreg:$0x2];
	[bflag:$0x3] =	sbarrier.arrive $0xFFFF;
	s2 =	simm.s32 @!p0 $0x1C0B  }
0xe5: {  	[timem:s3], [sflag:s2] =	dma.local @!p0 [hbm:s0], s1  }
0xe6: {  	s0 =	simm.s32 @!p0 $0xB  }
0xe7: {  	_ =	swait.ge @!p0 [sflag:s0], s1  }
0xe8: {  	s1 =	ssub.s32 @!p0 $0x0, s1;
	[sflag:s0] =	ssyncset.done @!p0 $0x0  }
0xe9: {  	[sflag:s0] =	ssyncadd.s32 @!p0 s1  }
0xea: {  	[bflag:$0x3] =	sbarrier.arrive $0xFFFF  }
0xeb: {  	_ =	shalt  }

</sc_bundles>
